<compile_context>
chip_gen: v7x
topology: tpu7x:2x2x1
jax: 0.10.2.dev20260603
libtpu: 0.0.44.dev20260713+nightly
codegen_flags: <defaults>
</compile_context>

<pallas_src>
import functools

import jax
import jax.numpy as jnp
from jax import lax
from jax.experimental import pallas as pl
from jax.experimental.pallas import tpu as pltpu
from jax.experimental.pallas import tpu_sc as plsc

N = 10000
NP = 10240
E = 160000
EP = 172032
NTILES = 32
NCHUNK = EP // NTILES // 128
ROWS_PT = NP // 16
D_FEAT = 128
D_HID = 2048
D_OUT = 64
BLK = 512
GRID = NP // BLK
MBLK = 2048

_SC_PARAMS = pltpu.CompilerParams(use_tc_tiling_on_sc=False)


@functools.cache
def _make_deg():
    @functools.partial(
        pl.kernel,
        out_type=jax.ShapeDtypeStruct((2, NP, 16), jnp.float32),
        mesh=plsc.VectorSubcoreMesh(core_axis_name="c", subcore_axis_name="s"),
        compiler_params=_SC_PARAMS,
        scratch_types=[
            pltpu.VMEM((NCHUNK, 128), jnp.int32),
            pltpu.VMEM((128, 16), jnp.float32),
            pltpu.VMEM_SHARED((NP, 16), jnp.float32),
            pltpu.SemaphoreType.DMA,
        ],
    )
    def deg_kernel(edges_hbm, ones_hbm, zeros_hbm, out_hbm, dst_v, ones_v,
                   acc, sem_s):
        cid = lax.axis_index("c")
        sid = lax.axis_index("s")
        wid = cid * 16 + sid
        pltpu.sync_copy(zeros_hbm.at[pl.ds(sid * ROWS_PT, ROWS_PT)],
                        acc.at[pl.ds(sid * ROWS_PT, ROWS_PT)])
        pltpu.sync_copy(edges_hbm.at[1, wid], dst_v)
        pltpu.sync_copy(ones_hbm, ones_v)
        plsc.subcore_barrier()
        for b in range(6):
            pltpu.async_copy(ones_v, acc.at[dst_v.at[b]], sem_s, add=True)

        def body(g, carry):
            c = 6 * g
            for b in range(6):
                pltpu.make_async_copy(ones_v, acc.at[dst_v.at[0]], sem_s).wait()
                pltpu.async_copy(ones_v, acc.at[dst_v.at[c + 6 + b]], sem_s,
                                 add=True)
            return carry

        lax.fori_loop(0, NCHUNK // 6 - 1, body, 0)
        for b in range(6):
            pltpu.make_async_copy(ones_v, acc.at[dst_v.at[0]], sem_s).wait()
        plsc.subcore_barrier()
        pltpu.sync_copy(acc.at[pl.ds(sid * ROWS_PT, ROWS_PT)],
                        out_hbm.at[cid, pl.ds(sid * ROWS_PT, ROWS_PT)])

    return deg_kernel


@functools.cache
def _make_agg(depth, ch, ss):
    nch = EP // NTILES // ch

    @functools.partial(
        pl.kernel,
        out_type=jax.ShapeDtypeStruct((2, NP, depth), jnp.float32),
        mesh=plsc.VectorSubcoreMesh(core_axis_name="c", subcore_axis_name="s"),
        compiler_params=_SC_PARAMS,
        scratch_types=[
            pltpu.VMEM((nch, ch), jnp.int32),
            pltpu.VMEM((nch, ch), jnp.int32),
            [pltpu.VMEM((ch, depth), jnp.float32) for _ in range(2 * ss)],
            pltpu.VMEM_SHARED((NP, depth), jnp.float32),
            pltpu.SemaphoreType.DMA,
            pltpu.SemaphoreType.DMA,
            pltpu.SemaphoreType.DMA,
            pltpu.SemaphoreType.DMA,
        ],
    )
    def agg(edges_hbm, feat_hbm, zeros_hbm, out_hbm,
            src_v, dst_v, bufs, acc, sem_ga, sem_gb, sem_sa, sem_sb):
        cid = lax.axis_index("c")
        sid = lax.axis_index("s")
        wid = cid * 16 + sid
        buf_a, buf_b = bufs[0:ss], bufs[ss:2 * ss]

        @pl.when(cid == 0)
        def _():
            pltpu.sync_copy(feat_hbm.at[pl.ds(sid * ROWS_PT, ROWS_PT)],
                            acc.at[pl.ds(sid * ROWS_PT, ROWS_PT)])

        @pl.when(cid == 1)
        def _():
            pltpu.sync_copy(zeros_hbm.at[pl.ds(sid * ROWS_PT, ROWS_PT)],
                            acc.at[pl.ds(sid * ROWS_PT, ROWS_PT)])

        pltpu.sync_copy(edges_hbm.at[0, wid], src_v)
        pltpu.sync_copy(edges_hbm.at[1, wid], dst_v)
        for b in range(ss):
            pltpu.async_copy(feat_hbm.at[src_v.at[b]], buf_a[b], sem_ga)
        for b in range(ss):
            pltpu.async_copy(feat_hbm.at[src_v.at[ss + b]], buf_b[b], sem_gb)
        plsc.subcore_barrier()

        def body(g, carry):
            c = 2 * ss * g
            for b in range(ss):
                pltpu.make_async_copy(feat_hbm.at[src_v.at[0]], buf_a[b],
                                      sem_ga).wait()
                pltpu.async_copy(buf_a[b], acc.at[dst_v.at[c + b]], sem_sa,
                                 add=True)
            for b in range(ss):
                pltpu.make_async_copy(feat_hbm.at[src_v.at[0]], buf_b[b],
                                      sem_gb).wait()
                pltpu.async_copy(buf_b[b], acc.at[dst_v.at[c + ss + b]],
                                 sem_sb, add=True)
            for b in range(ss):
                pltpu.make_async_copy(buf_a[b], acc.at[dst_v.at[0]],
                                      sem_sa).wait()
            for b in range(ss):
                nxt = jnp.minimum(c + 2 * ss + b, nch - 1)
                pltpu.async_copy(feat_hbm.at[src_v.at[nxt]], buf_a[b], sem_ga)
            for b in range(ss):
                pltpu.make_async_copy(buf_b[b], acc.at[dst_v.at[0]],
                                      sem_sb).wait()
            for b in range(ss):
                nxt = jnp.minimum(c + 3 * ss + b, nch - 1)
                pltpu.async_copy(feat_hbm.at[src_v.at[nxt]], buf_b[b], sem_gb)
            return carry

        lax.fori_loop(0, nch // (2 * ss), body, 0)
        for b in range(ss):
            pltpu.make_async_copy(feat_hbm.at[src_v.at[0]], buf_a[b],
                                  sem_ga).wait()
            pltpu.make_async_copy(feat_hbm.at[src_v.at[0]], buf_b[b],
                                  sem_gb).wait()
        plsc.subcore_barrier()
        pltpu.sync_copy(acc.at[pl.ds(sid * ROWS_PT, ROWS_PT)],
                        out_hbm.at[cid, pl.ds(sid * ROWS_PT, ROWS_PT)])

    return agg



def _scale_body(d_ref, x_ref, s_ref, xs_ref):
    deg = d_ref[0][:, 0:1] + d_ref[1][:, 0:1] + 1.0
    s = lax.rsqrt(deg)
    s_ref[...] = s
    xs_ref[0:N] = x_ref[...] * s[0:N]
    xs_ref[N:NP] = jnp.zeros((NP - N, D_FEAT), jnp.float32)


def _mlp_body(a_ref, s_ref, w1_ref, b1_ref, w2_ref, ps_ref):
    s = s_ref[...]
    hin = (a_ref[0] + a_ref[1]) * s
    h = jnp.dot(hin, w1_ref[...], preferred_element_type=jnp.float32)
    h = jnp.maximum(h + b1_ref[...], 0.0)
    p = jnp.dot(h, w2_ref[...], preferred_element_type=jnp.float32)
    ps_ref[...] = p * s


def _out_body(a_ref, s_ref, b2_ref, o_ref):
    o_ref[...] = ((a_ref[0, :N] + a_ref[1, :N]) * s_ref[:N] + b2_ref[...])


def kernel(x, edge_index, W1, b1, W2, b2):
    padi = (jnp.arange(EP - E, dtype=jnp.int32) % (NP - N)) + N
    edges = jnp.concatenate(
        [edge_index, jnp.broadcast_to(padi[None, :], (2, EP - E))], axis=1)
    edges1 = edges.reshape(2, NTILES, EP // NTILES // 64, 64)
    edges2 = edges.reshape(2, NTILES, NCHUNK, 128)
    zf = jnp.zeros((NP, D_FEAT), jnp.float32)
    z16 = jnp.zeros((NP, 16), jnp.float32)
    zo = jnp.zeros((NP, D_OUT), jnp.float32)

    deg = _make_deg()(edges2, jnp.ones((128, 16), jnp.float32), z16)

    s_col, xs = pl.pallas_call(
        _scale_body,
        out_shape=[
            jax.ShapeDtypeStruct((NP, 1), jnp.float32),
            jax.ShapeDtypeStruct((NP, D_FEAT), jnp.float32),
        ],
    )(deg, x)

    agg1 = _make_agg(D_FEAT, 64, 2)(edges1, xs, zf)

    ps = pl.pallas_call(
        _mlp_body,
        grid=(NP // MBLK,),
        in_specs=[
            pl.BlockSpec((2, MBLK, D_FEAT), lambda i: (0, i, 0)),
            pl.BlockSpec((MBLK, 1), lambda i: (i, 0)),
            pl.BlockSpec((D_FEAT, D_HID), lambda i: (0, 0)),
            pl.BlockSpec((1, D_HID), lambda i: (0, 0)),
            pl.BlockSpec((D_HID, D_OUT), lambda i: (0, 0)),
        ],
        out_specs=pl.BlockSpec((MBLK, D_OUT), lambda i: (i, 0)),
        out_shape=jax.ShapeDtypeStruct((NP, D_OUT), jnp.float32),
    )(agg1, s_col, W1, b1.reshape(1, D_HID), W2)

    agg2 = _make_agg(D_OUT, 128, 3)(edges2, ps, zo)

    out = pl.pallas_call(
        _out_body,
        out_shape=jax.ShapeDtypeStruct((N, D_OUT), jnp.float32),
    )(agg2, s_col, b2.reshape(1, D_OUT))

    return out

# --- scband reference (transcript-rebuilt; emitter-appended) ---
"""Pipeline reference for scband-gcnnode-classifier-48473000903026 (READ-ONLY COPY).

The authoritative reference and input builder live on the scoring server;
editing this copy changes nothing except your own understanding.
"""

import jax, jax.numpy as jnp
import numpy as np

N = 10000
E = 160000
D_FEAT = 128
D_HID = 2048
N_CLASSES = 64


def _gcn_conv(x, edge_index, W, b):
    # PyG-style GCNConv: linear transform, add self-loops, symmetric normalization, scatter-add
    h = x @ W
    src = edge_index[0]
    dst = edge_index[1]
    loop = jnp.arange(N, dtype=src.dtype)
    src2 = jnp.concatenate([src, loop])
    dst2 = jnp.concatenate([dst, loop])
    deg = jnp.zeros((N,), dtype=h.dtype).at[dst2].add(1.0)
    dinv = jnp.where(deg > 0, jax.lax.rsqrt(deg), 0.0)
    norm = dinv[src2] * dinv[dst2]
    msg = h[src2] * norm[:, None]
    out = jax.ops.segment_sum(msg, dst2, num_segments=N)
    return out + b


def setup_inputs(seed: int = 0) -> dict:
    key = jax.random.key(seed)
    k1, k2, k3, k4, k5, k6 = jax.random.split(key, 6)
    x = jax.random.normal(k1, (N, D_FEAT), dtype=jnp.float32)
    edge_index = jax.random.randint(k2, (2, E), 0, N, dtype=jnp.int32)
    W1 = jax.random.normal(k3, (D_FEAT, D_HID), dtype=jnp.float32) * (1.0 / np.sqrt(D_FEAT))
    b1 = jnp.zeros((D_HID,), dtype=jnp.float32)
    W2 = jax.random.normal(k4, (D_HID, N_CLASSES), dtype=jnp.float32) * (1.0 / np.sqrt(D_HID))
    b2 = jnp.zeros((N_CLASSES,), dtype=jnp.float32)
    return {"x": x, "edge_index": edge_index, "W1": W1, "b1": b1, "W2": W2, "b2": b2}


def reference(x, edge_index, W1, b1, W2, b2):
    # num_layers=2 -> one hidden GCNConv + final GCNConv; drop_edge=1.0 keeps all edges (no-op)
    h = _gcn_conv(x, edge_index, W1, b1)
    h = jax.nn.relu(h)
    out = _gcn_conv(h, edge_index, W2, b2)
    return out

if __name__ == "__main__":
    import jax
    _d = setup_inputs()
    print(jax.jit(kernel)(*tuple(_d.values())))

</pallas_src>

<mosaic_0001>
#map = affine_map<(d0, d1) -> (0, 0, 0, 0)>
#map1 = affine_map<(d0, d1) -> (0, 0)>
#map2 = affine_map<(d0, d1) -> (0, 0, 0)>
module attributes {stable_mosaic.version = 14 : i64} {
  func.func @deg_kernel(%arg0: i32, %arg1: i32, %arg2: memref<2x32x42x128xi32, #tpu.memory_space<hbm>>, %arg3: memref<128x16xf32, #tpu.memory_space<hbm>>, %arg4: memref<10240x16xf32, #tpu.memory_space<hbm>>, %arg5: memref<2x10240x16xf32, #tpu.memory_space<hbm>>, %arg6: memref<42x128xi32, #tpu.memory_space<vmem>>, %arg7: memref<128x16xf32, #tpu.memory_space<vmem>>, %arg8: memref<10240x16xf32, #tpu.memory_space<vmem_shared>>, %arg9: memref<!tpu.dma_semaphore, #tpu.memory_space<semaphore_mem>>) attributes {dimension_semantics = [#tpu.dimension_semantics<core_parallel>, #tpu.dimension_semantics<subcore_parallel>], iteration_bounds = array<i64: 2, 16>, scalar_prefetch = 0 : i64, scratch_operands = 4 : i64, tpu.core_type = #tpu.core_type<sc_vector_subcore>, window_params = [{transform_indices = #map}, {transform_indices = #map1}, {transform_indices = #map1}, {transform_indices = #map2}]} {
    %mul3A = arith.constant 16 : i32
    %mul3A_0 = arith.muli %arg0, %mul3A : i32
    %add3A = arith.addi %mul3A_0, %arg1 : i32
    %mul3A_1 = arith.constant 640 : i32
    %mul3A_2 = arith.muli %arg1, %mul3A_1 : i32
    %mul3A_3 = arith.constant 640 : i32
    %mul3A_4 = arith.muli %arg1, %mul3A_3 : i32
    "tpu.region"() ({
      %run_scoped3A_97 = tpu.sem_alloc : memref<!tpu.dma_semaphore, #tpu.memory_space<semaphore_mem>>
      %dma_start3A_98 = arith.constant 0 : i32
      %dma_start3A_99 = tpu.memref_slice %arg8[%mul3A_4, %dma_start3A_98] : memref<10240x16xf32, #tpu.memory_space<vmem_shared>> -> memref<640x16xf32, #tpu.memory_space<vmem_shared>>
      %dma_start3A_100 = arith.constant 0 : i32
      %dma_start3A_101 = tpu.memref_slice %arg4[%mul3A_2, %dma_start3A_100] : memref<10240x16xf32, #tpu.memory_space<hbm>> -> memref<640x16xf32, #tpu.memory_space<hbm>>
      tpu.enqueue_dma source(%dma_start3A_101 : memref<640x16xf32, #tpu.memory_space<hbm>>) target(%dma_start3A_99 : memref<640x16xf32, #tpu.memory_space<vmem_shared>>) target_semaphore(%run_scoped3A_97 : memref<!tpu.dma_semaphore, #tpu.memory_space<semaphore_mem>>)
      %dma_wait3A_102 = arith.constant 0 : i32
      %dma_wait3A_103 = tpu.memref_slice %arg8[%mul3A_4, %dma_wait3A_102] : memref<10240x16xf32, #tpu.memory_space<vmem_shared>> -> memref<640x16xf32, #tpu.memory_space<vmem_shared>>
      %dma_wait3A_104 = arith.constant 0 : i32
      %dma_wait3A_105 = tpu.memref_slice %arg4[%mul3A_2, %dma_wait3A_104] : memref<10240x16xf32, #tpu.memory_space<hbm>> -> memref<640x16xf32, #tpu.memory_space<hbm>>
      tpu.wait_dma2 semaphore(%run_scoped3A_97 : memref<!tpu.dma_semaphore, #tpu.memory_space<semaphore_mem>>) src(%dma_wait3A_105 : memref<640x16xf32, #tpu.memory_space<hbm>>) dst(%dma_wait3A_103 : memref<640x16xf32, #tpu.memory_space<vmem_shared>>)
      tpu.yield
    }) : () -> ()
    %run_scoped3A = arith.constant 1 : i32
    "tpu.region"() ({
      %run_scoped3A_97 = tpu.sem_alloc : memref<!tpu.dma_semaphore, #tpu.memory_space<semaphore_mem>>
      %dma_start3A_98 = arith.constant 0 : i32
      %dma_start3A_99 = arith.constant 0 : i32
      %dma_start3A_100 = tpu.memref_slice %arg2[%run_scoped3A, %add3A, %dma_start3A_98, %dma_start3A_99] : memref<2x32x42x128xi32, #tpu.memory_space<hbm>> -> memref<1x1x42x128xi32, #tpu.memory_space<hbm>>
      %dma_start3A_101 = tpu.memref_squeeze %dma_start3A_100 : memref<1x1x42x128xi32, #tpu.memory_space<hbm>> -> memref<42x128xi32, #tpu.memory_space<hbm>>
      %dma_start3A_102 = arith.constant 0 : i32
      %dma_start3A_103 = arith.constant 0 : i32
      %dma_start3A_104 = tpu.memref_slice %arg2[%run_scoped3A, %add3A, %dma_start3A_102, %dma_start3A_103] : memref<2x32x42x128xi32, #tpu.memory_space<hbm>> -> memref<1x1x42x128xi32, #tpu.memory_space<hbm>>
      %dma_start3A_105 = tpu.memref_squeeze %dma_start3A_104 : memref<1x1x42x128xi32, #tpu.memory_space<hbm>> -> memref<42x128xi32, #tpu.memory_space<hbm>>
      tpu.enqueue_dma source(%dma_start3A_105 : memref<42x128xi32, #tpu.memory_space<hbm>>) target(%arg6 : memref<42x128xi32, #tpu.memory_space<vmem>>) target_semaphore(%run_scoped3A_97 : memref<!tpu.dma_semaphore, #tpu.memory_space<semaphore_mem>>)
      %dma_wait3A_106 = arith.constant 0 : i32
      %dma_wait3A_107 = arith.constant 0 : i32
      %dma_wait3A_108 = tpu.memref_slice %arg2[%run_scoped3A, %add3A, %dma_wait3A_106, %dma_wait3A_107] : memref<2x32x42x128xi32, #tpu.memory_space<hbm>> -> memref<1x1x42x128xi32, #tpu.memory_space<hbm>>
      %dma_wait3A_109 = tpu.memref_squeeze %dma_wait3A_108 : memref<1x1x42x128xi32, #tpu.memory_space<hbm>> -> memref<42x128xi32, #tpu.memory_space<hbm>>
      %dma_wait3A_110 = arith.constant 0 : i32
      %dma_wait3A_111 = arith.constant 0 : i32
      %dma_wait3A_112 = tpu.memref_slice %arg2[%run_scoped3A, %add3A, %dma_wait3A_110, %dma_wait3A_111] : memref<2x32x42x128xi32, #tpu.memory_space<hbm>> -> memref<1x1x42x128xi32, #tpu.memory_space<hbm>>
      %dma_wait3A_113 = tpu.memref_squeeze %dma_wait3A_112 : memref<1x1x42x128xi32, #tpu.memory_space<hbm>> -> memref<42x128xi32, #tpu.memory_space<hbm>>
      tpu.wait_dma2 semaphore(%run_scoped3A_97 : memref<!tpu.dma_semaphore, #tpu.memory_space<semaphore_mem>>) src(%dma_wait3A_113 : memref<42x128xi32, #tpu.memory_space<hbm>>) dst(%arg6 : memref<42x128xi32, #tpu.memory_space<vmem>>)
      tpu.yield
    }) : () -> ()
    "tpu.region"() ({
      %run_scoped3A_97 = tpu.sem_alloc : memref<!tpu.dma_semaphore, #tpu.memory_space<semaphore_mem>>
      tpu.enqueue_dma source(%arg3 : memref<128x16xf32, #tpu.memory_space<hbm>>) target(%arg7 : memref<128x16xf32, #tpu.memory_space<vmem>>) target_semaphore(%run_scoped3A_97 : memref<!tpu.dma_semaphore, #tpu.memory_space<semaphore_mem>>)
      tpu.wait_dma2 semaphore(%run_scoped3A_97 : memref<!tpu.dma_semaphore, #tpu.memory_space<semaphore_mem>>) src(%arg3 : memref<128x16xf32, #tpu.memory_space<hbm>>) dst(%arg7 : memref<128x16xf32, #tpu.memory_space<vmem>>)
      tpu.yield
    }) : () -> ()
    %barrier3A = arith.constant 0 : index
    tpu.barrier barrier_id(%barrier3A)
    %dma_start3A = arith.constant 0 : i32
    %dma_start3A_5 = arith.constant 0 : i32
    %dma_start3A_6 = tpu.memref_slice %arg6[%dma_start3A, %dma_start3A_5] : memref<42x128xi32, #tpu.memory_space<vmem>> -> memref<1x128xi32, #tpu.memory_space<vmem>>
    %dma_start3A_7 = tpu.memref_squeeze %dma_start3A_6 : memref<1x128xi32, #tpu.memory_space<vmem>> -> memref<128xi32, #tpu.memory_space<vmem>>
    %dma_start3A_8 = arith.constant 0 : i32
    %dma_start3A_9 = arith.constant 0 : i32
    %dma_start3A_10 = tpu.memref_slice %arg8[%dma_start3A_8, %dma_start3A_9] : memref<10240x16xf32, #tpu.memory_space<vmem_shared>> -> memref<10240x16xf32, #tpu.memory_space<vmem_shared>>
    tpu.enqueue_indirect_dma source(%arg7 : memref<128x16xf32, #tpu.memory_space<vmem>>) target(%dma_start3A_10 : memref<10240x16xf32, #tpu.memory_space<vmem_shared>>) offsets(%dma_start3A_7 : memref<128xi32, #tpu.memory_space<vmem>>) semaphore(%arg9 : memref<!tpu.dma_semaphore, #tpu.memory_space<semaphore_mem>>) {add = true}
    %dma_start3A_11 = arith.constant 1 : i32
    %dma_start3A_12 = arith.constant 0 : i32
    %dma_start3A_13 = tpu.memref_slice %arg6[%dma_start3A_11, %dma_start3A_12] : memref<42x128xi32, #tpu.memory_space<vmem>> -> memref<1x128xi32, #tpu.memory_space<vmem>>
    %dma_start3A_14 = tpu.memref_squeeze %dma_start3A_13 : memref<1x128xi32, #tpu.memory_space<vmem>> -> memref<128xi32, #tpu.memory_space<vmem>>
    %dma_start3A_15 = arith.constant 0 : i32
    %dma_start3A_16 = arith.constant 0 : i32
    %dma_start3A_17 = tpu.memref_slice %arg8[%dma_start3A_15, %dma_start3A_16] : memref<10240x16xf32, #tpu.memory_space<vmem_shared>> -> memref<10240x16xf32, #tpu.memory_space<vmem_shared>>
    tpu.enqueue_indirect_dma source(%arg7 : memref<128x16xf32, #tpu.memory_space<vmem>>) target(%dma_start3A_17 : memref<10240x16xf32, #tpu.memory_space<vmem_shared>>) offsets(%dma_start3A_14 : memref<128xi32, #tpu.memory_space<vmem>>) semaphore(%arg9 : memref<!tpu.dma_semaphore, #tpu.memory_space<semaphore_mem>>) {add = true}
    %dma_start3A_18 = arith.constant 2 : i32
    %dma_start3A_19 = arith.constant 0 : i32
    %dma_start3A_20 = tpu.memref_slice %arg6[%dma_start3A_18, %dma_start3A_19] : memref<42x128xi32, #tpu.memory_space<vmem>> -> memref<1x128xi32, #tpu.memory_space<vmem>>
    %dma_start3A_21 = tpu.memref_squeeze %dma_start3A_20 : memref<1x128xi32, #tpu.memory_space<vmem>> -> memref<128xi32, #tpu.memory_space<vmem>>
    %dma_start3A_22 = arith.constant 0 : i32
    %dma_start3A_23 = arith.constant 0 : i32
    %dma_start3A_24 = tpu.memref_slice %arg8[%dma_start3A_22, %dma_start3A_23] : memref<10240x16xf32, #tpu.memory_space<vmem_shared>> -> memref<10240x16xf32, #tpu.memory_space<vmem_shared>>
    tpu.enqueue_indirect_dma source(%arg7 : memref<128x16xf32, #tpu.memory_space<vmem>>) target(%dma_start3A_24 : memref<10240x16xf32, #tpu.memory_space<vmem_shared>>) offsets(%dma_start3A_21 : memref<128xi32, #tpu.memory_space<vmem>>) semaphore(%arg9 : memref<!tpu.dma_semaphore, #tpu.memory_space<semaphore_mem>>) {add = true}
    %dma_start3A_25 = arith.constant 3 : i32
    %dma_start3A_26 = arith.constant 0 : i32
    %dma_start3A_27 = tpu.memref_slice %arg6[%dma_start3A_25, %dma_start3A_26] : memref<42x128xi32, #tpu.memory_space<vmem>> -> memref<1x128xi32, #tpu.memory_space<vmem>>
    %dma_start3A_28 = tpu.memref_squeeze %dma_start3A_27 : memref<1x128xi32, #tpu.memory_space<vmem>> -> memref<128xi32, #tpu.memory_space<vmem>>
    %dma_start3A_29 = arith.constant 0 : i32
    %dma_start3A_30 = arith.constant 0 : i32
    %dma_start3A_31 = tpu.memref_slice %arg8[%dma_start3A_29, %dma_start3A_30] : memref<10240x16xf32, #tpu.memory_space<vmem_shared>> -> memref<10240x16xf32, #tpu.memory_space<vmem_shared>>
    tpu.enqueue_indirect_dma source(%arg7 : memref<128x16xf32, #tpu.memory_space<vmem>>) target(%dma_start3A_31 : memref<10240x16xf32, #tpu.memory_space<vmem_shared>>) offsets(%dma_start3A_28 : memref<128xi32, #tpu.memory_space<vmem>>) semaphore(%arg9 : memref<!tpu.dma_semaphore, #tpu.memory_space<semaphore_mem>>) {add = true}
    %dma_start3A_32 = arith.constant 4 : i32
    %dma_start3A_33 = arith.constant 0 : i32
    %dma_start3A_34 = tpu.memref_slice %arg6[%dma_start3A_32, %dma_start3A_33] : memref<42x128xi32, #tpu.memory_space<vmem>> -> memref<1x128xi32, #tpu.memory_space<vmem>>
    %dma_start3A_35 = tpu.memref_squeeze %dma_start3A_34 : memref<1x128xi32, #tpu.memory_space<vmem>> -> memref<128xi32, #tpu.memory_space<vmem>>
    %dma_start3A_36 = arith.constant 0 : i32
    %dma_start3A_37 = arith.constant 0 : i32
    %dma_start3A_38 = tpu.memref_slice %arg8[%dma_start3A_36, %dma_start3A_37] : memref<10240x16xf32, #tpu.memory_space<vmem_shared>> -> memref<10240x16xf32, #tpu.memory_space<vmem_shared>>
    tpu.enqueue_indirect_dma source(%arg7 : memref<128x16xf32, #tpu.memory_space<vmem>>) target(%dma_start3A_38 : memref<10240x16xf32, #tpu.memory_space<vmem_shared>>) offsets(%dma_start3A_35 : memref<128xi32, #tpu.memory_space<vmem>>) semaphore(%arg9 : memref<!tpu.dma_semaphore, #tpu.memory_space<semaphore_mem>>) {add = true}
    %dma_start3A_39 = arith.constant 5 : i32
    %dma_start3A_40 = arith.constant 0 : i32
    %dma_start3A_41 = tpu.memref_slice %arg6[%dma_start3A_39, %dma_start3A_40] : memref<42x128xi32, #tpu.memory_space<vmem>> -> memref<1x128xi32, #tpu.memory_space<vmem>>
    %dma_start3A_42 = tpu.memref_squeeze %dma_start3A_41 : memref<1x128xi32, #tpu.memory_space<vmem>> -> memref<128xi32, #tpu.memory_space<vmem>>
    %dma_start3A_43 = arith.constant 0 : i32
    %dma_start3A_44 = arith.constant 0 : i32
    %dma_start3A_45 = tpu.memref_slice %arg8[%dma_start3A_43, %dma_start3A_44] : memref<10240x16xf32, #tpu.memory_space<vmem_shared>> -> memref<10240x16xf32, #tpu.memory_space<vmem_shared>>
    tpu.enqueue_indirect_dma source(%arg7 : memref<128x16xf32, #tpu.memory_space<vmem>>) target(%dma_start3A_45 : memref<10240x16xf32, #tpu.memory_space<vmem_shared>>) offsets(%dma_start3A_42 : memref<128xi32, #tpu.memory_space<vmem>>) semaphore(%arg9 : memref<!tpu.dma_semaphore, #tpu.memory_space<semaphore_mem>>) {add = true}
    %scan3A = arith.constant 0 : i32
    %scan3A_46 = arith.constant 0 : i32
    %scan3A_47 = arith.constant 6 : i32
    %scan3A_48 = arith.addi %scan3A_46, %scan3A_47 : i32
    %scan3A_49 = arith.constant 1 : i32
    scf.for %scan3A_97 = %scan3A_46 to %scan3A_48 step %scan3A_49  : i32 {
      %mul3A_98 = arith.constant 6 : i32
      %mul3A_99 = arith.muli %mul3A_98, %scan3A_97 : i32
      %dma_wait3A_100 = arith.constant 0 : i32
      %dma_wait3A_101 = arith.constant 0 : i32
      %dma_wait3A_102 = tpu.memref_slice %arg6[%dma_wait3A_100, %dma_wait3A_101] : memref<42x128xi32, #tpu.memory_space<vmem>> -> memref<1x128xi32, #tpu.memory_space<vmem>>
      %dma_wait3A_103 = tpu.memref_squeeze %dma_wait3A_102 : memref<1x128xi32, #tpu.memory_space<vmem>> -> memref<128xi32, #tpu.memory_space<vmem>>
      %dma_wait3A_104 = arith.constant 0 : i32
      %dma_wait3A_105 = arith.constant 0 : i32
      %dma_wait3A_106 = tpu.memref_slice %arg8[%dma_wait3A_104, %dma_wait3A_105] : memref<10240x16xf32, #tpu.memory_space<vmem_shared>> -> memref<10240x16xf32, #tpu.memory_space<vmem_shared>>
      tpu.wait_indirect_dma semaphore(%arg9 : memref<!tpu.dma_semaphore, #tpu.memory_space<semaphore_mem>>) src(%arg7 : memref<128x16xf32, #tpu.memory_space<vmem>>) dst(%dma_wait3A_106 : memref<10240x16xf32, #tpu.memory_space<vmem_shared>>)
      %add3A_107 = arith.constant 6 : i32
      %add3A_108 = arith.addi %mul3A_99, %add3A_107 : i32
      %add3A_109 = arith.constant 0 : i32
      %add3A_110 = arith.addi %add3A_108, %add3A_109 : i32
      %dma_start3A_111 = arith.constant 0 : i32
      %dma_start3A_112 = tpu.memref_slice %arg6[%add3A_110, %dma_start3A_111] : memref<42x128xi32, #tpu.memory_space<vmem>> -> memref<1x128xi32, #tpu.memory_space<vmem>>
      %dma_start3A_113 = tpu.memref_squeeze %dma_start3A_112 : memref<1x128xi32, #tpu.memory_space<vmem>> -> memref<128xi32, #tpu.memory_space<vmem>>
      %dma_start3A_114 = arith.constant 0 : i32
      %dma_start3A_115 = arith.constant 0 : i32
      %dma_start3A_116 = tpu.memref_slice %arg8[%dma_start3A_114, %dma_start3A_115] : memref<10240x16xf32, #tpu.memory_space<vmem_shared>> -> memref<10240x16xf32, #tpu.memory_space<vmem_shared>>
      tpu.enqueue_indirect_dma source(%arg7 : memref<128x16xf32, #tpu.memory_space<vmem>>) target(%dma_start3A_116 : memref<10240x16xf32, #tpu.memory_space<vmem_shared>>) offsets(%dma_start3A_113 : memref<128xi32, #tpu.memory_space<vmem>>) semaphore(%arg9 : memref<!tpu.dma_semaphore, #tpu.memory_space<semaphore_mem>>) {add = true}
      %dma_wait3A_117 = arith.constant 0 : i32
      %dma_wait3A_118 = arith.constant 0 : i32
      %dma_wait3A_119 = tpu.memref_slice %arg6[%dma_wait3A_117, %dma_wait3A_118] : memref<42x128xi32, #tpu.memory_space<vmem>> -> memref<1x128xi32, #tpu.memory_space<vmem>>
      %dma_wait3A_120 = tpu.memref_squeeze %dma_wait3A_119 : memref<1x128xi32, #tpu.memory_space<vmem>> -> memref<128xi32, #tpu.memory_space<vmem>>
      %dma_wait3A_121 = arith.constant 0 : i32
      %dma_wait3A_122 = arith.constant 0 : i32
      %dma_wait3A_123 = tpu.memref_slice %arg8[%dma_wait3A_121, %dma_wait3A_122] : memref<10240x16xf32, #tpu.memory_space<vmem_shared>> -> memref<10240x16xf32, #tpu.memory_space<vmem_shared>>
      tpu.wait_indirect_dma semaphore(%arg9 : memref<!tpu.dma_semaphore, #tpu.memory_space<semaphore_mem>>) src(%arg7 : memref<128x16xf32, #tpu.memory_space<vmem>>) dst(%dma_wait3A_123 : memref<10240x16xf32, #tpu.memory_space<vmem_shared>>)
      %add3A_124 = arith.constant 6 : i32
      %add3A_125 = arith.addi %mul3A_99, %add3A_124 : i32
      %add3A_126 = arith.constant 1 : i32
      %add3A_127 = arith.addi %add3A_125, %add3A_126 : i32
      %dma_start3A_128 = arith.constant 0 : i32
      %dma_start3A_129 = tpu.memref_slice %arg6[%add3A_127, %dma_start3A_128] : memref<42x128xi32, #tpu.memory_space<vmem>> -> memref<1x128xi32, #tpu.memory_space<vmem>>
      %dma_start3A_130 = tpu.memref_squeeze %dma_start3A_129 : memref<1x128xi32, #tpu.memory_space<vmem>> -> memref<128xi32, #tpu.memory_space<vmem>>
      %dma_start3A_131 = arith.constant 0 : i32
      %dma_start3A_132 = arith.constant 0 : i32
      %dma_start3A_133 = tpu.memref_slice %arg8[%dma_start3A_131, %dma_start3A_132] : memref<10240x16xf32, #tpu.memory_space<vmem_shared>> -> memref<10240x16xf32, #tpu.memory_space<vmem_shared>>
      tpu.enqueue_indirect_dma source(%arg7 : memref<128x16xf32, #tpu.memory_space<vmem>>) target(%dma_start3A_133 : memref<10240x16xf32, #tpu.memory_space<vmem_shared>>) offsets(%dma_start3A_130 : memref<128xi32, #tpu.memory_space<vmem>>) semaphore(%arg9 : memref<!tpu.dma_semaphore, #tpu.memory_space<semaphore_mem>>) {add = true}
      %dma_wait3A_134 = arith.constant 0 : i32
      %dma_wait3A_135 = arith.constant 0 : i32
      %dma_wait3A_136 = tpu.memref_slice %arg6[%dma_wait3A_134, %dma_wait3A_135] : memref<42x128xi32, #tpu.memory_space<vmem>> -> memref<1x128xi32, #tpu.memory_space<vmem>>
      %dma_wait3A_137 = tpu.memref_squeeze %dma_wait3A_136 : memref<1x128xi32, #tpu.memory_space<vmem>> -> memref<128xi32, #tpu.memory_space<vmem>>
      %dma_wait3A_138 = arith.constant 0 : i32
      %dma_wait3A_139 = arith.constant 0 : i32
      %dma_wait3A_140 = tpu.memref_slice %arg8[%dma_wait3A_138, %dma_wait3A_139] : memref<10240x16xf32, #tpu.memory_space<vmem_shared>> -> memref<10240x16xf32, #tpu.memory_space<vmem_shared>>
      tpu.wait_indirect_dma semaphore(%arg9 : memref<!tpu.dma_semaphore, #tpu.memory_space<semaphore_mem>>) src(%arg7 : memref<128x16xf32, #tpu.memory_space<vmem>>) dst(%dma_wait3A_140 : memref<10240x16xf32, #tpu.memory_space<vmem_shared>>)
      %add3A_141 = arith.constant 6 : i32
      %add3A_142 = arith.addi %mul3A_99, %add3A_141 : i32
      %add3A_143 = arith.constant 2 : i32
      %add3A_144 = arith.addi %add3A_142, %add3A_143 : i32
      %dma_start3A_145 = arith.constant 0 : i32
      %dma_start3A_146 = tpu.memref_slice %arg6[%add3A_144, %dma_start3A_145] : memref<42x128xi32, #tpu.memory_space<vmem>> -> memref<1x128xi32, #tpu.memory_space<vmem>>
      %dma_start3A_147 = tpu.memref_squeeze %dma_start3A_146 : memref<1x128xi32, #tpu.memory_space<vmem>> -> memref<128xi32, #tpu.memory_space<vmem>>
      %dma_start3A_148 = arith.constant 0 : i32
      %dma_start3A_149 = arith.constant 0 : i32
      %dma_start3A_150 = tpu.memref_slice %arg8[%dma_start3A_148, %dma_start3A_149] : memref<10240x16xf32, #tpu.memory_space<vmem_shared>> -> memref<10240x16xf32, #tpu.memory_space<vmem_shared>>
      tpu.enqueue_indirect_dma source(%arg7 : memref<128x16xf32, #tpu.memory_space<vmem>>) target(%dma_start3A_150 : memref<10240x16xf32, #tpu.memory_space<vmem_shared>>) offsets(%dma_start3A_147 : memref<128xi32, #tpu.memory_space<vmem>>) semaphore(%arg9 : memref<!tpu.dma_semaphore, #tpu.memory_space<semaphore_mem>>) {add = true}
      %dma_wait3A_151 = arith.constant 0 : i32
      %dma_wait3A_152 = arith.constant 0 : i32
      %dma_wait3A_153 = tpu.memref_slice %arg6[%dma_wait3A_151, %dma_wait3A_152] : memref<42x128xi32, #tpu.memory_space<vmem>> -> memref<1x128xi32, #tpu.memory_space<vmem>>
      %dma_wait3A_154 = tpu.memref_squeeze %dma_wait3A_153 : memref<1x128xi32, #tpu.memory_space<vmem>> -> memref<128xi32, #tpu.memory_space<vmem>>
      %dma_wait3A_155 = arith.constant 0 : i32
      %dma_wait3A_156 = arith.constant 0 : i32
      %dma_wait3A_157 = tpu.memref_slice %arg8[%dma_wait3A_155, %dma_wait3A_156] : memref<10240x16xf32, #tpu.memory_space<vmem_shared>> -> memref<10240x16xf32, #tpu.memory_space<vmem_shared>>
      tpu.wait_indirect_dma semaphore(%arg9 : memref<!tpu.dma_semaphore, #tpu.memory_space<semaphore_mem>>) src(%arg7 : memref<128x16xf32, #tpu.memory_space<vmem>>) dst(%dma_wait3A_157 : memref<10240x16xf32, #tpu.memory_space<vmem_shared>>)
      %add3A_158 = arith.constant 6 : i32
      %add3A_159 = arith.addi %mul3A_99, %add3A_158 : i32
      %add3A_160 = arith.constant 3 : i32
      %add3A_161 = arith.addi %add3A_159, %add3A_160 : i32
      %dma_start3A_162 = arith.constant 0 : i32
      %dma_start3A_163 = tpu.memref_slice %arg6[%add3A_161, %dma_start3A_162] : memref<42x128xi32, #tpu.memory_space<vmem>> -> memref<1x128xi32, #tpu.memory_space<vmem>>
      %dma_start3A_164 = tpu.memref_squeeze %dma_start3A_163 : memref<1x128xi32, #tpu.memory_space<vmem>> -> memref<128xi32, #tpu.memory_space<vmem>>
      %dma_start3A_165 = arith.constant 0 : i32
      %dma_start3A_166 = arith.constant 0 : i32
      %dma_start3A_167 = tpu.memref_slice %arg8[%dma_start3A_165, %dma_start3A_166] : memref<10240x16xf32, #tpu.memory_space<vmem_shared>> -> memref<10240x16xf32, #tpu.memory_space<vmem_shared>>
      tpu.enqueue_indirect_dma source(%arg7 : memref<128x16xf32, #tpu.memory_space<vmem>>) target(%dma_start3A_167 : memref<10240x16xf32, #tpu.memory_space<vmem_shared>>) offsets(%dma_start3A_164 : memref<128xi32, #tpu.memory_space<vmem>>) semaphore(%arg9 : memref<!tpu.dma_semaphore, #tpu.memory_space<semaphore_mem>>) {add = true}
      %dma_wait3A_168 = arith.constant 0 : i32
      %dma_wait3A_169 = arith.constant 0 : i32
      %dma_wait3A_170 = tpu.memref_slice %arg6[%dma_wait3A_168, %dma_wait3A_169] : memref<42x128xi32, #tpu.memory_space<vmem>> -> memref<1x128xi32, #tpu.memory_space<vmem>>
      %dma_wait3A_171 = tpu.memref_squeeze %dma_wait3A_170 : memref<1x128xi32, #tpu.memory_space<vmem>> -> memref<128xi32, #tpu.memory_space<vmem>>
      %dma_wait3A_172 = arith.constant 0 : i32
      %dma_wait3A_173 = arith.constant 0 : i32
      %dma_wait3A_174 = tpu.memref_slice %arg8[%dma_wait3A_172, %dma_wait3A_173] : memref<10240x16xf32, #tpu.memory_space<vmem_shared>> -> memref<10240x16xf32, #tpu.memory_space<vmem_shared>>
      tpu.wait_indirect_dma semaphore(%arg9 : memref<!tpu.dma_semaphore, #tpu.memory_space<semaphore_mem>>) src(%arg7 : memref<128x16xf32, #tpu.memory_space<vmem>>) dst(%dma_wait3A_174 : memref<10240x16xf32, #tpu.memory_space<vmem_shared>>)
      %add3A_175 = arith.constant 6 : i32
      %add3A_176 = arith.addi %mul3A_99, %add3A_175 : i32
      %add3A_177 = arith.constant 4 : i32
      %add3A_178 = arith.addi %add3A_176, %add3A_177 : i32
      %dma_start3A_179 = arith.constant 0 : i32
      %dma_start3A_180 = tpu.memref_slice %arg6[%add3A_178, %dma_start3A_179] : memref<42x128xi32, #tpu.memory_space<vmem>> -> memref<1x128xi32, #tpu.memory_space<vmem>>
      %dma_start3A_181 = tpu.memref_squeeze %dma_start3A_180 : memref<1x128xi32, #tpu.memory_space<vmem>> -> memref<128xi32, #tpu.memory_space<vmem>>
      %dma_start3A_182 = arith.constant 0 : i32
      %dma_start3A_183 = arith.constant 0 : i32
      %dma_start3A_184 = tpu.memref_slice %arg8[%dma_start3A_182, %dma_start3A_183] : memref<10240x16xf32, #tpu.memory_space<vmem_shared>> -> memref<10240x16xf32, #tpu.memory_space<vmem_shared>>
      tpu.enqueue_indirect_dma source(%arg7 : memref<128x16xf32, #tpu.memory_space<vmem>>) target(%dma_start3A_184 : memref<10240x16xf32, #tpu.memory_space<vmem_shared>>) offsets(%dma_start3A_181 : memref<128xi32, #tpu.memory_space<vmem>>) semaphore(%arg9 : memref<!tpu.dma_semaphore, #tpu.memory_space<semaphore_mem>>) {add = true}
      %dma_wait3A_185 = arith.constant 0 : i32
      %dma_wait3A_186 = arith.constant 0 : i32
      %dma_wait3A_187 = tpu.memref_slice %arg6[%dma_wait3A_185, %dma_wait3A_186] : memref<42x128xi32, #tpu.memory_space<vmem>> -> memref<1x128xi32, #tpu.memory_space<vmem>>
      %dma_wait3A_188 = tpu.memref_squeeze %dma_wait3A_187 : memref<1x128xi32, #tpu.memory_space<vmem>> -> memref<128xi32, #tpu.memory_space<vmem>>
      %dma_wait3A_189 = arith.constant 0 : i32
      %dma_wait3A_190 = arith.constant 0 : i32
      %dma_wait3A_191 = tpu.memref_slice %arg8[%dma_wait3A_189, %dma_wait3A_190] : memref<10240x16xf32, #tpu.memory_space<vmem_shared>> -> memref<10240x16xf32, #tpu.memory_space<vmem_shared>>
      tpu.wait_indirect_dma semaphore(%arg9 : memref<!tpu.dma_semaphore, #tpu.memory_space<semaphore_mem>>) src(%arg7 : memref<128x16xf32, #tpu.memory_space<vmem>>) dst(%dma_wait3A_191 : memref<10240x16xf32, #tpu.memory_space<vmem_shared>>)
      %add3A_192 = arith.constant 6 : i32
      %add3A_193 = arith.addi %mul3A_99, %add3A_192 : i32
      %add3A_194 = arith.constant 5 : i32
      %add3A_195 = arith.addi %add3A_193, %add3A_194 : i32
      %dma_start3A_196 = arith.constant 0 : i32
      %dma_start3A_197 = tpu.memref_slice %arg6[%add3A_195, %dma_start3A_196] : memref<42x128xi32, #tpu.memory_space<vmem>> -> memref<1x128xi32, #tpu.memory_space<vmem>>
      %dma_start3A_198 = tpu.memref_squeeze %dma_start3A_197 : memref<1x128xi32, #tpu.memory_space<vmem>> -> memref<128xi32, #tpu.memory_space<vmem>>
      %dma_start3A_199 = arith.constant 0 : i32
      %dma_start3A_200 = arith.constant 0 : i32
      %dma_start3A_201 = tpu.memref_slice %arg8[%dma_start3A_199, %dma_start3A_200] : memref<10240x16xf32, #tpu.memory_space<vmem_shared>> -> memref<10240x16xf32, #tpu.memory_space<vmem_shared>>
      tpu.enqueue_indirect_dma source(%arg7 : memref<128x16xf32, #tpu.memory_space<vmem>>) target(%dma_start3A_201 : memref<10240x16xf32, #tpu.memory_space<vmem_shared>>) offsets(%dma_start3A_198 : memref<128xi32, #tpu.memory_space<vmem>>) semaphore(%arg9 : memref<!tpu.dma_semaphore, #tpu.memory_space<semaphore_mem>>) {add = true}
    }
    %scan3A_50 = arith.constant 6 : i32
    %dma_wait3A = arith.constant 0 : i32
    %dma_wait3A_51 = arith.constant 0 : i32
    %dma_wait3A_52 = tpu.memref_slice %arg6[%dma_wait3A, %dma_wait3A_51] : memref<42x128xi32, #tpu.memory_space<vmem>> -> memref<1x128xi32, #tpu.memory_space<vmem>>
    %dma_wait3A_53 = tpu.memref_squeeze %dma_wait3A_52 : memref<1x128xi32, #tpu.memory_space<vmem>> -> memref<128xi32, #tpu.memory_space<vmem>>
    %dma_wait3A_54 = arith.constant 0 : i32
    %dma_wait3A_55 = arith.constant 0 : i32
    %dma_wait3A_56 = tpu.memref_slice %arg8[%dma_wait3A_54, %dma_wait3A_55] : memref<10240x16xf32, #tpu.memory_space<vmem_shared>> -> memref<10240x16xf32, #tpu.memory_space<vmem_shared>>
    tpu.wait_indirect_dma semaphore(%arg9 : memref<!tpu.dma_semaphore, #tpu.memory_space<semaphore_mem>>) src(%arg7 : memref<128x16xf32, #tpu.memory_space<vmem>>) dst(%dma_wait3A_56 : memref<10240x16xf32, #tpu.memory_space<vmem_shared>>)
    %dma_wait3A_57 = arith.constant 0 : i32
    %dma_wait3A_58 = arith.constant 0 : i32
    %dma_wait3A_59 = tpu.memref_slice %arg6[%dma_wait3A_57, %dma_wait3A_58] : memref<42x128xi32, #tpu.memory_space<vmem>> -> memref<1x128xi32, #tpu.memory_space<vmem>>
    %dma_wait3A_60 = tpu.memref_squeeze %dma_wait3A_59 : memref<1x128xi32, #tpu.memory_space<vmem>> -> memref<128xi32, #tpu.memory_space<vmem>>
    %dma_wait3A_61 = arith.constant 0 : i32
    %dma_wait3A_62 = arith.constant 0 : i32
    %dma_wait3A_63 = tpu.memref_slice %arg8[%dma_wait3A_61, %dma_wait3A_62] : memref<10240x16xf32, #tpu.memory_space<vmem_shared>> -> memref<10240x16xf32, #tpu.memory_space<vmem_shared>>
    tpu.wait_indirect_dma semaphore(%arg9 : memref<!tpu.dma_semaphore, #tpu.memory_space<semaphore_mem>>) src(%arg7 : memref<128x16xf32, #tpu.memory_space<vmem>>) dst(%dma_wait3A_63 : memref<10240x16xf32, #tpu.memory_space<vmem_shared>>)
    %dma_wait3A_64 = arith.constant 0 : i32
    %dma_wait3A_65 = arith.constant 0 : i32
    %dma_wait3A_66 = tpu.memref_slice %arg6[%dma_wait3A_64, %dma_wait3A_65] : memref<42x128xi32, #tpu.memory_space<vmem>> -> memref<1x128xi32, #tpu.memory_space<vmem>>
    %dma_wait3A_67 = tpu.memref_squeeze %dma_wait3A_66 : memref<1x128xi32, #tpu.memory_space<vmem>> -> memref<128xi32, #tpu.memory_space<vmem>>
    %dma_wait3A_68 = arith.constant 0 : i32
    %dma_wait3A_69 = arith.constant 0 : i32
    %dma_wait3A_70 = tpu.memref_slice %arg8[%dma_wait3A_68, %dma_wait3A_69] : memref<10240x16xf32, #tpu.memory_space<vmem_shared>> -> memref<10240x16xf32, #tpu.memory_space<vmem_shared>>
    tpu.wait_indirect_dma semaphore(%arg9 : memref<!tpu.dma_semaphore, #tpu.memory_space<semaphore_mem>>) src(%arg7 : memref<128x16xf32, #tpu.memory_space<vmem>>) dst(%dma_wait3A_70 : memref<10240x16xf32, #tpu.memory_space<vmem_shared>>)
    %dma_wait3A_71 = arith.constant 0 : i32
    %dma_wait3A_72 = arith.constant 0 : i32
    %dma_wait3A_73 = tpu.memref_slice %arg6[%dma_wait3A_71, %dma_wait3A_72] : memref<42x128xi32, #tpu.memory_space<vmem>> -> memref<1x128xi32, #tpu.memory_space<vmem>>
    %dma_wait3A_74 = tpu.memref_squeeze %dma_wait3A_73 : memref<1x128xi32, #tpu.memory_space<vmem>> -> memref<128xi32, #tpu.memory_space<vmem>>
    %dma_wait3A_75 = arith.constant 0 : i32
    %dma_wait3A_76 = arith.constant 0 : i32
    %dma_wait3A_77 = tpu.memref_slice %arg8[%dma_wait3A_75, %dma_wait3A_76] : memref<10240x16xf32, #tpu.memory_space<vmem_shared>> -> memref<10240x16xf32, #tpu.memory_space<vmem_shared>>
    tpu.wait_indirect_dma semaphore(%arg9 : memref<!tpu.dma_semaphore, #tpu.memory_space<semaphore_mem>>) src(%arg7 : memref<128x16xf32, #tpu.memory_space<vmem>>) dst(%dma_wait3A_77 : memref<10240x16xf32, #tpu.memory_space<vmem_shared>>)
    %dma_wait3A_78 = arith.constant 0 : i32
    %dma_wait3A_79 = arith.constant 0 : i32
    %dma_wait3A_80 = tpu.memref_slice %arg6[%dma_wait3A_78, %dma_wait3A_79] : memref<42x128xi32, #tpu.memory_space<vmem>> -> memref<1x128xi32, #tpu.memory_space<vmem>>
    %dma_wait3A_81 = tpu.memref_squeeze %dma_wait3A_80 : memref<1x128xi32, #tpu.memory_space<vmem>> -> memref<128xi32, #tpu.memory_space<vmem>>
    %dma_wait3A_82 = arith.constant 0 : i32
    %dma_wait3A_83 = arith.constant 0 : i32
    %dma_wait3A_84 = tpu.memref_slice %arg8[%dma_wait3A_82, %dma_wait3A_83] : memref<10240x16xf32, #tpu.memory_space<vmem_shared>> -> memref<10240x16xf32, #tpu.memory_space<vmem_shared>>
    tpu.wait_indirect_dma semaphore(%arg9 : memref<!tpu.dma_semaphore, #tpu.memory_space<semaphore_mem>>) src(%arg7 : memref<128x16xf32, #tpu.memory_space<vmem>>) dst(%dma_wait3A_84 : memref<10240x16xf32, #tpu.memory_space<vmem_shared>>)
    %dma_wait3A_85 = arith.constant 0 : i32
    %dma_wait3A_86 = arith.constant 0 : i32
    %dma_wait3A_87 = tpu.memref_slice %arg6[%dma_wait3A_85, %dma_wait3A_86] : memref<42x128xi32, #tpu.memory_space<vmem>> -> memref<1x128xi32, #tpu.memory_space<vmem>>
    %dma_wait3A_88 = tpu.memref_squeeze %dma_wait3A_87 : memref<1x128xi32, #tpu.memory_space<vmem>> -> memref<128xi32, #tpu.memory_space<vmem>>
    %dma_wait3A_89 = arith.constant 0 : i32
    %dma_wait3A_90 = arith.constant 0 : i32
    %dma_wait3A_91 = tpu.memref_slice %arg8[%dma_wait3A_89, %dma_wait3A_90] : memref<10240x16xf32, #tpu.memory_space<vmem_shared>> -> memref<10240x16xf32, #tpu.memory_space<vmem_shared>>
    tpu.wait_indirect_dma semaphore(%arg9 : memref<!tpu.dma_semaphore, #tpu.memory_space<semaphore_mem>>) src(%arg7 : memref<128x16xf32, #tpu.memory_space<vmem>>) dst(%dma_wait3A_91 : memref<10240x16xf32, #tpu.memory_space<vmem_shared>>)
    %barrier3A_92 = arith.constant 0 : index
    tpu.barrier barrier_id(%barrier3A_92)
    %mul3A_93 = arith.constant 640 : i32
    %mul3A_94 = arith.muli %arg1, %mul3A_93 : i32
    %mul3A_95 = arith.constant 640 : i32
    %mul3A_96 = arith.muli %arg1, %mul3A_95 : i32
    "tpu.region"() ({
      %run_scoped3A_97 = tpu.sem_alloc : memref<!tpu.dma_semaphore, #tpu.memory_space<semaphore_mem>>
      %dma_start3A_98 = arith.constant 0 : i32
      %dma_start3A_99 = tpu.memref_slice %arg5[%arg0, %mul3A_96, %dma_start3A_98] : memref<2x10240x16xf32, #tpu.memory_space<hbm>> -> memref<1x640x16xf32, #tpu.memory_space<hbm>>
      %dma_start3A_100 = tpu.memref_squeeze %dma_start3A_99 : memref<1x640x16xf32, #tpu.memory_space<hbm>> -> memref<640x16xf32, #tpu.memory_space<hbm>>
      %dma_start3A_101 = arith.constant 0 : i32
      %dma_start3A_102 = tpu.memref_slice %arg8[%mul3A_94, %dma_start3A_101] : memref<10240x16xf32, #tpu.memory_space<vmem_shared>> -> memref<640x16xf32, #tpu.memory_space<vmem_shared>>
      tpu.enqueue_dma source(%dma_start3A_102 : memref<640x16xf32, #tpu.memory_space<vmem_shared>>) target(%dma_start3A_100 : memref<640x16xf32, #tpu.memory_space<hbm>>) target_semaphore(%run_scoped3A_97 : memref<!tpu.dma_semaphore, #tpu.memory_space<semaphore_mem>>)
      %dma_wait3A_103 = arith.constant 0 : i32
      %dma_wait3A_104 = tpu.memref_slice %arg5[%arg0, %mul3A_96, %dma_wait3A_103] : memref<2x10240x16xf32, #tpu.memory_space<hbm>> -> memref<1x640x16xf32, #tpu.memory_space<hbm>>
      %dma_wait3A_105 = tpu.memref_squeeze %dma_wait3A_104 : memref<1x640x16xf32, #tpu.memory_space<hbm>> -> memref<640x16xf32, #tpu.memory_space<hbm>>
      %dma_wait3A_106 = arith.constant 0 : i32
      %dma_wait3A_107 = tpu.memref_slice %arg8[%mul3A_94, %dma_wait3A_106] : memref<10240x16xf32, #tpu.memory_space<vmem_shared>> -> memref<640x16xf32, #tpu.memory_space<vmem_shared>>
      tpu.wait_dma2 semaphore(%run_scoped3A_97 : memref<!tpu.dma_semaphore, #tpu.memory_space<semaphore_mem>>) src(%dma_wait3A_107 : memref<640x16xf32, #tpu.memory_space<vmem_shared>>) dst(%dma_wait3A_105 : memref<640x16xf32, #tpu.memory_space<hbm>>)
      tpu.yield
    }) : () -> ()
    return
  }
}

#map = affine_map<(d0, d1) -> (0, 0, 0, 0)>
#map1 = affine_map<(d0, d1) -> (0, 0)>
#map2 = affine_map<(d0, d1) -> (0, 0, 0)>
module attributes {stable_mosaic.version = 14 : i64} {
  func.func @agg(%arg0: i32, %arg1: i32, %arg2: memref<2x32x42x128xi32, #tpu.memory_space<hbm>>, %arg3: memref<10240x64xf32, #tpu.memory_space<hbm>>, %arg4: memref<10240x64xf32, #tpu.memory_space<hbm>>, %arg5: memref<2x10240x64xf32, #tpu.memory_space<hbm>>, %arg6: memref<42x128xi32, #tpu.memory_space<vmem>>, %arg7: memref<42x128xi32, #tpu.memory_space<vmem>>, %arg8: memref<128x64xf32, #tpu.memory_space<vmem>>, %arg9: memref<128x64xf32, #tpu.memory_space<vmem>>, %arg10: memref<128x64xf32, #tpu.memory_space<vmem>>, %arg11: memref<128x64xf32, #tpu.memory_space<vmem>>, %arg12: memref<128x64xf32, #tpu.memory_space<vmem>>, %arg13: memref<128x64xf32, #tpu.memory_space<vmem>>, %arg14: memref<10240x64xf32, #tpu.memory_space<vmem_shared>>, %arg15: memref<!tpu.dma_semaphore, #tpu.memory_space<semaphore_mem>>, %arg16: memref<!tpu.dma_semaphore, #tpu.memory_space<semaphore_mem>>, %arg17: memref<!tpu.dma_semaphore, #tpu.memory_space<semaphore_mem>>, %arg18: memref<!tpu.dma_semaphore, #tpu.memory_space<semaphore_mem>>) attributes {dimension_semantics = [#tpu.dimension_semantics<core_parallel>, #tpu.dimension_semantics<subcore_parallel>], iteration_bounds = array<i64: 2, 16>, scalar_prefetch = 0 : i64, scratch_operands = 13 : i64, tpu.core_type = #tpu.core_type<sc_vector_subcore>, window_params = [{transform_indices = #map}, {transform_indices = #map1}, {transform_indices = #map1}, {transform_indices = #map2}]} {
    %mul3A = arith.constant 16 : i32
    %mul3A_0 = arith.muli %arg0, %mul3A : i32
    %add3A = arith.addi %mul3A_0, %arg1 : i32
    %eq3A = arith.constant 0 : i32
    %eq3A_1 = arith.cmpi eq, %arg0, %eq3A : i32
    %convert_element_type3A = arith.extui %eq3A_1 : i1 to i32
    %cond3A = arith.constant 0 : i32
    %cond3A_2 = arith.cmpi ne, %convert_element_type3A, %cond3A : i32
    scf.if %cond3A_2 {
      %mul3A_101 = arith.constant 640 : i32
      %mul3A_102 = arith.muli %arg1, %mul3A_101 : i32
      %mul3A_103 = arith.constant 640 : i32
      %mul3A_104 = arith.muli %arg1, %mul3A_103 : i32
      "tpu.region"() ({
        %run_scoped3A_105 = tpu.sem_alloc : memref<!tpu.dma_semaphore, #tpu.memory_space<semaphore_mem>>
        %dma_start3A_106 = arith.constant 0 : i32
        %dma_start3A_107 = tpu.memref_slice %arg14[%mul3A_104, %dma_start3A_106] : memref<10240x64xf32, #tpu.memory_space<vmem_shared>> -> memref<640x64xf32, #tpu.memory_space<vmem_shared>>
        %dma_start3A_108 = arith.constant 0 : i32
        %dma_start3A_109 = tpu.memref_slice %arg3[%mul3A_102, %dma_start3A_108] : memref<10240x64xf32, #tpu.memory_space<hbm>> -> memref<640x64xf32, #tpu.memory_space<hbm>>
        tpu.enqueue_dma source(%dma_start3A_109 : memref<640x64xf32, #tpu.memory_space<hbm>>) target(%dma_start3A_107 : memref<640x64xf32, #tpu.memory_space<vmem_shared>>) target_semaphore(%run_scoped3A_105 : memref<!tpu.dma_semaphore, #tpu.memory_space<semaphore_mem>>)
        %dma_wait3A_110 = arith.constant 0 : i32
        %dma_wait3A_111 = tpu.memref_slice %arg14[%mul3A_104, %dma_wait3A_110] : memref<10240x64xf32, #tpu.memory_space<vmem_shared>> -> memref<640x64xf32, #tpu.memory_space<vmem_shared>>
        %dma_wait3A_112 = arith.constant 0 : i32
        %dma_wait3A_113 = tpu.memref_slice %arg3[%mul3A_102, %dma_wait3A_112] : memref<10240x64xf32, #tpu.memory_space<hbm>> -> memref<640x64xf32, #tpu.memory_space<hbm>>
        tpu.wait_dma2 semaphore(%run_scoped3A_105 : memref<!tpu.dma_semaphore, #tpu.memory_space<semaphore_mem>>) src(%dma_wait3A_113 : memref<640x64xf32, #tpu.memory_space<hbm>>) dst(%dma_wait3A_111 : memref<640x64xf32, #tpu.memory_space<vmem_shared>>)
        tpu.yield
      }) : () -> ()
    } else {
    }
    %eq3A_3 = arith.constant 1 : i32
    %eq3A_4 = arith.cmpi eq, %arg0, %eq3A_3 : i32
    %convert_element_type3A_5 = arith.extui %eq3A_4 : i1 to i32
    %cond3A_6 = arith.constant 0 : i32
    %cond3A_7 = arith.cmpi ne, %convert_element_type3A_5, %cond3A_6 : i32
    scf.if %cond3A_7 {
      %mul3A_101 = arith.constant 640 : i32
      %mul3A_102 = arith.muli %arg1, %mul3A_101 : i32
      %mul3A_103 = arith.constant 640 : i32
      %mul3A_104 = arith.muli %arg1, %mul3A_103 : i32
      "tpu.region"() ({
        %run_scoped3A_105 = tpu.sem_alloc : memref<!tpu.dma_semaphore, #tpu.memory_space<semaphore_mem>>
        %dma_start3A_106 = arith.constant 0 : i32
        %dma_start3A_107 = tpu.memref_slice %arg14[%mul3A_104, %dma_start3A_106] : memref<10240x64xf32, #tpu.memory_space<vmem_shared>> -> memref<640x64xf32, #tpu.memory_space<vmem_shared>>
        %dma_start3A_108 = arith.constant 0 : i32
        %dma_start3A_109 = tpu.memref_slice %arg4[%mul3A_102, %dma_start3A_108] : memref<10240x64xf32, #tpu.memory_space<hbm>> -> memref<640x64xf32, #tpu.memory_space<hbm>>
        tpu.enqueue_dma source(%dma_start3A_109 : memref<640x64xf32, #tpu.memory_space<hbm>>) target(%dma_start3A_107 : memref<640x64xf32, #tpu.memory_space<vmem_shared>>) target_semaphore(%run_scoped3A_105 : memref<!tpu.dma_semaphore, #tpu.memory_space<semaphore_mem>>)
        %dma_wait3A_110 = arith.constant 0 : i32
        %dma_wait3A_111 = tpu.memref_slice %arg14[%mul3A_104, %dma_wait3A_110] : memref<10240x64xf32, #tpu.memory_space<vmem_shared>> -> memref<640x64xf32, #tpu.memory_space<vmem_shared>>
        %dma_wait3A_112 = arith.constant 0 : i32
        %dma_wait3A_113 = tpu.memref_slice %arg4[%mul3A_102, %dma_wait3A_112] : memref<10240x64xf32, #tpu.memory_space<hbm>> -> memref<640x64xf32, #tpu.memory_space<hbm>>
        tpu.wait_dma2 semaphore(%run_scoped3A_105 : memref<!tpu.dma_semaphore, #tpu.memory_space<semaphore_mem>>) src(%dma_wait3A_113 : memref<640x64xf32, #tpu.memory_space<hbm>>) dst(%dma_wait3A_111 : memref<640x64xf32, #tpu.memory_space<vmem_shared>>)
        tpu.yield
      }) : () -> ()
    } else {
    }
    %run_scoped3A = arith.constant 0 : i32
    "tpu.region"() ({
      %run_scoped3A_101 = tpu.sem_alloc : memref<!tpu.dma_semaphore, #tpu.memory_space<semaphore_mem>>
      %dma_start3A_102 = arith.constant 0 : i32
      %dma_start3A_103 = arith.constant 0 : i32
      %dma_start3A_104 = tpu.memref_slice %arg2[%run_scoped3A, %add3A, %dma_start3A_102, %dma_start3A_103] : memref<2x32x42x128xi32, #tpu.memory_space<hbm>> -> memref<1x1x42x128xi32, #tpu.memory_space<hbm>>
      %dma_start3A_105 = tpu.memref_squeeze %dma_start3A_104 : memref<1x1x42x128xi32, #tpu.memory_space<hbm>> -> memref<42x128xi32, #tpu.memory_space<hbm>>
      %dma_start3A_106 = arith.constant 0 : i32
      %dma_start3A_107 = arith.constant 0 : i32
      %dma_start3A_108 = tpu.memref_slice %arg2[%run_scoped3A, %add3A, %dma_start3A_106, %dma_start3A_107] : memref<2x32x42x128xi32, #tpu.memory_space<hbm>> -> memref<1x1x42x128xi32, #tpu.memory_space<hbm>>
      %dma_start3A_109 = tpu.memref_squeeze %dma_start3A_108 : memref<1x1x42x128xi32, #tpu.memory_space<hbm>> -> memref<42x128xi32, #tpu.memory_space<hbm>>
      tpu.enqueue_dma source(%dma_start3A_109 : memref<42x128xi32, #tpu.memory_space<hbm>>) target(%arg6 : memref<42x128xi32, #tpu.memory_space<vmem>>) target_semaphore(%run_scoped3A_101 : memref<!tpu.dma_semaphore, #tpu.memory_space<semaphore_mem>>)
      %dma_wait3A_110 = arith.constant 0 : i32
      %dma_wait3A_111 = arith.constant 0 : i32
      %dma_wait3A_112 = tpu.memref_slice %arg2[%run_scoped3A, %add3A, %dma_wait3A_110, %dma_wait3A_111] : memref<2x32x42x128xi32, #tpu.memory_space<hbm>> -> memref<1x1x42x128xi32, #tpu.memory_space<hbm>>
      %dma_wait3A_113 = tpu.memref_squeeze %dma_wait3A_112 : memref<1x1x42x128xi32, #tpu.memory_space<hbm>> -> memref<42x128xi32, #tpu.memory_space<hbm>>
      %dma_wait3A_114 = arith.constant 0 : i32
      %dma_wait3A_115 = arith.constant 0 : i32
      %dma_wait3A_116 = tpu.memref_slice %arg2[%run_scoped3A, %add3A, %dma_wait3A_114, %dma_wait3A_115] : memref<2x32x42x128xi32, #tpu.memory_space<hbm>> -> memref<1x1x42x128xi32, #tpu.memory_space<hbm>>
      %dma_wait3A_117 = tpu.memref_squeeze %dma_wait3A_116 : memref<1x1x42x128xi32, #tpu.memory_space<hbm>> -> memref<42x128xi32, #tpu.memory_space<hbm>>
      tpu.wait_dma2 semaphore(%run_scoped3A_101 : memref<!tpu.dma_semaphore, #tpu.memory_space<semaphore_mem>>) src(%dma_wait3A_117 : memref<42x128xi32, #tpu.memory_space<hbm>>) dst(%arg6 : memref<42x128xi32, #tpu.memory_space<vmem>>)
      tpu.yield
    }) : () -> ()
    %run_scoped3A_8 = arith.constant 1 : i32
    "tpu.region"() ({
      %run_scoped3A_101 = tpu.sem_alloc : memref<!tpu.dma_semaphore, #tpu.memory_space<semaphore_mem>>
      %dma_start3A_102 = arith.constant 0 : i32
      %dma_start3A_103 = arith.constant 0 : i32
      %dma_start3A_104 = tpu.memref_slice %arg2[%run_scoped3A_8, %add3A, %dma_start3A_102, %dma_start3A_103] : memref<2x32x42x128xi32, #tpu.memory_space<hbm>> -> memref<1x1x42x128xi32, #tpu.memory_space<hbm>>
      %dma_start3A_105 = tpu.memref_squeeze %dma_start3A_104 : memref<1x1x42x128xi32, #tpu.memory_space<hbm>> -> memref<42x128xi32, #tpu.memory_space<hbm>>
      %dma_start3A_106 = arith.constant 0 : i32
      %dma_start3A_107 = arith.constant 0 : i32
      %dma_start3A_108 = tpu.memref_slice %arg2[%run_scoped3A_8, %add3A, %dma_start3A_106, %dma_start3A_107] : memref<2x32x42x128xi32, #tpu.memory_space<hbm>> -> memref<1x1x42x128xi32, #tpu.memory_space<hbm>>
      %dma_start3A_109 = tpu.memref_squeeze %dma_start3A_108 : memref<1x1x42x128xi32, #tpu.memory_space<hbm>> -> memref<42x128xi32, #tpu.memory_space<hbm>>
      tpu.enqueue_dma source(%dma_start3A_109 : memref<42x128xi32, #tpu.memory_space<hbm>>) target(%arg7 : memref<42x128xi32, #tpu.memory_space<vmem>>) target_semaphore(%run_scoped3A_101 : memref<!tpu.dma_semaphore, #tpu.memory_space<semaphore_mem>>)
      %dma_wait3A_110 = arith.constant 0 : i32
      %dma_wait3A_111 = arith.constant 0 : i32
      %dma_wait3A_112 = tpu.memref_slice %arg2[%run_scoped3A_8, %add3A, %dma_wait3A_110, %dma_wait3A_111] : memref<2x32x42x128xi32, #tpu.memory_space<hbm>> -> memref<1x1x42x128xi32, #tpu.memory_space<hbm>>
      %dma_wait3A_113 = tpu.memref_squeeze %dma_wait3A_112 : memref<1x1x42x128xi32, #tpu.memory_space<hbm>> -> memref<42x128xi32, #tpu.memory_space<hbm>>
      %dma_wait3A_114 = arith.constant 0 : i32
      %dma_wait3A_115 = arith.constant 0 : i32
      %dma_wait3A_116 = tpu.memref_slice %arg2[%run_scoped3A_8, %add3A, %dma_wait3A_114, %dma_wait3A_115] : memref<2x32x42x128xi32, #tpu.memory_space<hbm>> -> memref<1x1x42x128xi32, #tpu.memory_space<hbm>>
      %dma_wait3A_117 = tpu.memref_squeeze %dma_wait3A_116 : memref<1x1x42x128xi32, #tpu.memory_space<hbm>> -> memref<42x128xi32, #tpu.memory_space<hbm>>
      tpu.wait_dma2 semaphore(%run_scoped3A_101 : memref<!tpu.dma_semaphore, #tpu.memory_space<semaphore_mem>>) src(%dma_wait3A_117 : memref<42x128xi32, #tpu.memory_space<hbm>>) dst(%arg7 : memref<42x128xi32, #tpu.memory_space<vmem>>)
      tpu.yield
    }) : () -> ()
    %dma_start3A = arith.constant 0 : i32
    %dma_start3A_9 = arith.constant 0 : i32
    %dma_start3A_10 = tpu.memref_slice %arg6[%dma_start3A, %dma_start3A_9] : memref<42x128xi32, #tpu.memory_space<vmem>> -> memref<1x128xi32, #tpu.memory_space<vmem>>
    %dma_start3A_11 = tpu.memref_squeeze %dma_start3A_10 : memref<1x128xi32, #tpu.memory_space<vmem>> -> memref<128xi32, #tpu.memory_space<vmem>>
    %dma_start3A_12 = arith.constant 0 : i32
    %dma_start3A_13 = arith.constant 0 : i32
    %dma_start3A_14 = tpu.memref_slice %arg3[%dma_start3A_12, %dma_start3A_13] : memref<10240x64xf32, #tpu.memory_space<hbm>> -> memref<10240x64xf32, #tpu.memory_space<hbm>>
    tpu.enqueue_indirect_dma source(%dma_start3A_14 : memref<10240x64xf32, #tpu.memory_space<hbm>>) target(%arg8 : memref<128x64xf32, #tpu.memory_space<vmem>>) offsets(%dma_start3A_11 : memref<128xi32, #tpu.memory_space<vmem>>) semaphore(%arg15 : memref<!tpu.dma_semaphore, #tpu.memory_space<semaphore_mem>>)
    %dma_start3A_15 = arith.constant 1 : i32
    %dma_start3A_16 = arith.constant 0 : i32
    %dma_start3A_17 = tpu.memref_slice %arg6[%dma_start3A_15, %dma_start3A_16] : memref<42x128xi32, #tpu.memory_space<vmem>> -> memref<1x128xi32, #tpu.memory_space<vmem>>
    %dma_start3A_18 = tpu.memref_squeeze %dma_start3A_17 : memref<1x128xi32, #tpu.memory_space<vmem>> -> memref<128xi32, #tpu.memory_space<vmem>>
    %dma_start3A_19 = arith.constant 0 : i32
    %dma_start3A_20 = arith.constant 0 : i32
    %dma_start3A_21 = tpu.memref_slice %arg3[%dma_start3A_19, %dma_start3A_20] : memref<10240x64xf32, #tpu.memory_space<hbm>> -> memref<10240x64xf32, #tpu.memory_space<hbm>>
    tpu.enqueue_indirect_dma source(%dma_start3A_21 : memref<10240x64xf32, #tpu.memory_space<hbm>>) target(%arg9 : memref<128x64xf32, #tpu.memory_space<vmem>>) offsets(%dma_start3A_18 : memref<128xi32, #tpu.memory_space<vmem>>) semaphore(%arg15 : memref<!tpu.dma_semaphore, #tpu.memory_space<semaphore_mem>>)
    %dma_start3A_22 = arith.constant 2 : i32
    %dma_start3A_23 = arith.constant 0 : i32
    %dma_start3A_24 = tpu.memref_slice %arg6[%dma_start3A_22, %dma_start3A_23] : memref<42x128xi32, #tpu.memory_space<vmem>> -> memref<1x128xi32, #tpu.memory_space<vmem>>
    %dma_start3A_25 = tpu.memref_squeeze %dma_start3A_24 : memref<1x128xi32, #tpu.memory_space<vmem>> -> memref<128xi32, #tpu.memory_space<vmem>>
    %dma_start3A_26 = arith.constant 0 : i32
    %dma_start3A_27 = arith.constant 0 : i32
    %dma_start3A_28 = tpu.memref_slice %arg3[%dma_start3A_26, %dma_start3A_27] : memref<10240x64xf32, #tpu.memory_space<hbm>> -> memref<10240x64xf32, #tpu.memory_space<hbm>>
    tpu.enqueue_indirect_dma source(%dma_start3A_28 : memref<10240x64xf32, #tpu.memory_space<hbm>>) target(%arg10 : memref<128x64xf32, #tpu.memory_space<vmem>>) offsets(%dma_start3A_25 : memref<128xi32, #tpu.memory_space<vmem>>) semaphore(%arg15 : memref<!tpu.dma_semaphore, #tpu.memory_space<semaphore_mem>>)
    %dma_start3A_29 = arith.constant 3 : i32
    %dma_start3A_30 = arith.constant 0 : i32
    %dma_start3A_31 = tpu.memref_slice %arg6[%dma_start3A_29, %dma_start3A_30] : memref<42x128xi32, #tpu.memory_space<vmem>> -> memref<1x128xi32, #tpu.memory_space<vmem>>
    %dma_start3A_32 = tpu.memref_squeeze %dma_start3A_31 : memref<1x128xi32, #tpu.memory_space<vmem>> -> memref<128xi32, #tpu.memory_space<vmem>>
    %dma_start3A_33 = arith.constant 0 : i32
    %dma_start3A_34 = arith.constant 0 : i32
    %dma_start3A_35 = tpu.memref_slice %arg3[%dma_start3A_33, %dma_start3A_34] : memref<10240x64xf32, #tpu.memory_space<hbm>> -> memref<10240x64xf32, #tpu.memory_space<hbm>>
    tpu.enqueue_indirect_dma source(%dma_start3A_35 : memref<10240x64xf32, #tpu.memory_space<hbm>>) target(%arg11 : memref<128x64xf32, #tpu.memory_space<vmem>>) offsets(%dma_start3A_32 : memref<128xi32, #tpu.memory_space<vmem>>) semaphore(%arg16 : memref<!tpu.dma_semaphore, #tpu.memory_space<semaphore_mem>>)
    %dma_start3A_36 = arith.constant 4 : i32
    %dma_start3A_37 = arith.constant 0 : i32
    %dma_start3A_38 = tpu.memref_slice %arg6[%dma_start3A_36, %dma_start3A_37] : memref<42x128xi32, #tpu.memory_space<vmem>> -> memref<1x128xi32, #tpu.memory_space<vmem>>
    %dma_start3A_39 = tpu.memref_squeeze %dma_start3A_38 : memref<1x128xi32, #tpu.memory_space<vmem>> -> memref<128xi32, #tpu.memory_space<vmem>>
    %dma_start3A_40 = arith.constant 0 : i32
    %dma_start3A_41 = arith.constant 0 : i32
    %dma_start3A_42 = tpu.memref_slice %arg3[%dma_start3A_40, %dma_start3A_41] : memref<10240x64xf32, #tpu.memory_space<hbm>> -> memref<10240x64xf32, #tpu.memory_space<hbm>>
    tpu.enqueue_indirect_dma source(%dma_start3A_42 : memref<10240x64xf32, #tpu.memory_space<hbm>>) target(%arg12 : memref<128x64xf32, #tpu.memory_space<vmem>>) offsets(%dma_start3A_39 : memref<128xi32, #tpu.memory_space<vmem>>) semaphore(%arg16 : memref<!tpu.dma_semaphore, #tpu.memory_space<semaphore_mem>>)
    %dma_start3A_43 = arith.constant 5 : i32
    %dma_start3A_44 = arith.constant 0 : i32
    %dma_start3A_45 = tpu.memref_slice %arg6[%dma_start3A_43, %dma_start3A_44] : memref<42x128xi32, #tpu.memory_space<vmem>> -> memref<1x128xi32, #tpu.memory_space<vmem>>
    %dma_start3A_46 = tpu.memref_squeeze %dma_start3A_45 : memref<1x128xi32, #tpu.memory_space<vmem>> -> memref<128xi32, #tpu.memory_space<vmem>>
    %dma_start3A_47 = arith.constant 0 : i32
    %dma_start3A_48 = arith.constant 0 : i32
    %dma_start3A_49 = tpu.memref_slice %arg3[%dma_start3A_47, %dma_start3A_48] : memref<10240x64xf32, #tpu.memory_space<hbm>> -> memref<10240x64xf32, #tpu.memory_space<hbm>>
    tpu.enqueue_indirect_dma source(%dma_start3A_49 : memref<10240x64xf32, #tpu.memory_space<hbm>>) target(%arg13 : memref<128x64xf32, #tpu.memory_space<vmem>>) offsets(%dma_start3A_46 : memref<128xi32, #tpu.memory_space<vmem>>) semaphore(%arg16 : memref<!tpu.dma_semaphore, #tpu.memory_space<semaphore_mem>>)
    %barrier3A = arith.constant 0 : index
    tpu.barrier barrier_id(%barrier3A)
    %scan3A = arith.constant 0 : i32
    %scan3A_50 = arith.constant 0 : i32
    %scan3A_51 = arith.constant 7 : i32
    %scan3A_52 = arith.addi %scan3A_50, %scan3A_51 : i32
    %scan3A_53 = arith.constant 1 : i32
    scf.for %scan3A_101 = %scan3A_50 to %scan3A_52 step %scan3A_53  : i32 {
      %mul3A_102 = arith.constant 6 : i32
      %mul3A_103 = arith.muli %mul3A_102, %scan3A_101 : i32
      %dma_wait3A_104 = arith.constant 0 : i32
      %dma_wait3A_105 = arith.constant 0 : i32
      %dma_wait3A_106 = tpu.memref_slice %arg6[%dma_wait3A_104, %dma_wait3A_105] : memref<42x128xi32, #tpu.memory_space<vmem>> -> memref<1x128xi32, #tpu.memory_space<vmem>>
      %dma_wait3A_107 = tpu.memref_squeeze %dma_wait3A_106 : memref<1x128xi32, #tpu.memory_space<vmem>> -> memref<128xi32, #tpu.memory_space<vmem>>
      %dma_wait3A_108 = arith.constant 0 : i32
      %dma_wait3A_109 = arith.constant 0 : i32
      %dma_wait3A_110 = tpu.memref_slice %arg3[%dma_wait3A_108, %dma_wait3A_109] : memref<10240x64xf32, #tpu.memory_space<hbm>> -> memref<10240x64xf32, #tpu.memory_space<hbm>>
      tpu.wait_indirect_dma semaphore(%arg15 : memref<!tpu.dma_semaphore, #tpu.memory_space<semaphore_mem>>) src(%dma_wait3A_110 : memref<10240x64xf32, #tpu.memory_space<hbm>>) dst(%arg8 : memref<128x64xf32, #tpu.memory_space<vmem>>)
      %add3A_111 = arith.constant 0 : i32
      %add3A_112 = arith.addi %mul3A_103, %add3A_111 : i32
      %dma_start3A_113 = arith.constant 0 : i32
      %dma_start3A_114 = tpu.memref_slice %arg7[%add3A_112, %dma_start3A_113] : memref<42x128xi32, #tpu.memory_space<vmem>> -> memref<1x128xi32, #tpu.memory_space<vmem>>
      %dma_start3A_115 = tpu.memref_squeeze %dma_start3A_114 : memref<1x128xi32, #tpu.memory_space<vmem>> -> memref<128xi32, #tpu.memory_space<vmem>>
      %dma_start3A_116 = arith.constant 0 : i32
      %dma_start3A_117 = arith.constant 0 : i32
      %dma_start3A_118 = tpu.memref_slice %arg14[%dma_start3A_116, %dma_start3A_117] : memref<10240x64xf32, #tpu.memory_space<vmem_shared>> -> memref<10240x64xf32, #tpu.memory_space<vmem_shared>>
      tpu.enqueue_indirect_dma source(%arg8 : memref<128x64xf32, #tpu.memory_space<vmem>>) target(%dma_start3A_118 : memref<10240x64xf32, #tpu.memory_space<vmem_shared>>) offsets(%dma_start3A_115 : memref<128xi32, #tpu.memory_space<vmem>>) semaphore(%arg17 : memref<!tpu.dma_semaphore, #tpu.memory_space<semaphore_mem>>) {add = true}
      %dma_wait3A_119 = arith.constant 0 : i32
      %dma_wait3A_120 = arith.constant 0 : i32
      %dma_wait3A_121 = tpu.memref_slice %arg6[%dma_wait3A_119, %dma_wait3A_120] : memref<42x128xi32, #tpu.memory_space<vmem>> -> memref<1x128xi32, #tpu.memory_space<vmem>>
      %dma_wait3A_122 = tpu.memref_squeeze %dma_wait3A_121 : memref<1x128xi32, #tpu.memory_space<vmem>> -> memref<128xi32, #tpu.memory_space<vmem>>
      %dma_wait3A_123 = arith.constant 0 : i32
      %dma_wait3A_124 = arith.constant 0 : i32
      %dma_wait3A_125 = tpu.memref_slice %arg3[%dma_wait3A_123, %dma_wait3A_124] : memref<10240x64xf32, #tpu.memory_space<hbm>> -> memref<10240x64xf32, #tpu.memory_space<hbm>>
      tpu.wait_indirect_dma semaphore(%arg15 : memref<!tpu.dma_semaphore, #tpu.memory_space<semaphore_mem>>) src(%dma_wait3A_125 : memref<10240x64xf32, #tpu.memory_space<hbm>>) dst(%arg9 : memref<128x64xf32, #tpu.memory_space<vmem>>)
      %add3A_126 = arith.constant 1 : i32
      %add3A_127 = arith.addi %mul3A_103, %add3A_126 : i32
      %dma_start3A_128 = arith.constant 0 : i32
      %dma_start3A_129 = tpu.memref_slice %arg7[%add3A_127, %dma_start3A_128] : memref<42x128xi32, #tpu.memory_space<vmem>> -> memref<1x128xi32, #tpu.memory_space<vmem>>
      %dma_start3A_130 = tpu.memref_squeeze %dma_start3A_129 : memref<1x128xi32, #tpu.memory_space<vmem>> -> memref<128xi32, #tpu.memory_space<vmem>>
      %dma_start3A_131 = arith.constant 0 : i32
      %dma_start3A_132 = arith.constant 0 : i32
      %dma_start3A_133 = tpu.memref_slice %arg14[%dma_start3A_131, %dma_start3A_132] : memref<10240x64xf32, #tpu.memory_space<vmem_shared>> -> memref<10240x64xf32, #tpu.memory_space<vmem_shared>>
      tpu.enqueue_indirect_dma source(%arg9 : memref<128x64xf32, #tpu.memory_space<vmem>>) target(%dma_start3A_133 : memref<10240x64xf32, #tpu.memory_space<vmem_shared>>) offsets(%dma_start3A_130 : memref<128xi32, #tpu.memory_space<vmem>>) semaphore(%arg17 : memref<!tpu.dma_semaphore, #tpu.memory_space<semaphore_mem>>) {add = true}
      %dma_wait3A_134 = arith.constant 0 : i32
      %dma_wait3A_135 = arith.constant 0 : i32
      %dma_wait3A_136 = tpu.memref_slice %arg6[%dma_wait3A_134, %dma_wait3A_135] : memref<42x128xi32, #tpu.memory_space<vmem>> -> memref<1x128xi32, #tpu.memory_space<vmem>>
      %dma_wait3A_137 = tpu.memref_squeeze %dma_wait3A_136 : memref<1x128xi32, #tpu.memory_space<vmem>> -> memref<128xi32, #tpu.memory_space<vmem>>
      %dma_wait3A_138 = arith.constant 0 : i32
      %dma_wait3A_139 = arith.constant 0 : i32
      %dma_wait3A_140 = tpu.memref_slice %arg3[%dma_wait3A_138, %dma_wait3A_139] : memref<10240x64xf32, #tpu.memory_space<hbm>> -> memref<10240x64xf32, #tpu.memory_space<hbm>>
      tpu.wait_indirect_dma semaphore(%arg15 : memref<!tpu.dma_semaphore, #tpu.memory_space<semaphore_mem>>) src(%dma_wait3A_140 : memref<10240x64xf32, #tpu.memory_space<hbm>>) dst(%arg10 : memref<128x64xf32, #tpu.memory_space<vmem>>)
      %add3A_141 = arith.constant 2 : i32
      %add3A_142 = arith.addi %mul3A_103, %add3A_141 : i32
      %dma_start3A_143 = arith.constant 0 : i32
      %dma_start3A_144 = tpu.memref_slice %arg7[%add3A_142, %dma_start3A_143] : memref<42x128xi32, #tpu.memory_space<vmem>> -> memref<1x128xi32, #tpu.memory_space<vmem>>
      %dma_start3A_145 = tpu.memref_squeeze %dma_start3A_144 : memref<1x128xi32, #tpu.memory_space<vmem>> -> memref<128xi32, #tpu.memory_space<vmem>>
      %dma_start3A_146 = arith.constant 0 : i32
      %dma_start3A_147 = arith.constant 0 : i32
      %dma_start3A_148 = tpu.memref_slice %arg14[%dma_start3A_146, %dma_start3A_147] : memref<10240x64xf32, #tpu.memory_space<vmem_shared>> -> memref<10240x64xf32, #tpu.memory_space<vmem_shared>>
      tpu.enqueue_indirect_dma source(%arg10 : memref<128x64xf32, #tpu.memory_space<vmem>>) target(%dma_start3A_148 : memref<10240x64xf32, #tpu.memory_space<vmem_shared>>) offsets(%dma_start3A_145 : memref<128xi32, #tpu.memory_space<vmem>>) semaphore(%arg17 : memref<!tpu.dma_semaphore, #tpu.memory_space<semaphore_mem>>) {add = true}
      %dma_wait3A_149 = arith.constant 0 : i32
      %dma_wait3A_150 = arith.constant 0 : i32
      %dma_wait3A_151 = tpu.memref_slice %arg6[%dma_wait3A_149, %dma_wait3A_150] : memref<42x128xi32, #tpu.memory_space<vmem>> -> memref<1x128xi32, #tpu.memory_space<vmem>>
      %dma_wait3A_152 = tpu.memref_squeeze %dma_wait3A_151 : memref<1x128xi32, #tpu.memory_space<vmem>> -> memref<128xi32, #tpu.memory_space<vmem>>
      %dma_wait3A_153 = arith.constant 0 : i32
      %dma_wait3A_154 = arith.constant 0 : i32
      %dma_wait3A_155 = tpu.memref_slice %arg3[%dma_wait3A_153, %dma_wait3A_154] : memref<10240x64xf32, #tpu.memory_space<hbm>> -> memref<10240x64xf32, #tpu.memory_space<hbm>>
      tpu.wait_indirect_dma semaphore(%arg16 : memref<!tpu.dma_semaphore, #tpu.memory_space<semaphore_mem>>) src(%dma_wait3A_155 : memref<10240x64xf32, #tpu.memory_space<hbm>>) dst(%arg11 : memref<128x64xf32, #tpu.memory_space<vmem>>)
      %add3A_156 = arith.constant 3 : i32
      %add3A_157 = arith.addi %mul3A_103, %add3A_156 : i32
      %add3A_158 = arith.constant 0 : i32
      %add3A_159 = arith.addi %add3A_157, %add3A_158 : i32
      %dma_start3A_160 = arith.constant 0 : i32
      %dma_start3A_161 = tpu.memref_slice %arg7[%add3A_159, %dma_start3A_160] : memref<42x128xi32, #tpu.memory_space<vmem>> -> memref<1x128xi32, #tpu.memory_space<vmem>>
      %dma_start3A_162 = tpu.memref_squeeze %dma_start3A_161 : memref<1x128xi32, #tpu.memory_space<vmem>> -> memref<128xi32, #tpu.memory_space<vmem>>
      %dma_start3A_163 = arith.constant 0 : i32
      %dma_start3A_164 = arith.constant 0 : i32
      %dma_start3A_165 = tpu.memref_slice %arg14[%dma_start3A_163, %dma_start3A_164] : memref<10240x64xf32, #tpu.memory_space<vmem_shared>> -> memref<10240x64xf32, #tpu.memory_space<vmem_shared>>
      tpu.enqueue_indirect_dma source(%arg11 : memref<128x64xf32, #tpu.memory_space<vmem>>) target(%dma_start3A_165 : memref<10240x64xf32, #tpu.memory_space<vmem_shared>>) offsets(%dma_start3A_162 : memref<128xi32, #tpu.memory_space<vmem>>) semaphore(%arg18 : memref<!tpu.dma_semaphore, #tpu.memory_space<semaphore_mem>>) {add = true}
      %dma_wait3A_166 = arith.constant 0 : i32
      %dma_wait3A_167 = arith.constant 0 : i32
      %dma_wait3A_168 = tpu.memref_slice %arg6[%dma_wait3A_166, %dma_wait3A_167] : memref<42x128xi32, #tpu.memory_space<vmem>> -> memref<1x128xi32, #tpu.memory_space<vmem>>
      %dma_wait3A_169 = tpu.memref_squeeze %dma_wait3A_168 : memref<1x128xi32, #tpu.memory_space<vmem>> -> memref<128xi32, #tpu.memory_space<vmem>>
      %dma_wait3A_170 = arith.constant 0 : i32
      %dma_wait3A_171 = arith.constant 0 : i32
      %dma_wait3A_172 = tpu.memref_slice %arg3[%dma_wait3A_170, %dma_wait3A_171] : memref<10240x64xf32, #tpu.memory_space<hbm>> -> memref<10240x64xf32, #tpu.memory_space<hbm>>
      tpu.wait_indirect_dma semaphore(%arg16 : memref<!tpu.dma_semaphore, #tpu.memory_space<semaphore_mem>>) src(%dma_wait3A_172 : memref<10240x64xf32, #tpu.memory_space<hbm>>) dst(%arg12 : memref<128x64xf32, #tpu.memory_space<vmem>>)
      %add3A_173 = arith.constant 3 : i32
      %add3A_174 = arith.addi %mul3A_103, %add3A_173 : i32
      %add3A_175 = arith.constant 1 : i32
      %add3A_176 = arith.addi %add3A_174, %add3A_175 : i32
      %dma_start3A_177 = arith.constant 0 : i32
      %dma_start3A_178 = tpu.memref_slice %arg7[%add3A_176, %dma_start3A_177] : memref<42x128xi32, #tpu.memory_space<vmem>> -> memref<1x128xi32, #tpu.memory_space<vmem>>
      %dma_start3A_179 = tpu.memref_squeeze %dma_start3A_178 : memref<1x128xi32, #tpu.memory_space<vmem>> -> memref<128xi32, #tpu.memory_space<vmem>>
      %dma_start3A_180 = arith.constant 0 : i32
      %dma_start3A_181 = arith.constant 0 : i32
      %dma_start3A_182 = tpu.memref_slice %arg14[%dma_start3A_180, %dma_start3A_181] : memref<10240x64xf32, #tpu.memory_space<vmem_shared>> -> memref<10240x64xf32, #tpu.memory_space<vmem_shared>>
      tpu.enqueue_indirect_dma source(%arg12 : memref<128x64xf32, #tpu.memory_space<vmem>>) target(%dma_start3A_182 : memref<10240x64xf32, #tpu.memory_space<vmem_shared>>) offsets(%dma_start3A_179 : memref<128xi32, #tpu.memory_space<vmem>>) semaphore(%arg18 : memref<!tpu.dma_semaphore, #tpu.memory_space<semaphore_mem>>) {add = true}
      %dma_wait3A_183 = arith.constant 0 : i32
      %dma_wait3A_184 = arith.constant 0 : i32
      %dma_wait3A_185 = tpu.memref_slice %arg6[%dma_wait3A_183, %dma_wait3A_184] : memref<42x128xi32, #tpu.memory_space<vmem>> -> memref<1x128xi32, #tpu.memory_space<vmem>>
      %dma_wait3A_186 = tpu.memref_squeeze %dma_wait3A_185 : memref<1x128xi32, #tpu.memory_space<vmem>> -> memref<128xi32, #tpu.memory_space<vmem>>
      %dma_wait3A_187 = arith.constant 0 : i32
      %dma_wait3A_188 = arith.constant 0 : i32
      %dma_wait3A_189 = tpu.memref_slice %arg3[%dma_wait3A_187, %dma_wait3A_188] : memref<10240x64xf32, #tpu.memory_space<hbm>> -> memref<10240x64xf32, #tpu.memory_space<hbm>>
      tpu.wait_indirect_dma semaphore(%arg16 : memref<!tpu.dma_semaphore, #tpu.memory_space<semaphore_mem>>) src(%dma_wait3A_189 : memref<10240x64xf32, #tpu.memory_space<hbm>>) dst(%arg13 : memref<128x64xf32, #tpu.memory_space<vmem>>)
      %add3A_190 = arith.constant 3 : i32
      %add3A_191 = arith.addi %mul3A_103, %add3A_190 : i32
      %add3A_192 = arith.constant 2 : i32
      %add3A_193 = arith.addi %add3A_191, %add3A_192 : i32
      %dma_start3A_194 = arith.constant 0 : i32
      %dma_start3A_195 = tpu.memref_slice %arg7[%add3A_193, %dma_start3A_194] : memref<42x128xi32, #tpu.memory_space<vmem>> -> memref<1x128xi32, #tpu.memory_space<vmem>>
      %dma_start3A_196 = tpu.memref_squeeze %dma_start3A_195 : memref<1x128xi32, #tpu.memory_space<vmem>> -> memref<128xi32, #tpu.memory_space<vmem>>
      %dma_start3A_197 = arith.constant 0 : i32
      %dma_start3A_198 = arith.constant 0 : i32
      %dma_start3A_199 = tpu.memref_slice %arg14[%dma_start3A_197, %dma_start3A_198] : memref<10240x64xf32, #tpu.memory_space<vmem_shared>> -> memref<10240x64xf32, #tpu.memory_space<vmem_shared>>
      tpu.enqueue_indirect_dma source(%arg13 : memref<128x64xf32, #tpu.memory_space<vmem>>) target(%dma_start3A_199 : memref<10240x64xf32, #tpu.memory_space<vmem_shared>>) offsets(%dma_start3A_196 : memref<128xi32, #tpu.memory_space<vmem>>) semaphore(%arg18 : memref<!tpu.dma_semaphore, #tpu.memory_space<semaphore_mem>>) {add = true}
      %dma_wait3A_200 = arith.constant 0 : i32
      %dma_wait3A_201 = arith.constant 0 : i32
      %dma_wait3A_202 = tpu.memref_slice %arg7[%dma_wait3A_200, %dma_wait3A_201] : memref<42x128xi32, #tpu.memory_space<vmem>> -> memref<1x128xi32, #tpu.memory_space<vmem>>
      %dma_wait3A_203 = tpu.memref_squeeze %dma_wait3A_202 : memref<1x128xi32, #tpu.memory_space<vmem>> -> memref<128xi32, #tpu.memory_space<vmem>>
      %dma_wait3A_204 = arith.constant 0 : i32
      %dma_wait3A_205 = arith.constant 0 : i32
      %dma_wait3A_206 = tpu.memref_slice %arg14[%dma_wait3A_204, %dma_wait3A_205] : memref<10240x64xf32, #tpu.memory_space<vmem_shared>> -> memref<10240x64xf32, #tpu.memory_space<vmem_shared>>
      tpu.wait_indirect_dma semaphore(%arg17 : memref<!tpu.dma_semaphore, #tpu.memory_space<semaphore_mem>>) src(%arg8 : memref<128x64xf32, #tpu.memory_space<vmem>>) dst(%dma_wait3A_206 : memref<10240x64xf32, #tpu.memory_space<vmem_shared>>)
      %dma_wait3A_207 = arith.constant 0 : i32
      %dma_wait3A_208 = arith.constant 0 : i32
      %dma_wait3A_209 = tpu.memref_slice %arg7[%dma_wait3A_207, %dma_wait3A_208] : memref<42x128xi32, #tpu.memory_space<vmem>> -> memref<1x128xi32, #tpu.memory_space<vmem>>
      %dma_wait3A_210 = tpu.memref_squeeze %dma_wait3A_209 : memref<1x128xi32, #tpu.memory_space<vmem>> -> memref<128xi32, #tpu.memory_space<vmem>>
      %dma_wait3A_211 = arith.constant 0 : i32
      %dma_wait3A_212 = arith.constant 0 : i32
      %dma_wait3A_213 = tpu.memref_slice %arg14[%dma_wait3A_211, %dma_wait3A_212] : memref<10240x64xf32, #tpu.memory_space<vmem_shared>> -> memref<10240x64xf32, #tpu.memory_space<vmem_shared>>
      tpu.wait_indirect_dma semaphore(%arg17 : memref<!tpu.dma_semaphore, #tpu.memory_space<semaphore_mem>>) src(%arg9 : memref<128x64xf32, #tpu.memory_space<vmem>>) dst(%dma_wait3A_213 : memref<10240x64xf32, #tpu.memory_space<vmem_shared>>)
      %dma_wait3A_214 = arith.constant 0 : i32
      %dma_wait3A_215 = arith.constant 0 : i32
      %dma_wait3A_216 = tpu.memref_slice %arg7[%dma_wait3A_214, %dma_wait3A_215] : memref<42x128xi32, #tpu.memory_space<vmem>> -> memref<1x128xi32, #tpu.memory_space<vmem>>
      %dma_wait3A_217 = tpu.memref_squeeze %dma_wait3A_216 : memref<1x128xi32, #tpu.memory_space<vmem>> -> memref<128xi32, #tpu.memory_space<vmem>>
      %dma_wait3A_218 = arith.constant 0 : i32
      %dma_wait3A_219 = arith.constant 0 : i32
      %dma_wait3A_220 = tpu.memref_slice %arg14[%dma_wait3A_218, %dma_wait3A_219] : memref<10240x64xf32, #tpu.memory_space<vmem_shared>> -> memref<10240x64xf32, #tpu.memory_space<vmem_shared>>
      tpu.wait_indirect_dma semaphore(%arg17 : memref<!tpu.dma_semaphore, #tpu.memory_space<semaphore_mem>>) src(%arg10 : memref<128x64xf32, #tpu.memory_space<vmem>>) dst(%dma_wait3A_220 : memref<10240x64xf32, #tpu.memory_space<vmem_shared>>)
      %add3A_221 = arith.constant 6 : i32
      %add3A_222 = arith.addi %mul3A_103, %add3A_221 : i32
      %add3A_223 = arith.constant 0 : i32
      %add3A_224 = arith.addi %add3A_222, %add3A_223 : i32
      %min3A = arith.constant 41 : i32
      %min3A_225 = arith.minsi %add3A_224, %min3A : i32
      %dma_start3A_226 = arith.constant 0 : i32
      %dma_start3A_227 = tpu.memref_slice %arg6[%min3A_225, %dma_start3A_226] : memref<42x128xi32, #tpu.memory_space<vmem>> -> memref<1x128xi32, #tpu.memory_space<vmem>>
      %dma_start3A_228 = tpu.memref_squeeze %dma_start3A_227 : memref<1x128xi32, #tpu.memory_space<vmem>> -> memref<128xi32, #tpu.memory_space<vmem>>
      %dma_start3A_229 = arith.constant 0 : i32
      %dma_start3A_230 = arith.constant 0 : i32
      %dma_start3A_231 = tpu.memref_slice %arg3[%dma_start3A_229, %dma_start3A_230] : memref<10240x64xf32, #tpu.memory_space<hbm>> -> memref<10240x64xf32, #tpu.memory_space<hbm>>
      tpu.enqueue_indirect_dma source(%dma_start3A_231 : memref<10240x64xf32, #tpu.memory_space<hbm>>) target(%arg8 : memref<128x64xf32, #tpu.memory_space<vmem>>) offsets(%dma_start3A_228 : memref<128xi32, #tpu.memory_space<vmem>>) semaphore(%arg15 : memref<!tpu.dma_semaphore, #tpu.memory_space<semaphore_mem>>)
      %add3A_232 = arith.constant 6 : i32
      %add3A_233 = arith.addi %mul3A_103, %add3A_232 : i32
      %add3A_234 = arith.constant 1 : i32
      %add3A_235 = arith.addi %add3A_233, %add3A_234 : i32
      %min3A_236 = arith.constant 41 : i32
      %min3A_237 = arith.minsi %add3A_235, %min3A_236 : i32
      %dma_start3A_238 = arith.constant 0 : i32
      %dma_start3A_239 = tpu.memref_slice %arg6[%min3A_237, %dma_start3A_238] : memref<42x128xi32, #tpu.memory_space<vmem>> -> memref<1x128xi32, #tpu.memory_space<vmem>>
      %dma_start3A_240 = tpu.memref_squeeze %dma_start3A_239 : memref<1x128xi32, #tpu.memory_space<vmem>> -> memref<128xi32, #tpu.memory_space<vmem>>
      %dma_start3A_241 = arith.constant 0 : i32
      %dma_start3A_242 = arith.constant 0 : i32
      %dma_start3A_243 = tpu.memref_slice %arg3[%dma_start3A_241, %dma_start3A_242] : memref<10240x64xf32, #tpu.memory_space<hbm>> -> memref<10240x64xf32, #tpu.memory_space<hbm>>
      tpu.enqueue_indirect_dma source(%dma_start3A_243 : memref<10240x64xf32, #tpu.memory_space<hbm>>) target(%arg9 : memref<128x64xf32, #tpu.memory_space<vmem>>) offsets(%dma_start3A_240 : memref<128xi32, #tpu.memory_space<vmem>>) semaphore(%arg15 : memref<!tpu.dma_semaphore, #tpu.memory_space<semaphore_mem>>)
      %add3A_244 = arith.constant 6 : i32
      %add3A_245 = arith.addi %mul3A_103, %add3A_244 : i32
      %add3A_246 = arith.constant 2 : i32
      %add3A_247 = arith.addi %add3A_245, %add3A_246 : i32
      %min3A_248 = arith.constant 41 : i32
      %min3A_249 = arith.minsi %add3A_247, %min3A_248 : i32
      %dma_start3A_250 = arith.constant 0 : i32
      %dma_start3A_251 = tpu.memref_slice %arg6[%min3A_249, %dma_start3A_250] : memref<42x128xi32, #tpu.memory_space<vmem>> -> memref<1x128xi32, #tpu.memory_space<vmem>>
      %dma_start3A_252 = tpu.memref_squeeze %dma_start3A_251 : memref<1x128xi32, #tpu.memory_space<vmem>> -> memref<128xi32, #tpu.memory_space<vmem>>
      %dma_start3A_253 = arith.constant 0 : i32
      %dma_start3A_254 = arith.constant 0 : i32
      %dma_start3A_255 = tpu.memref_slice %arg3[%dma_start3A_253, %dma_start3A_254] : memref<10240x64xf32, #tpu.memory_space<hbm>> -> memref<10240x64xf32, #tpu.memory_space<hbm>>
      tpu.enqueue_indirect_dma source(%dma_start3A_255 : memref<10240x64xf32, #tpu.memory_space<hbm>>) target(%arg10 : memref<128x64xf32, #tpu.memory_space<vmem>>) offsets(%dma_start3A_252 : memref<128xi32, #tpu.memory_space<vmem>>) semaphore(%arg15 : memref<!tpu.dma_semaphore, #tpu.memory_space<semaphore_mem>>)
      %dma_wait3A_256 = arith.constant 0 : i32
      %dma_wait3A_257 = arith.constant 0 : i32
      %dma_wait3A_258 = tpu.memref_slice %arg7[%dma_wait3A_256, %dma_wait3A_257] : memref<42x128xi32, #tpu.memory_space<vmem>> -> memref<1x128xi32, #tpu.memory_space<vmem>>
      %dma_wait3A_259 = tpu.memref_squeeze %dma_wait3A_258 : memref<1x128xi32, #tpu.memory_space<vmem>> -> memref<128xi32, #tpu.memory_space<vmem>>
      %dma_wait3A_260 = arith.constant 0 : i32
      %dma_wait3A_261 = arith.constant 0 : i32
      %dma_wait3A_262 = tpu.memref_slice %arg14[%dma_wait3A_260, %dma_wait3A_261] : memref<10240x64xf32, #tpu.memory_space<vmem_shared>> -> memref<10240x64xf32, #tpu.memory_space<vmem_shared>>
      tpu.wait_indirect_dma semaphore(%arg18 : memref<!tpu.dma_semaphore, #tpu.memory_space<semaphore_mem>>) src(%arg11 : memref<128x64xf32, #tpu.memory_space<vmem>>) dst(%dma_wait3A_262 : memref<10240x64xf32, #tpu.memory_space<vmem_shared>>)
      %dma_wait3A_263 = arith.constant 0 : i32
      %dma_wait3A_264 = arith.constant 0 : i32
      %dma_wait3A_265 = tpu.memref_slice %arg7[%dma_wait3A_263, %dma_wait3A_264] : memref<42x128xi32, #tpu.memory_space<vmem>> -> memref<1x128xi32, #tpu.memory_space<vmem>>
      %dma_wait3A_266 = tpu.memref_squeeze %dma_wait3A_265 : memref<1x128xi32, #tpu.memory_space<vmem>> -> memref<128xi32, #tpu.memory_space<vmem>>
      %dma_wait3A_267 = arith.constant 0 : i32
      %dma_wait3A_268 = arith.constant 0 : i32
      %dma_wait3A_269 = tpu.memref_slice %arg14[%dma_wait3A_267, %dma_wait3A_268] : memref<10240x64xf32, #tpu.memory_space<vmem_shared>> -> memref<10240x64xf32, #tpu.memory_space<vmem_shared>>
      tpu.wait_indirect_dma semaphore(%arg18 : memref<!tpu.dma_semaphore, #tpu.memory_space<semaphore_mem>>) src(%arg12 : memref<128x64xf32, #tpu.memory_space<vmem>>) dst(%dma_wait3A_269 : memref<10240x64xf32, #tpu.memory_space<vmem_shared>>)
      %dma_wait3A_270 = arith.constant 0 : i32
      %dma_wait3A_271 = arith.constant 0 : i32
      %dma_wait3A_272 = tpu.memref_slice %arg7[%dma_wait3A_270, %dma_wait3A_271] : memref<42x128xi32, #tpu.memory_space<vmem>> -> memref<1x128xi32, #tpu.memory_space<vmem>>
      %dma_wait3A_273 = tpu.memref_squeeze %dma_wait3A_272 : memref<1x128xi32, #tpu.memory_space<vmem>> -> memref<128xi32, #tpu.memory_space<vmem>>
      %dma_wait3A_274 = arith.constant 0 : i32
      %dma_wait3A_275 = arith.constant 0 : i32
      %dma_wait3A_276 = tpu.memref_slice %arg14[%dma_wait3A_274, %dma_wait3A_275] : memref<10240x64xf32, #tpu.memory_space<vmem_shared>> -> memref<10240x64xf32, #tpu.memory_space<vmem_shared>>
      tpu.wait_indirect_dma semaphore(%arg18 : memref<!tpu.dma_semaphore, #tpu.memory_space<semaphore_mem>>) src(%arg13 : memref<128x64xf32, #tpu.memory_space<vmem>>) dst(%dma_wait3A_276 : memref<10240x64xf32, #tpu.memory_space<vmem_shared>>)
      %add3A_277 = arith.constant 9 : i32
      %add3A_278 = arith.addi %mul3A_103, %add3A_277 : i32
      %add3A_279 = arith.constant 0 : i32
      %add3A_280 = arith.addi %add3A_278, %add3A_279 : i32
      %min3A_281 = arith.constant 41 : i32
      %min3A_282 = arith.minsi %add3A_280, %min3A_281 : i32
      %dma_start3A_283 = arith.constant 0 : i32
      %dma_start3A_284 = tpu.memref_slice %arg6[%min3A_282, %dma_start3A_283] : memref<42x128xi32, #tpu.memory_space<vmem>> -> memref<1x128xi32, #tpu.memory_space<vmem>>
      %dma_start3A_285 = tpu.memref_squeeze %dma_start3A_284 : memref<1x128xi32, #tpu.memory_space<vmem>> -> memref<128xi32, #tpu.memory_space<vmem>>
      %dma_start3A_286 = arith.constant 0 : i32
      %dma_start3A_287 = arith.constant 0 : i32
      %dma_start3A_288 = tpu.memref_slice %arg3[%dma_start3A_286, %dma_start3A_287] : memref<10240x64xf32, #tpu.memory_space<hbm>> -> memref<10240x64xf32, #tpu.memory_space<hbm>>
      tpu.enqueue_indirect_dma source(%dma_start3A_288 : memref<10240x64xf32, #tpu.memory_space<hbm>>) target(%arg11 : memref<128x64xf32, #tpu.memory_space<vmem>>) offsets(%dma_start3A_285 : memref<128xi32, #tpu.memory_space<vmem>>) semaphore(%arg16 : memref<!tpu.dma_semaphore, #tpu.memory_space<semaphore_mem>>)
      %add3A_289 = arith.constant 9 : i32
      %add3A_290 = arith.addi %mul3A_103, %add3A_289 : i32
      %add3A_291 = arith.constant 1 : i32
      %add3A_292 = arith.addi %add3A_290, %add3A_291 : i32
      %min3A_293 = arith.constant 41 : i32
      %min3A_294 = arith.minsi %add3A_292, %min3A_293 : i32
      %dma_start3A_295 = arith.constant 0 : i32
      %dma_start3A_296 = tpu.memref_slice %arg6[%min3A_294, %dma_start3A_295] : memref<42x128xi32, #tpu.memory_space<vmem>> -> memref<1x128xi32, #tpu.memory_space<vmem>>
      %dma_start3A_297 = tpu.memref_squeeze %dma_start3A_296 : memref<1x128xi32, #tpu.memory_space<vmem>> -> memref<128xi32, #tpu.memory_space<vmem>>
      %dma_start3A_298 = arith.constant 0 : i32
      %dma_start3A_299 = arith.constant 0 : i32
      %dma_start3A_300 = tpu.memref_slice %arg3[%dma_start3A_298, %dma_start3A_299] : memref<10240x64xf32, #tpu.memory_space<hbm>> -> memref<10240x64xf32, #tpu.memory_space<hbm>>
      tpu.enqueue_indirect_dma source(%dma_start3A_300 : memref<10240x64xf32, #tpu.memory_space<hbm>>) target(%arg12 : memref<128x64xf32, #tpu.memory_space<vmem>>) offsets(%dma_start3A_297 : memref<128xi32, #tpu.memory_space<vmem>>) semaphore(%arg16 : memref<!tpu.dma_semaphore, #tpu.memory_space<semaphore_mem>>)
      %add3A_301 = arith.constant 9 : i32
      %add3A_302 = arith.addi %mul3A_103, %add3A_301 : i32
      %add3A_303 = arith.constant 2 : i32
      %add3A_304 = arith.addi %add3A_302, %add3A_303 : i32
      %min3A_305 = arith.constant 41 : i32
      %min3A_306 = arith.minsi %add3A_304, %min3A_305 : i32
      %dma_start3A_307 = arith.constant 0 : i32
      %dma_start3A_308 = tpu.memref_slice %arg6[%min3A_306, %dma_start3A_307] : memref<42x128xi32, #tpu.memory_space<vmem>> -> memref<1x128xi32, #tpu.memory_space<vmem>>
      %dma_start3A_309 = tpu.memref_squeeze %dma_start3A_308 : memref<1x128xi32, #tpu.memory_space<vmem>> -> memref<128xi32, #tpu.memory_space<vmem>>
      %dma_start3A_310 = arith.constant 0 : i32
      %dma_start3A_311 = arith.constant 0 : i32
      %dma_start3A_312 = tpu.memref_slice %arg3[%dma_start3A_310, %dma_start3A_311] : memref<10240x64xf32, #tpu.memory_space<hbm>> -> memref<10240x64xf32, #tpu.memory_space<hbm>>
      tpu.enqueue_indirect_dma source(%dma_start3A_312 : memref<10240x64xf32, #tpu.memory_space<hbm>>) target(%arg13 : memref<128x64xf32, #tpu.memory_space<vmem>>) offsets(%dma_start3A_309 : memref<128xi32, #tpu.memory_space<vmem>>) semaphore(%arg16 : memref<!tpu.dma_semaphore, #tpu.memory_space<semaphore_mem>>)
    }
    %scan3A_54 = arith.constant 7 : i32
    %dma_wait3A = arith.constant 0 : i32
    %dma_wait3A_55 = arith.constant 0 : i32
    %dma_wait3A_56 = tpu.memref_slice %arg6[%dma_wait3A, %dma_wait3A_55] : memref<42x128xi32, #tpu.memory_space<vmem>> -> memref<1x128xi32, #tpu.memory_space<vmem>>
    %dma_wait3A_57 = tpu.memref_squeeze %dma_wait3A_56 : memref<1x128xi32, #tpu.memory_space<vmem>> -> memref<128xi32, #tpu.memory_space<vmem>>
    %dma_wait3A_58 = arith.constant 0 : i32
    %dma_wait3A_59 = arith.constant 0 : i32
    %dma_wait3A_60 = tpu.memref_slice %arg3[%dma_wait3A_58, %dma_wait3A_59] : memref<10240x64xf32, #tpu.memory_space<hbm>> -> memref<10240x64xf32, #tpu.memory_space<hbm>>
    tpu.wait_indirect_dma semaphore(%arg15 : memref<!tpu.dma_semaphore, #tpu.memory_space<semaphore_mem>>) src(%dma_wait3A_60 : memref<10240x64xf32, #tpu.memory_space<hbm>>) dst(%arg8 : memref<128x64xf32, #tpu.memory_space<vmem>>)
    %dma_wait3A_61 = arith.constant 0 : i32
    %dma_wait3A_62 = arith.constant 0 : i32
    %dma_wait3A_63 = tpu.memref_slice %arg6[%dma_wait3A_61, %dma_wait3A_62] : memref<42x128xi32, #tpu.memory_space<vmem>> -> memref<1x128xi32, #tpu.memory_space<vmem>>
    %dma_wait3A_64 = tpu.memref_squeeze %dma_wait3A_63 : memref<1x128xi32, #tpu.memory_space<vmem>> -> memref<128xi32, #tpu.memory_space<vmem>>
    %dma_wait3A_65 = arith.constant 0 : i32
    %dma_wait3A_66 = arith.constant 0 : i32
    %dma_wait3A_67 = tpu.memref_slice %arg3[%dma_wait3A_65, %dma_wait3A_66] : memref<10240x64xf32, #tpu.memory_space<hbm>> -> memref<10240x64xf32, #tpu.memory_space<hbm>>
    tpu.wait_indirect_dma semaphore(%arg16 : memref<!tpu.dma_semaphore, #tpu.memory_space<semaphore_mem>>) src(%dma_wait3A_67 : memref<10240x64xf32, #tpu.memory_space<hbm>>) dst(%arg11 : memref<128x64xf32, #tpu.memory_space<vmem>>)
    %dma_wait3A_68 = arith.constant 0 : i32
    %dma_wait3A_69 = arith.constant 0 : i32
    %dma_wait3A_70 = tpu.memref_slice %arg6[%dma_wait3A_68, %dma_wait3A_69] : memref<42x128xi32, #tpu.memory_space<vmem>> -> memref<1x128xi32, #tpu.memory_space<vmem>>
    %dma_wait3A_71 = tpu.memref_squeeze %dma_wait3A_70 : memref<1x128xi32, #tpu.memory_space<vmem>> -> memref<128xi32, #tpu.memory_space<vmem>>
    %dma_wait3A_72 = arith.constant 0 : i32
    %dma_wait3A_73 = arith.constant 0 : i32
    %dma_wait3A_74 = tpu.memref_slice %arg3[%dma_wait3A_72, %dma_wait3A_73] : memref<10240x64xf32, #tpu.memory_space<hbm>> -> memref<10240x64xf32, #tpu.memory_space<hbm>>
    tpu.wait_indirect_dma semaphore(%arg15 : memref<!tpu.dma_semaphore, #tpu.memory_space<semaphore_mem>>) src(%dma_wait3A_74 : memref<10240x64xf32, #tpu.memory_space<hbm>>) dst(%arg9 : memref<128x64xf32, #tpu.memory_space<vmem>>)
    %dma_wait3A_75 = arith.constant 0 : i32
    %dma_wait3A_76 = arith.constant 0 : i32
    %dma_wait3A_77 = tpu.memref_slice %arg6[%dma_wait3A_75, %dma_wait3A_76] : memref<42x128xi32, #tpu.memory_space<vmem>> -> memref<1x128xi32, #tpu.memory_space<vmem>>
    %dma_wait3A_78 = tpu.memref_squeeze %dma_wait3A_77 : memref<1x128xi32, #tpu.memory_space<vmem>> -> memref<128xi32, #tpu.memory_space<vmem>>
    %dma_wait3A_79 = arith.constant 0 : i32
    %dma_wait3A_80 = arith.constant 0 : i32
    %dma_wait3A_81 = tpu.memref_slice %arg3[%dma_wait3A_79, %dma_wait3A_80] : memref<10240x64xf32, #tpu.memory_space<hbm>> -> memref<10240x64xf32, #tpu.memory_space<hbm>>
    tpu.wait_indirect_dma semaphore(%arg16 : memref<!tpu.dma_semaphore, #tpu.memory_space<semaphore_mem>>) src(%dma_wait3A_81 : memref<10240x64xf32, #tpu.memory_space<hbm>>) dst(%arg12 : memref<128x64xf32, #tpu.memory_space<vmem>>)
    %dma_wait3A_82 = arith.constant 0 : i32
    %dma_wait3A_83 = arith.constant 0 : i32
    %dma_wait3A_84 = tpu.memref_slice %arg6[%dma_wait3A_82, %dma_wait3A_83] : memref<42x128xi32, #tpu.memory_space<vmem>> -> memref<1x128xi32, #tpu.memory_space<vmem>>
    %dma_wait3A_85 = tpu.memref_squeeze %dma_wait3A_84 : memref<1x128xi32, #tpu.memory_space<vmem>> -> memref<128xi32, #tpu.memory_space<vmem>>
    %dma_wait3A_86 = arith.constant 0 : i32
    %dma_wait3A_87 = arith.constant 0 : i32
    %dma_wait3A_88 = tpu.memref_slice %arg3[%dma_wait3A_86, %dma_wait3A_87] : memref<10240x64xf32, #tpu.memory_space<hbm>> -> memref<10240x64xf32, #tpu.memory_space<hbm>>
    tpu.wait_indirect_dma semaphore(%arg15 : memref<!tpu.dma_semaphore, #tpu.memory_space<semaphore_mem>>) src(%dma_wait3A_88 : memref<10240x64xf32, #tpu.memory_space<hbm>>) dst(%arg10 : memref<128x64xf32, #tpu.memory_space<vmem>>)
    %dma_wait3A_89 = arith.constant 0 : i32
    %dma_wait3A_90 = arith.constant 0 : i32
    %dma_wait3A_91 = tpu.memref_slice %arg6[%dma_wait3A_89, %dma_wait3A_90] : memref<42x128xi32, #tpu.memory_space<vmem>> -> memref<1x128xi32, #tpu.memory_space<vmem>>
    %dma_wait3A_92 = tpu.memref_squeeze %dma_wait3A_91 : memref<1x128xi32, #tpu.memory_space<vmem>> -> memref<128xi32, #tpu.memory_space<vmem>>
    %dma_wait3A_93 = arith.constant 0 : i32
    %dma_wait3A_94 = arith.constant 0 : i32
    %dma_wait3A_95 = tpu.memref_slice %arg3[%dma_wait3A_93, %dma_wait3A_94] : memref<10240x64xf32, #tpu.memory_space<hbm>> -> memref<10240x64xf32, #tpu.memory_space<hbm>>
    tpu.wait_indirect_dma semaphore(%arg16 : memref<!tpu.dma_semaphore, #tpu.memory_space<semaphore_mem>>) src(%dma_wait3A_95 : memref<10240x64xf32, #tpu.memory_space<hbm>>) dst(%arg13 : memref<128x64xf32, #tpu.memory_space<vmem>>)
    %barrier3A_96 = arith.constant 0 : index
    tpu.barrier barrier_id(%barrier3A_96)
    %mul3A_97 = arith.constant 640 : i32
    %mul3A_98 = arith.muli %arg1, %mul3A_97 : i32
    %mul3A_99 = arith.constant 640 : i32
    %mul3A_100 = arith.muli %arg1, %mul3A_99 : i32
    "tpu.region"() ({
      %run_scoped3A_101 = tpu.sem_alloc : memref<!tpu.dma_semaphore, #tpu.memory_space<semaphore_mem>>
      %dma_start3A_102 = arith.constant 0 : i32
      %dma_start3A_103 = tpu.memref_slice %arg5[%arg0, %mul3A_100, %dma_start3A_102] : memref<2x10240x64xf32, #tpu.memory_space<hbm>> -> memref<1x640x64xf32, #tpu.memory_space<hbm>>
      %dma_start3A_104 = tpu.memref_squeeze %dma_start3A_103 : memref<1x640x64xf32, #tpu.memory_space<hbm>> -> memref<640x64xf32, #tpu.memory_space<hbm>>
      %dma_start3A_105 = arith.constant 0 : i32
      %dma_start3A_106 = tpu.memref_slice %arg14[%mul3A_98, %dma_start3A_105] : memref<10240x64xf32, #tpu.memory_space<vmem_shared>> -> memref<640x64xf32, #tpu.memory_space<vmem_shared>>
      tpu.enqueue_dma source(%dma_start3A_106 : memref<640x64xf32, #tpu.memory_space<vmem_shared>>) target(%dma_start3A_104 : memref<640x64xf32, #tpu.memory_space<hbm>>) target_semaphore(%run_scoped3A_101 : memref<!tpu.dma_semaphore, #tpu.memory_space<semaphore_mem>>)
      %dma_wait3A_107 = arith.constant 0 : i32
      %dma_wait3A_108 = tpu.memref_slice %arg5[%arg0, %mul3A_100, %dma_wait3A_107] : memref<2x10240x64xf32, #tpu.memory_space<hbm>> -> memref<1x640x64xf32, #tpu.memory_space<hbm>>
      %dma_wait3A_109 = tpu.memref_squeeze %dma_wait3A_108 : memref<1x640x64xf32, #tpu.memory_space<hbm>> -> memref<640x64xf32, #tpu.memory_space<hbm>>
      %dma_wait3A_110 = arith.constant 0 : i32
      %dma_wait3A_111 = tpu.memref_slice %arg14[%mul3A_98, %dma_wait3A_110] : memref<10240x64xf32, #tpu.memory_space<vmem_shared>> -> memref<640x64xf32, #tpu.memory_space<vmem_shared>>
      tpu.wait_dma2 semaphore(%run_scoped3A_101 : memref<!tpu.dma_semaphore, #tpu.memory_space<semaphore_mem>>) src(%dma_wait3A_111 : memref<640x64xf32, #tpu.memory_space<vmem_shared>>) dst(%dma_wait3A_109 : memref<640x64xf32, #tpu.memory_space<hbm>>)
      tpu.yield
    }) : () -> ()
    return
  }
}

#map = affine_map<(d0, d1) -> (0, 0, 0, 0)>
#map1 = affine_map<(d0, d1) -> (0, 0)>
#map2 = affine_map<(d0, d1) -> (0, 0, 0)>
module attributes {stable_mosaic.version = 14 : i64} {
  func.func @agg(%arg0: i32, %arg1: i32, %arg2: memref<2x32x84x64xi32, #tpu.memory_space<hbm>>, %arg3: memref<10240x128xf32, #tpu.memory_space<hbm>>, %arg4: memref<10240x128xf32, #tpu.memory_space<hbm>>, %arg5: memref<2x10240x128xf32, #tpu.memory_space<hbm>>, %arg6: memref<84x64xi32, #tpu.memory_space<vmem>>, %arg7: memref<84x64xi32, #tpu.memory_space<vmem>>, %arg8: memref<64x128xf32, #tpu.memory_space<vmem>>, %arg9: memref<64x128xf32, #tpu.memory_space<vmem>>, %arg10: memref<64x128xf32, #tpu.memory_space<vmem>>, %arg11: memref<64x128xf32, #tpu.memory_space<vmem>>, %arg12: memref<10240x128xf32, #tpu.memory_space<vmem_shared>>, %arg13: memref<!tpu.dma_semaphore, #tpu.memory_space<semaphore_mem>>, %arg14: memref<!tpu.dma_semaphore, #tpu.memory_space<semaphore_mem>>, %arg15: memref<!tpu.dma_semaphore, #tpu.memory_space<semaphore_mem>>, %arg16: memref<!tpu.dma_semaphore, #tpu.memory_space<semaphore_mem>>) attributes {dimension_semantics = [#tpu.dimension_semantics<core_parallel>, #tpu.dimension_semantics<subcore_parallel>], iteration_bounds = array<i64: 2, 16>, scalar_prefetch = 0 : i64, scratch_operands = 11 : i64, tpu.core_type = #tpu.core_type<sc_vector_subcore>, window_params = [{transform_indices = #map}, {transform_indices = #map1}, {transform_indices = #map1}, {transform_indices = #map2}]} {
    %mul3A = arith.constant 16 : i32
    %mul3A_0 = arith.muli %arg0, %mul3A : i32
    %add3A = arith.addi %mul3A_0, %arg1 : i32
    %eq3A = arith.constant 0 : i32
    %eq3A_1 = arith.cmpi eq, %arg0, %eq3A : i32
    %convert_element_type3A = arith.extui %eq3A_1 : i1 to i32
    %cond3A = arith.constant 0 : i32
    %cond3A_2 = arith.cmpi ne, %convert_element_type3A, %cond3A : i32
    scf.if %cond3A_2 {
      %mul3A_73 = arith.constant 640 : i32
      %mul3A_74 = arith.muli %arg1, %mul3A_73 : i32
      %mul3A_75 = arith.constant 640 : i32
      %mul3A_76 = arith.muli %arg1, %mul3A_75 : i32
      "tpu.region"() ({
        %run_scoped3A_77 = tpu.sem_alloc : memref<!tpu.dma_semaphore, #tpu.memory_space<semaphore_mem>>
        %dma_start3A_78 = arith.constant 0 : i32
        %dma_start3A_79 = tpu.memref_slice %arg12[%mul3A_76, %dma_start3A_78] : memref<10240x128xf32, #tpu.memory_space<vmem_shared>> -> memref<640x128xf32, #tpu.memory_space<vmem_shared>>
        %dma_start3A_80 = arith.constant 0 : i32
        %dma_start3A_81 = tpu.memref_slice %arg3[%mul3A_74, %dma_start3A_80] : memref<10240x128xf32, #tpu.memory_space<hbm>> -> memref<640x128xf32, #tpu.memory_space<hbm>>
        tpu.enqueue_dma source(%dma_start3A_81 : memref<640x128xf32, #tpu.memory_space<hbm>>) target(%dma_start3A_79 : memref<640x128xf32, #tpu.memory_space<vmem_shared>>) target_semaphore(%run_scoped3A_77 : memref<!tpu.dma_semaphore, #tpu.memory_space<semaphore_mem>>)
        %dma_wait3A_82 = arith.constant 0 : i32
        %dma_wait3A_83 = tpu.memref_slice %arg12[%mul3A_76, %dma_wait3A_82] : memref<10240x128xf32, #tpu.memory_space<vmem_shared>> -> memref<640x128xf32, #tpu.memory_space<vmem_shared>>
        %dma_wait3A_84 = arith.constant 0 : i32
        %dma_wait3A_85 = tpu.memref_slice %arg3[%mul3A_74, %dma_wait3A_84] : memref<10240x128xf32, #tpu.memory_space<hbm>> -> memref<640x128xf32, #tpu.memory_space<hbm>>
        tpu.wait_dma2 semaphore(%run_scoped3A_77 : memref<!tpu.dma_semaphore, #tpu.memory_space<semaphore_mem>>) src(%dma_wait3A_85 : memref<640x128xf32, #tpu.memory_space<hbm>>) dst(%dma_wait3A_83 : memref<640x128xf32, #tpu.memory_space<vmem_shared>>)
        tpu.yield
      }) : () -> ()
    } else {
    }
    %eq3A_3 = arith.constant 1 : i32
    %eq3A_4 = arith.cmpi eq, %arg0, %eq3A_3 : i32
    %convert_element_type3A_5 = arith.extui %eq3A_4 : i1 to i32
    %cond3A_6 = arith.constant 0 : i32
    %cond3A_7 = arith.cmpi ne, %convert_element_type3A_5, %cond3A_6 : i32
    scf.if %cond3A_7 {
      %mul3A_73 = arith.constant 640 : i32
      %mul3A_74 = arith.muli %arg1, %mul3A_73 : i32
      %mul3A_75 = arith.constant 640 : i32
      %mul3A_76 = arith.muli %arg1, %mul3A_75 : i32
      "tpu.region"() ({
        %run_scoped3A_77 = tpu.sem_alloc : memref<!tpu.dma_semaphore, #tpu.memory_space<semaphore_mem>>
        %dma_start3A_78 = arith.constant 0 : i32
        %dma_start3A_79 = tpu.memref_slice %arg12[%mul3A_76, %dma_start3A_78] : memref<10240x128xf32, #tpu.memory_space<vmem_shared>> -> memref<640x128xf32, #tpu.memory_space<vmem_shared>>
        %dma_start3A_80 = arith.constant 0 : i32
        %dma_start3A_81 = tpu.memref_slice %arg4[%mul3A_74, %dma_start3A_80] : memref<10240x128xf32, #tpu.memory_space<hbm>> -> memref<640x128xf32, #tpu.memory_space<hbm>>
        tpu.enqueue_dma source(%dma_start3A_81 : memref<640x128xf32, #tpu.memory_space<hbm>>) target(%dma_start3A_79 : memref<640x128xf32, #tpu.memory_space<vmem_shared>>) target_semaphore(%run_scoped3A_77 : memref<!tpu.dma_semaphore, #tpu.memory_space<semaphore_mem>>)
        %dma_wait3A_82 = arith.constant 0 : i32
        %dma_wait3A_83 = tpu.memref_slice %arg12[%mul3A_76, %dma_wait3A_82] : memref<10240x128xf32, #tpu.memory_space<vmem_shared>> -> memref<640x128xf32, #tpu.memory_space<vmem_shared>>
        %dma_wait3A_84 = arith.constant 0 : i32
        %dma_wait3A_85 = tpu.memref_slice %arg4[%mul3A_74, %dma_wait3A_84] : memref<10240x128xf32, #tpu.memory_space<hbm>> -> memref<640x128xf32, #tpu.memory_space<hbm>>
        tpu.wait_dma2 semaphore(%run_scoped3A_77 : memref<!tpu.dma_semaphore, #tpu.memory_space<semaphore_mem>>) src(%dma_wait3A_85 : memref<640x128xf32, #tpu.memory_space<hbm>>) dst(%dma_wait3A_83 : memref<640x128xf32, #tpu.memory_space<vmem_shared>>)
        tpu.yield
      }) : () -> ()
    } else {
    }
    %run_scoped3A = arith.constant 0 : i32
    "tpu.region"() ({
      %run_scoped3A_73 = tpu.sem_alloc : memref<!tpu.dma_semaphore, #tpu.memory_space<semaphore_mem>>
      %dma_start3A_74 = arith.constant 0 : i32
      %dma_start3A_75 = arith.constant 0 : i32
      %dma_start3A_76 = tpu.memref_slice %arg2[%run_scoped3A, %add3A, %dma_start3A_74, %dma_start3A_75] : memref<2x32x84x64xi32, #tpu.memory_space<hbm>> -> memref<1x1x84x64xi32, #tpu.memory_space<hbm>>
      %dma_start3A_77 = tpu.memref_squeeze %dma_start3A_76 : memref<1x1x84x64xi32, #tpu.memory_space<hbm>> -> memref<84x64xi32, #tpu.memory_space<hbm>>
      %dma_start3A_78 = arith.constant 0 : i32
      %dma_start3A_79 = arith.constant 0 : i32
      %dma_start3A_80 = tpu.memref_slice %arg2[%run_scoped3A, %add3A, %dma_start3A_78, %dma_start3A_79] : memref<2x32x84x64xi32, #tpu.memory_space<hbm>> -> memref<1x1x84x64xi32, #tpu.memory_space<hbm>>
      %dma_start3A_81 = tpu.memref_squeeze %dma_start3A_80 : memref<1x1x84x64xi32, #tpu.memory_space<hbm>> -> memref<84x64xi32, #tpu.memory_space<hbm>>
      tpu.enqueue_dma source(%dma_start3A_81 : memref<84x64xi32, #tpu.memory_space<hbm>>) target(%arg6 : memref<84x64xi32, #tpu.memory_space<vmem>>) target_semaphore(%run_scoped3A_73 : memref<!tpu.dma_semaphore, #tpu.memory_space<semaphore_mem>>)
      %dma_wait3A_82 = arith.constant 0 : i32
      %dma_wait3A_83 = arith.constant 0 : i32
      %dma_wait3A_84 = tpu.memref_slice %arg2[%run_scoped3A, %add3A, %dma_wait3A_82, %dma_wait3A_83] : memref<2x32x84x64xi32, #tpu.memory_space<hbm>> -> memref<1x1x84x64xi32, #tpu.memory_space<hbm>>
      %dma_wait3A_85 = tpu.memref_squeeze %dma_wait3A_84 : memref<1x1x84x64xi32, #tpu.memory_space<hbm>> -> memref<84x64xi32, #tpu.memory_space<hbm>>
      %dma_wait3A_86 = arith.constant 0 : i32
      %dma_wait3A_87 = arith.constant 0 : i32
      %dma_wait3A_88 = tpu.memref_slice %arg2[%run_scoped3A, %add3A, %dma_wait3A_86, %dma_wait3A_87] : memref<2x32x84x64xi32, #tpu.memory_space<hbm>> -> memref<1x1x84x64xi32, #tpu.memory_space<hbm>>
      %dma_wait3A_89 = tpu.memref_squeeze %dma_wait3A_88 : memref<1x1x84x64xi32, #tpu.memory_space<hbm>> -> memref<84x64xi32, #tpu.memory_space<hbm>>
      tpu.wait_dma2 semaphore(%run_scoped3A_73 : memref<!tpu.dma_semaphore, #tpu.memory_space<semaphore_mem>>) src(%dma_wait3A_89 : memref<84x64xi32, #tpu.memory_space<hbm>>) dst(%arg6 : memref<84x64xi32, #tpu.memory_space<vmem>>)
      tpu.yield
    }) : () -> ()
    %run_scoped3A_8 = arith.constant 1 : i32
    "tpu.region"() ({
      %run_scoped3A_73 = tpu.sem_alloc : memref<!tpu.dma_semaphore, #tpu.memory_space<semaphore_mem>>
      %dma_start3A_74 = arith.constant 0 : i32
      %dma_start3A_75 = arith.constant 0 : i32
      %dma_start3A_76 = tpu.memref_slice %arg2[%run_scoped3A_8, %add3A, %dma_start3A_74, %dma_start3A_75] : memref<2x32x84x64xi32, #tpu.memory_space<hbm>> -> memref<1x1x84x64xi32, #tpu.memory_space<hbm>>
      %dma_start3A_77 = tpu.memref_squeeze %dma_start3A_76 : memref<1x1x84x64xi32, #tpu.memory_space<hbm>> -> memref<84x64xi32, #tpu.memory_space<hbm>>
      %dma_start3A_78 = arith.constant 0 : i32
      %dma_start3A_79 = arith.constant 0 : i32
      %dma_start3A_80 = tpu.memref_slice %arg2[%run_scoped3A_8, %add3A, %dma_start3A_78, %dma_start3A_79] : memref<2x32x84x64xi32, #tpu.memory_space<hbm>> -> memref<1x1x84x64xi32, #tpu.memory_space<hbm>>
      %dma_start3A_81 = tpu.memref_squeeze %dma_start3A_80 : memref<1x1x84x64xi32, #tpu.memory_space<hbm>> -> memref<84x64xi32, #tpu.memory_space<hbm>>
      tpu.enqueue_dma source(%dma_start3A_81 : memref<84x64xi32, #tpu.memory_space<hbm>>) target(%arg7 : memref<84x64xi32, #tpu.memory_space<vmem>>) target_semaphore(%run_scoped3A_73 : memref<!tpu.dma_semaphore, #tpu.memory_space<semaphore_mem>>)
      %dma_wait3A_82 = arith.constant 0 : i32
      %dma_wait3A_83 = arith.constant 0 : i32
      %dma_wait3A_84 = tpu.memref_slice %arg2[%run_scoped3A_8, %add3A, %dma_wait3A_82, %dma_wait3A_83] : memref<2x32x84x64xi32, #tpu.memory_space<hbm>> -> memref<1x1x84x64xi32, #tpu.memory_space<hbm>>
      %dma_wait3A_85 = tpu.memref_squeeze %dma_wait3A_84 : memref<1x1x84x64xi32, #tpu.memory_space<hbm>> -> memref<84x64xi32, #tpu.memory_space<hbm>>
      %dma_wait3A_86 = arith.constant 0 : i32
      %dma_wait3A_87 = arith.constant 0 : i32
      %dma_wait3A_88 = tpu.memref_slice %arg2[%run_scoped3A_8, %add3A, %dma_wait3A_86, %dma_wait3A_87] : memref<2x32x84x64xi32, #tpu.memory_space<hbm>> -> memref<1x1x84x64xi32, #tpu.memory_space<hbm>>
      %dma_wait3A_89 = tpu.memref_squeeze %dma_wait3A_88 : memref<1x1x84x64xi32, #tpu.memory_space<hbm>> -> memref<84x64xi32, #tpu.memory_space<hbm>>
      tpu.wait_dma2 semaphore(%run_scoped3A_73 : memref<!tpu.dma_semaphore, #tpu.memory_space<semaphore_mem>>) src(%dma_wait3A_89 : memref<84x64xi32, #tpu.memory_space<hbm>>) dst(%arg7 : memref<84x64xi32, #tpu.memory_space<vmem>>)
      tpu.yield
    }) : () -> ()
    %dma_start3A = arith.constant 0 : i32
    %dma_start3A_9 = arith.constant 0 : i32
    %dma_start3A_10 = tpu.memref_slice %arg6[%dma_start3A, %dma_start3A_9] : memref<84x64xi32, #tpu.memory_space<vmem>> -> memref<1x64xi32, #tpu.memory_space<vmem>>
    %dma_start3A_11 = tpu.memref_squeeze %dma_start3A_10 : memref<1x64xi32, #tpu.memory_space<vmem>> -> memref<64xi32, #tpu.memory_space<vmem>>
    %dma_start3A_12 = arith.constant 0 : i32
    %dma_start3A_13 = arith.constant 0 : i32
    %dma_start3A_14 = tpu.memref_slice %arg3[%dma_start3A_12, %dma_start3A_13] : memref<10240x128xf32, #tpu.memory_space<hbm>> -> memref<10240x128xf32, #tpu.memory_space<hbm>>
    tpu.enqueue_indirect_dma source(%dma_start3A_14 : memref<10240x128xf32, #tpu.memory_space<hbm>>) target(%arg8 : memref<64x128xf32, #tpu.memory_space<vmem>>) offsets(%dma_start3A_11 : memref<64xi32, #tpu.memory_space<vmem>>) semaphore(%arg13 : memref<!tpu.dma_semaphore, #tpu.memory_space<semaphore_mem>>)
    %dma_start3A_15 = arith.constant 1 : i32
    %dma_start3A_16 = arith.constant 0 : i32
    %dma_start3A_17 = tpu.memref_slice %arg6[%dma_start3A_15, %dma_start3A_16] : memref<84x64xi32, #tpu.memory_space<vmem>> -> memref<1x64xi32, #tpu.memory_space<vmem>>
    %dma_start3A_18 = tpu.memref_squeeze %dma_start3A_17 : memref<1x64xi32, #tpu.memory_space<vmem>> -> memref<64xi32, #tpu.memory_space<vmem>>
    %dma_start3A_19 = arith.constant 0 : i32
    %dma_start3A_20 = arith.constant 0 : i32
    %dma_start3A_21 = tpu.memref_slice %arg3[%dma_start3A_19, %dma_start3A_20] : memref<10240x128xf32, #tpu.memory_space<hbm>> -> memref<10240x128xf32, #tpu.memory_space<hbm>>
    tpu.enqueue_indirect_dma source(%dma_start3A_21 : memref<10240x128xf32, #tpu.memory_space<hbm>>) target(%arg9 : memref<64x128xf32, #tpu.memory_space<vmem>>) offsets(%dma_start3A_18 : memref<64xi32, #tpu.memory_space<vmem>>) semaphore(%arg13 : memref<!tpu.dma_semaphore, #tpu.memory_space<semaphore_mem>>)
    %dma_start3A_22 = arith.constant 2 : i32
    %dma_start3A_23 = arith.constant 0 : i32
    %dma_start3A_24 = tpu.memref_slice %arg6[%dma_start3A_22, %dma_start3A_23] : memref<84x64xi32, #tpu.memory_space<vmem>> -> memref<1x64xi32, #tpu.memory_space<vmem>>
    %dma_start3A_25 = tpu.memref_squeeze %dma_start3A_24 : memref<1x64xi32, #tpu.memory_space<vmem>> -> memref<64xi32, #tpu.memory_space<vmem>>
    %dma_start3A_26 = arith.constant 0 : i32
    %dma_start3A_27 = arith.constant 0 : i32
    %dma_start3A_28 = tpu.memref_slice %arg3[%dma_start3A_26, %dma_start3A_27] : memref<10240x128xf32, #tpu.memory_space<hbm>> -> memref<10240x128xf32, #tpu.memory_space<hbm>>
    tpu.enqueue_indirect_dma source(%dma_start3A_28 : memref<10240x128xf32, #tpu.memory_space<hbm>>) target(%arg10 : memref<64x128xf32, #tpu.memory_space<vmem>>) offsets(%dma_start3A_25 : memref<64xi32, #tpu.memory_space<vmem>>) semaphore(%arg14 : memref<!tpu.dma_semaphore, #tpu.memory_space<semaphore_mem>>)
    %dma_start3A_29 = arith.constant 3 : i32
    %dma_start3A_30 = arith.constant 0 : i32
    %dma_start3A_31 = tpu.memref_slice %arg6[%dma_start3A_29, %dma_start3A_30] : memref<84x64xi32, #tpu.memory_space<vmem>> -> memref<1x64xi32, #tpu.memory_space<vmem>>
    %dma_start3A_32 = tpu.memref_squeeze %dma_start3A_31 : memref<1x64xi32, #tpu.memory_space<vmem>> -> memref<64xi32, #tpu.memory_space<vmem>>
    %dma_start3A_33 = arith.constant 0 : i32
    %dma_start3A_34 = arith.constant 0 : i32
    %dma_start3A_35 = tpu.memref_slice %arg3[%dma_start3A_33, %dma_start3A_34] : memref<10240x128xf32, #tpu.memory_space<hbm>> -> memref<10240x128xf32, #tpu.memory_space<hbm>>
    tpu.enqueue_indirect_dma source(%dma_start3A_35 : memref<10240x128xf32, #tpu.memory_space<hbm>>) target(%arg11 : memref<64x128xf32, #tpu.memory_space<vmem>>) offsets(%dma_start3A_32 : memref<64xi32, #tpu.memory_space<vmem>>) semaphore(%arg14 : memref<!tpu.dma_semaphore, #tpu.memory_space<semaphore_mem>>)
    %barrier3A = arith.constant 0 : index
    tpu.barrier barrier_id(%barrier3A)
    %scan3A = arith.constant 0 : i32
    %scan3A_36 = arith.constant 0 : i32
    %scan3A_37 = arith.constant 21 : i32
    %scan3A_38 = arith.addi %scan3A_36, %scan3A_37 : i32
    %scan3A_39 = arith.constant 1 : i32
    scf.for %scan3A_73 = %scan3A_36 to %scan3A_38 step %scan3A_39  : i32 {
      %mul3A_74 = arith.constant 4 : i32
      %mul3A_75 = arith.muli %mul3A_74, %scan3A_73 : i32
      %dma_wait3A_76 = arith.constant 0 : i32
      %dma_wait3A_77 = arith.constant 0 : i32
      %dma_wait3A_78 = tpu.memref_slice %arg6[%dma_wait3A_76, %dma_wait3A_77] : memref<84x64xi32, #tpu.memory_space<vmem>> -> memref<1x64xi32, #tpu.memory_space<vmem>>
      %dma_wait3A_79 = tpu.memref_squeeze %dma_wait3A_78 : memref<1x64xi32, #tpu.memory_space<vmem>> -> memref<64xi32, #tpu.memory_space<vmem>>
      %dma_wait3A_80 = arith.constant 0 : i32
      %dma_wait3A_81 = arith.constant 0 : i32
      %dma_wait3A_82 = tpu.memref_slice %arg3[%dma_wait3A_80, %dma_wait3A_81] : memref<10240x128xf32, #tpu.memory_space<hbm>> -> memref<10240x128xf32, #tpu.memory_space<hbm>>
      tpu.wait_indirect_dma semaphore(%arg13 : memref<!tpu.dma_semaphore, #tpu.memory_space<semaphore_mem>>) src(%dma_wait3A_82 : memref<10240x128xf32, #tpu.memory_space<hbm>>) dst(%arg8 : memref<64x128xf32, #tpu.memory_space<vmem>>)
      %add3A_83 = arith.constant 0 : i32
      %add3A_84 = arith.addi %mul3A_75, %add3A_83 : i32
      %dma_start3A_85 = arith.constant 0 : i32
      %dma_start3A_86 = tpu.memref_slice %arg7[%add3A_84, %dma_start3A_85] : memref<84x64xi32, #tpu.memory_space<vmem>> -> memref<1x64xi32, #tpu.memory_space<vmem>>
      %dma_start3A_87 = tpu.memref_squeeze %dma_start3A_86 : memref<1x64xi32, #tpu.memory_space<vmem>> -> memref<64xi32, #tpu.memory_space<vmem>>
      %dma_start3A_88 = arith.constant 0 : i32
      %dma_start3A_89 = arith.constant 0 : i32
      %dma_start3A_90 = tpu.memref_slice %arg12[%dma_start3A_88, %dma_start3A_89] : memref<10240x128xf32, #tpu.memory_space<vmem_shared>> -> memref<10240x128xf32, #tpu.memory_space<vmem_shared>>
      tpu.enqueue_indirect_dma source(%arg8 : memref<64x128xf32, #tpu.memory_space<vmem>>) target(%dma_start3A_90 : memref<10240x128xf32, #tpu.memory_space<vmem_shared>>) offsets(%dma_start3A_87 : memref<64xi32, #tpu.memory_space<vmem>>) semaphore(%arg15 : memref<!tpu.dma_semaphore, #tpu.memory_space<semaphore_mem>>) {add = true}
      %dma_wait3A_91 = arith.constant 0 : i32
      %dma_wait3A_92 = arith.constant 0 : i32
      %dma_wait3A_93 = tpu.memref_slice %arg6[%dma_wait3A_91, %dma_wait3A_92] : memref<84x64xi32, #tpu.memory_space<vmem>> -> memref<1x64xi32, #tpu.memory_space<vmem>>
      %dma_wait3A_94 = tpu.memref_squeeze %dma_wait3A_93 : memref<1x64xi32, #tpu.memory_space<vmem>> -> memref<64xi32, #tpu.memory_space<vmem>>
      %dma_wait3A_95 = arith.constant 0 : i32
      %dma_wait3A_96 = arith.constant 0 : i32
      %dma_wait3A_97 = tpu.memref_slice %arg3[%dma_wait3A_95, %dma_wait3A_96] : memref<10240x128xf32, #tpu.memory_space<hbm>> -> memref<10240x128xf32, #tpu.memory_space<hbm>>
      tpu.wait_indirect_dma semaphore(%arg13 : memref<!tpu.dma_semaphore, #tpu.memory_space<semaphore_mem>>) src(%dma_wait3A_97 : memref<10240x128xf32, #tpu.memory_space<hbm>>) dst(%arg9 : memref<64x128xf32, #tpu.memory_space<vmem>>)
      %add3A_98 = arith.constant 1 : i32
      %add3A_99 = arith.addi %mul3A_75, %add3A_98 : i32
      %dma_start3A_100 = arith.constant 0 : i32
      %dma_start3A_101 = tpu.memref_slice %arg7[%add3A_99, %dma_start3A_100] : memref<84x64xi32, #tpu.memory_space<vmem>> -> memref<1x64xi32, #tpu.memory_space<vmem>>
      %dma_start3A_102 = tpu.memref_squeeze %dma_start3A_101 : memref<1x64xi32, #tpu.memory_space<vmem>> -> memref<64xi32, #tpu.memory_space<vmem>>
      %dma_start3A_103 = arith.constant 0 : i32
      %dma_start3A_104 = arith.constant 0 : i32
      %dma_start3A_105 = tpu.memref_slice %arg12[%dma_start3A_103, %dma_start3A_104] : memref<10240x128xf32, #tpu.memory_space<vmem_shared>> -> memref<10240x128xf32, #tpu.memory_space<vmem_shared>>
      tpu.enqueue_indirect_dma source(%arg9 : memref<64x128xf32, #tpu.memory_space<vmem>>) target(%dma_start3A_105 : memref<10240x128xf32, #tpu.memory_space<vmem_shared>>) offsets(%dma_start3A_102 : memref<64xi32, #tpu.memory_space<vmem>>) semaphore(%arg15 : memref<!tpu.dma_semaphore, #tpu.memory_space<semaphore_mem>>) {add = true}
      %dma_wait3A_106 = arith.constant 0 : i32
      %dma_wait3A_107 = arith.constant 0 : i32
      %dma_wait3A_108 = tpu.memref_slice %arg6[%dma_wait3A_106, %dma_wait3A_107] : memref<84x64xi32, #tpu.memory_space<vmem>> -> memref<1x64xi32, #tpu.memory_space<vmem>>
      %dma_wait3A_109 = tpu.memref_squeeze %dma_wait3A_108 : memref<1x64xi32, #tpu.memory_space<vmem>> -> memref<64xi32, #tpu.memory_space<vmem>>
      %dma_wait3A_110 = arith.constant 0 : i32
      %dma_wait3A_111 = arith.constant 0 : i32
      %dma_wait3A_112 = tpu.memref_slice %arg3[%dma_wait3A_110, %dma_wait3A_111] : memref<10240x128xf32, #tpu.memory_space<hbm>> -> memref<10240x128xf32, #tpu.memory_space<hbm>>
      tpu.wait_indirect_dma semaphore(%arg14 : memref<!tpu.dma_semaphore, #tpu.memory_space<semaphore_mem>>) src(%dma_wait3A_112 : memref<10240x128xf32, #tpu.memory_space<hbm>>) dst(%arg10 : memref<64x128xf32, #tpu.memory_space<vmem>>)
      %add3A_113 = arith.constant 2 : i32
      %add3A_114 = arith.addi %mul3A_75, %add3A_113 : i32
      %add3A_115 = arith.constant 0 : i32
      %add3A_116 = arith.addi %add3A_114, %add3A_115 : i32
      %dma_start3A_117 = arith.constant 0 : i32
      %dma_start3A_118 = tpu.memref_slice %arg7[%add3A_116, %dma_start3A_117] : memref<84x64xi32, #tpu.memory_space<vmem>> -> memref<1x64xi32, #tpu.memory_space<vmem>>
      %dma_start3A_119 = tpu.memref_squeeze %dma_start3A_118 : memref<1x64xi32, #tpu.memory_space<vmem>> -> memref<64xi32, #tpu.memory_space<vmem>>
      %dma_start3A_120 = arith.constant 0 : i32
      %dma_start3A_121 = arith.constant 0 : i32
      %dma_start3A_122 = tpu.memref_slice %arg12[%dma_start3A_120, %dma_start3A_121] : memref<10240x128xf32, #tpu.memory_space<vmem_shared>> -> memref<10240x128xf32, #tpu.memory_space<vmem_shared>>
      tpu.enqueue_indirect_dma source(%arg10 : memref<64x128xf32, #tpu.memory_space<vmem>>) target(%dma_start3A_122 : memref<10240x128xf32, #tpu.memory_space<vmem_shared>>) offsets(%dma_start3A_119 : memref<64xi32, #tpu.memory_space<vmem>>) semaphore(%arg16 : memref<!tpu.dma_semaphore, #tpu.memory_space<semaphore_mem>>) {add = true}
      %dma_wait3A_123 = arith.constant 0 : i32
      %dma_wait3A_124 = arith.constant 0 : i32
      %dma_wait3A_125 = tpu.memref_slice %arg6[%dma_wait3A_123, %dma_wait3A_124] : memref<84x64xi32, #tpu.memory_space<vmem>> -> memref<1x64xi32, #tpu.memory_space<vmem>>
      %dma_wait3A_126 = tpu.memref_squeeze %dma_wait3A_125 : memref<1x64xi32, #tpu.memory_space<vmem>> -> memref<64xi32, #tpu.memory_space<vmem>>
      %dma_wait3A_127 = arith.constant 0 : i32
      %dma_wait3A_128 = arith.constant 0 : i32
      %dma_wait3A_129 = tpu.memref_slice %arg3[%dma_wait3A_127, %dma_wait3A_128] : memref<10240x128xf32, #tpu.memory_space<hbm>> -> memref<10240x128xf32, #tpu.memory_space<hbm>>
      tpu.wait_indirect_dma semaphore(%arg14 : memref<!tpu.dma_semaphore, #tpu.memory_space<semaphore_mem>>) src(%dma_wait3A_129 : memref<10240x128xf32, #tpu.memory_space<hbm>>) dst(%arg11 : memref<64x128xf32, #tpu.memory_space<vmem>>)
      %add3A_130 = arith.constant 2 : i32
      %add3A_131 = arith.addi %mul3A_75, %add3A_130 : i32
      %add3A_132 = arith.constant 1 : i32
      %add3A_133 = arith.addi %add3A_131, %add3A_132 : i32
      %dma_start3A_134 = arith.constant 0 : i32
      %dma_start3A_135 = tpu.memref_slice %arg7[%add3A_133, %dma_start3A_134] : memref<84x64xi32, #tpu.memory_space<vmem>> -> memref<1x64xi32, #tpu.memory_space<vmem>>
      %dma_start3A_136 = tpu.memref_squeeze %dma_start3A_135 : memref<1x64xi32, #tpu.memory_space<vmem>> -> memref<64xi32, #tpu.memory_space<vmem>>
      %dma_start3A_137 = arith.constant 0 : i32
      %dma_start3A_138 = arith.constant 0 : i32
      %dma_start3A_139 = tpu.memref_slice %arg12[%dma_start3A_137, %dma_start3A_138] : memref<10240x128xf32, #tpu.memory_space<vmem_shared>> -> memref<10240x128xf32, #tpu.memory_space<vmem_shared>>
      tpu.enqueue_indirect_dma source(%arg11 : memref<64x128xf32, #tpu.memory_space<vmem>>) target(%dma_start3A_139 : memref<10240x128xf32, #tpu.memory_space<vmem_shared>>) offsets(%dma_start3A_136 : memref<64xi32, #tpu.memory_space<vmem>>) semaphore(%arg16 : memref<!tpu.dma_semaphore, #tpu.memory_space<semaphore_mem>>) {add = true}
      %dma_wait3A_140 = arith.constant 0 : i32
      %dma_wait3A_141 = arith.constant 0 : i32
      %dma_wait3A_142 = tpu.memref_slice %arg7[%dma_wait3A_140, %dma_wait3A_141] : memref<84x64xi32, #tpu.memory_space<vmem>> -> memref<1x64xi32, #tpu.memory_space<vmem>>
      %dma_wait3A_143 = tpu.memref_squeeze %dma_wait3A_142 : memref<1x64xi32, #tpu.memory_space<vmem>> -> memref<64xi32, #tpu.memory_space<vmem>>
      %dma_wait3A_144 = arith.constant 0 : i32
      %dma_wait3A_145 = arith.constant 0 : i32
      %dma_wait3A_146 = tpu.memref_slice %arg12[%dma_wait3A_144, %dma_wait3A_145] : memref<10240x128xf32, #tpu.memory_space<vmem_shared>> -> memref<10240x128xf32, #tpu.memory_space<vmem_shared>>
      tpu.wait_indirect_dma semaphore(%arg15 : memref<!tpu.dma_semaphore, #tpu.memory_space<semaphore_mem>>) src(%arg8 : memref<64x128xf32, #tpu.memory_space<vmem>>) dst(%dma_wait3A_146 : memref<10240x128xf32, #tpu.memory_space<vmem_shared>>)
      %dma_wait3A_147 = arith.constant 0 : i32
      %dma_wait3A_148 = arith.constant 0 : i32
      %dma_wait3A_149 = tpu.memref_slice %arg7[%dma_wait3A_147, %dma_wait3A_148] : memref<84x64xi32, #tpu.memory_space<vmem>> -> memref<1x64xi32, #tpu.memory_space<vmem>>
      %dma_wait3A_150 = tpu.memref_squeeze %dma_wait3A_149 : memref<1x64xi32, #tpu.memory_space<vmem>> -> memref<64xi32, #tpu.memory_space<vmem>>
      %dma_wait3A_151 = arith.constant 0 : i32
      %dma_wait3A_152 = arith.constant 0 : i32
      %dma_wait3A_153 = tpu.memref_slice %arg12[%dma_wait3A_151, %dma_wait3A_152] : memref<10240x128xf32, #tpu.memory_space<vmem_shared>> -> memref<10240x128xf32, #tpu.memory_space<vmem_shared>>
      tpu.wait_indirect_dma semaphore(%arg15 : memref<!tpu.dma_semaphore, #tpu.memory_space<semaphore_mem>>) src(%arg9 : memref<64x128xf32, #tpu.memory_space<vmem>>) dst(%dma_wait3A_153 : memref<10240x128xf32, #tpu.memory_space<vmem_shared>>)
      %add3A_154 = arith.constant 4 : i32
      %add3A_155 = arith.addi %mul3A_75, %add3A_154 : i32
      %add3A_156 = arith.constant 0 : i32
      %add3A_157 = arith.addi %add3A_155, %add3A_156 : i32
      %min3A = arith.constant 83 : i32
      %min3A_158 = arith.minsi %add3A_157, %min3A : i32
      %dma_start3A_159 = arith.constant 0 : i32
      %dma_start3A_160 = tpu.memref_slice %arg6[%min3A_158, %dma_start3A_159] : memref<84x64xi32, #tpu.memory_space<vmem>> -> memref<1x64xi32, #tpu.memory_space<vmem>>
      %dma_start3A_161 = tpu.memref_squeeze %dma_start3A_160 : memref<1x64xi32, #tpu.memory_space<vmem>> -> memref<64xi32, #tpu.memory_space<vmem>>
      %dma_start3A_162 = arith.constant 0 : i32
      %dma_start3A_163 = arith.constant 0 : i32
      %dma_start3A_164 = tpu.memref_slice %arg3[%dma_start3A_162, %dma_start3A_163] : memref<10240x128xf32, #tpu.memory_space<hbm>> -> memref<10240x128xf32, #tpu.memory_space<hbm>>
      tpu.enqueue_indirect_dma source(%dma_start3A_164 : memref<10240x128xf32, #tpu.memory_space<hbm>>) target(%arg8 : memref<64x128xf32, #tpu.memory_space<vmem>>) offsets(%dma_start3A_161 : memref<64xi32, #tpu.memory_space<vmem>>) semaphore(%arg13 : memref<!tpu.dma_semaphore, #tpu.memory_space<semaphore_mem>>)
      %add3A_165 = arith.constant 4 : i32
      %add3A_166 = arith.addi %mul3A_75, %add3A_165 : i32
      %add3A_167 = arith.constant 1 : i32
      %add3A_168 = arith.addi %add3A_166, %add3A_167 : i32
      %min3A_169 = arith.constant 83 : i32
      %min3A_170 = arith.minsi %add3A_168, %min3A_169 : i32
      %dma_start3A_171 = arith.constant 0 : i32
      %dma_start3A_172 = tpu.memref_slice %arg6[%min3A_170, %dma_start3A_171] : memref<84x64xi32, #tpu.memory_space<vmem>> -> memref<1x64xi32, #tpu.memory_space<vmem>>
      %dma_start3A_173 = tpu.memref_squeeze %dma_start3A_172 : memref<1x64xi32, #tpu.memory_space<vmem>> -> memref<64xi32, #tpu.memory_space<vmem>>
      %dma_start3A_174 = arith.constant 0 : i32
      %dma_start3A_175 = arith.constant 0 : i32
      %dma_start3A_176 = tpu.memref_slice %arg3[%dma_start3A_174, %dma_start3A_175] : memref<10240x128xf32, #tpu.memory_space<hbm>> -> memref<10240x128xf32, #tpu.memory_space<hbm>>
      tpu.enqueue_indirect_dma source(%dma_start3A_176 : memref<10240x128xf32, #tpu.memory_space<hbm>>) target(%arg9 : memref<64x128xf32, #tpu.memory_space<vmem>>) offsets(%dma_start3A_173 : memref<64xi32, #tpu.memory_space<vmem>>) semaphore(%arg13 : memref<!tpu.dma_semaphore, #tpu.memory_space<semaphore_mem>>)
      %dma_wait3A_177 = arith.constant 0 : i32
      %dma_wait3A_178 = arith.constant 0 : i32
      %dma_wait3A_179 = tpu.memref_slice %arg7[%dma_wait3A_177, %dma_wait3A_178] : memref<84x64xi32, #tpu.memory_space<vmem>> -> memref<1x64xi32, #tpu.memory_space<vmem>>
      %dma_wait3A_180 = tpu.memref_squeeze %dma_wait3A_179 : memref<1x64xi32, #tpu.memory_space<vmem>> -> memref<64xi32, #tpu.memory_space<vmem>>
      %dma_wait3A_181 = arith.constant 0 : i32
      %dma_wait3A_182 = arith.constant 0 : i32
      %dma_wait3A_183 = tpu.memref_slice %arg12[%dma_wait3A_181, %dma_wait3A_182] : memref<10240x128xf32, #tpu.memory_space<vmem_shared>> -> memref<10240x128xf32, #tpu.memory_space<vmem_shared>>
      tpu.wait_indirect_dma semaphore(%arg16 : memref<!tpu.dma_semaphore, #tpu.memory_space<semaphore_mem>>) src(%arg10 : memref<64x128xf32, #tpu.memory_space<vmem>>) dst(%dma_wait3A_183 : memref<10240x128xf32, #tpu.memory_space<vmem_shared>>)
      %dma_wait3A_184 = arith.constant 0 : i32
      %dma_wait3A_185 = arith.constant 0 : i32
      %dma_wait3A_186 = tpu.memref_slice %arg7[%dma_wait3A_184, %dma_wait3A_185] : memref<84x64xi32, #tpu.memory_space<vmem>> -> memref<1x64xi32, #tpu.memory_space<vmem>>
      %dma_wait3A_187 = tpu.memref_squeeze %dma_wait3A_186 : memref<1x64xi32, #tpu.memory_space<vmem>> -> memref<64xi32, #tpu.memory_space<vmem>>
      %dma_wait3A_188 = arith.constant 0 : i32
      %dma_wait3A_189 = arith.constant 0 : i32
      %dma_wait3A_190 = tpu.memref_slice %arg12[%dma_wait3A_188, %dma_wait3A_189] : memref<10240x128xf32, #tpu.memory_space<vmem_shared>> -> memref<10240x128xf32, #tpu.memory_space<vmem_shared>>
      tpu.wait_indirect_dma semaphore(%arg16 : memref<!tpu.dma_semaphore, #tpu.memory_space<semaphore_mem>>) src(%arg11 : memref<64x128xf32, #tpu.memory_space<vmem>>) dst(%dma_wait3A_190 : memref<10240x128xf32, #tpu.memory_space<vmem_shared>>)
      %add3A_191 = arith.constant 6 : i32
      %add3A_192 = arith.addi %mul3A_75, %add3A_191 : i32
      %add3A_193 = arith.constant 0 : i32
      %add3A_194 = arith.addi %add3A_192, %add3A_193 : i32
      %min3A_195 = arith.constant 83 : i32
      %min3A_196 = arith.minsi %add3A_194, %min3A_195 : i32
      %dma_start3A_197 = arith.constant 0 : i32
      %dma_start3A_198 = tpu.memref_slice %arg6[%min3A_196, %dma_start3A_197] : memref<84x64xi32, #tpu.memory_space<vmem>> -> memref<1x64xi32, #tpu.memory_space<vmem>>
      %dma_start3A_199 = tpu.memref_squeeze %dma_start3A_198 : memref<1x64xi32, #tpu.memory_space<vmem>> -> memref<64xi32, #tpu.memory_space<vmem>>
      %dma_start3A_200 = arith.constant 0 : i32
      %dma_start3A_201 = arith.constant 0 : i32
      %dma_start3A_202 = tpu.memref_slice %arg3[%dma_start3A_200, %dma_start3A_201] : memref<10240x128xf32, #tpu.memory_space<hbm>> -> memref<10240x128xf32, #tpu.memory_space<hbm>>
      tpu.enqueue_indirect_dma source(%dma_start3A_202 : memref<10240x128xf32, #tpu.memory_space<hbm>>) target(%arg10 : memref<64x128xf32, #tpu.memory_space<vmem>>) offsets(%dma_start3A_199 : memref<64xi32, #tpu.memory_space<vmem>>) semaphore(%arg14 : memref<!tpu.dma_semaphore, #tpu.memory_space<semaphore_mem>>)
      %add3A_203 = arith.constant 6 : i32
      %add3A_204 = arith.addi %mul3A_75, %add3A_203 : i32
      %add3A_205 = arith.constant 1 : i32
      %add3A_206 = arith.addi %add3A_204, %add3A_205 : i32
      %min3A_207 = arith.constant 83 : i32
      %min3A_208 = arith.minsi %add3A_206, %min3A_207 : i32
      %dma_start3A_209 = arith.constant 0 : i32
      %dma_start3A_210 = tpu.memref_slice %arg6[%min3A_208, %dma_start3A_209] : memref<84x64xi32, #tpu.memory_space<vmem>> -> memref<1x64xi32, #tpu.memory_space<vmem>>
      %dma_start3A_211 = tpu.memref_squeeze %dma_start3A_210 : memref<1x64xi32, #tpu.memory_space<vmem>> -> memref<64xi32, #tpu.memory_space<vmem>>
      %dma_start3A_212 = arith.constant 0 : i32
      %dma_start3A_213 = arith.constant 0 : i32
      %dma_start3A_214 = tpu.memref_slice %arg3[%dma_start3A_212, %dma_start3A_213] : memref<10240x128xf32, #tpu.memory_space<hbm>> -> memref<10240x128xf32, #tpu.memory_space<hbm>>
      tpu.enqueue_indirect_dma source(%dma_start3A_214 : memref<10240x128xf32, #tpu.memory_space<hbm>>) target(%arg11 : memref<64x128xf32, #tpu.memory_space<vmem>>) offsets(%dma_start3A_211 : memref<64xi32, #tpu.memory_space<vmem>>) semaphore(%arg14 : memref<!tpu.dma_semaphore, #tpu.memory_space<semaphore_mem>>)
    }
    %scan3A_40 = arith.constant 21 : i32
    %dma_wait3A = arith.constant 0 : i32
    %dma_wait3A_41 = arith.constant 0 : i32
    %dma_wait3A_42 = tpu.memref_slice %arg6[%dma_wait3A, %dma_wait3A_41] : memref<84x64xi32, #tpu.memory_space<vmem>> -> memref<1x64xi32, #tpu.memory_space<vmem>>
    %dma_wait3A_43 = tpu.memref_squeeze %dma_wait3A_42 : memref<1x64xi32, #tpu.memory_space<vmem>> -> memref<64xi32, #tpu.memory_space<vmem>>
    %dma_wait3A_44 = arith.constant 0 : i32
    %dma_wait3A_45 = arith.constant 0 : i32
    %dma_wait3A_46 = tpu.memref_slice %arg3[%dma_wait3A_44, %dma_wait3A_45] : memref<10240x128xf32, #tpu.memory_space<hbm>> -> memref<10240x128xf32, #tpu.memory_space<hbm>>
    tpu.wait_indirect_dma semaphore(%arg13 : memref<!tpu.dma_semaphore, #tpu.memory_space<semaphore_mem>>) src(%dma_wait3A_46 : memref<10240x128xf32, #tpu.memory_space<hbm>>) dst(%arg8 : memref<64x128xf32, #tpu.memory_space<vmem>>)
    %dma_wait3A_47 = arith.constant 0 : i32
    %dma_wait3A_48 = arith.constant 0 : i32
    %dma_wait3A_49 = tpu.memref_slice %arg6[%dma_wait3A_47, %dma_wait3A_48] : memref<84x64xi32, #tpu.memory_space<vmem>> -> memref<1x64xi32, #tpu.memory_space<vmem>>
    %dma_wait3A_50 = tpu.memref_squeeze %dma_wait3A_49 : memref<1x64xi32, #tpu.memory_space<vmem>> -> memref<64xi32, #tpu.memory_space<vmem>>
    %dma_wait3A_51 = arith.constant 0 : i32
    %dma_wait3A_52 = arith.constant 0 : i32
    %dma_wait3A_53 = tpu.memref_slice %arg3[%dma_wait3A_51, %dma_wait3A_52] : memref<10240x128xf32, #tpu.memory_space<hbm>> -> memref<10240x128xf32, #tpu.memory_space<hbm>>
    tpu.wait_indirect_dma semaphore(%arg14 : memref<!tpu.dma_semaphore, #tpu.memory_space<semaphore_mem>>) src(%dma_wait3A_53 : memref<10240x128xf32, #tpu.memory_space<hbm>>) dst(%arg10 : memref<64x128xf32, #tpu.memory_space<vmem>>)
    %dma_wait3A_54 = arith.constant 0 : i32
    %dma_wait3A_55 = arith.constant 0 : i32
    %dma_wait3A_56 = tpu.memref_slice %arg6[%dma_wait3A_54, %dma_wait3A_55] : memref<84x64xi32, #tpu.memory_space<vmem>> -> memref<1x64xi32, #tpu.memory_space<vmem>>
    %dma_wait3A_57 = tpu.memref_squeeze %dma_wait3A_56 : memref<1x64xi32, #tpu.memory_space<vmem>> -> memref<64xi32, #tpu.memory_space<vmem>>
    %dma_wait3A_58 = arith.constant 0 : i32
    %dma_wait3A_59 = arith.constant 0 : i32
    %dma_wait3A_60 = tpu.memref_slice %arg3[%dma_wait3A_58, %dma_wait3A_59] : memref<10240x128xf32, #tpu.memory_space<hbm>> -> memref<10240x128xf32, #tpu.memory_space<hbm>>
    tpu.wait_indirect_dma semaphore(%arg13 : memref<!tpu.dma_semaphore, #tpu.memory_space<semaphore_mem>>) src(%dma_wait3A_60 : memref<10240x128xf32, #tpu.memory_space<hbm>>) dst(%arg9 : memref<64x128xf32, #tpu.memory_space<vmem>>)
    %dma_wait3A_61 = arith.constant 0 : i32
    %dma_wait3A_62 = arith.constant 0 : i32
    %dma_wait3A_63 = tpu.memref_slice %arg6[%dma_wait3A_61, %dma_wait3A_62] : memref<84x64xi32, #tpu.memory_space<vmem>> -> memref<1x64xi32, #tpu.memory_space<vmem>>
    %dma_wait3A_64 = tpu.memref_squeeze %dma_wait3A_63 : memref<1x64xi32, #tpu.memory_space<vmem>> -> memref<64xi32, #tpu.memory_space<vmem>>
    %dma_wait3A_65 = arith.constant 0 : i32
    %dma_wait3A_66 = arith.constant 0 : i32
    %dma_wait3A_67 = tpu.memref_slice %arg3[%dma_wait3A_65, %dma_wait3A_66] : memref<10240x128xf32, #tpu.memory_space<hbm>> -> memref<10240x128xf32, #tpu.memory_space<hbm>>
    tpu.wait_indirect_dma semaphore(%arg14 : memref<!tpu.dma_semaphore, #tpu.memory_space<semaphore_mem>>) src(%dma_wait3A_67 : memref<10240x128xf32, #tpu.memory_space<hbm>>) dst(%arg11 : memref<64x128xf32, #tpu.memory_space<vmem>>)
    %barrier3A_68 = arith.constant 0 : index
    tpu.barrier barrier_id(%barrier3A_68)
    %mul3A_69 = arith.constant 640 : i32
    %mul3A_70 = arith.muli %arg1, %mul3A_69 : i32
    %mul3A_71 = arith.constant 640 : i32
    %mul3A_72 = arith.muli %arg1, %mul3A_71 : i32
    "tpu.region"() ({
      %run_scoped3A_73 = tpu.sem_alloc : memref<!tpu.dma_semaphore, #tpu.memory_space<semaphore_mem>>
      %dma_start3A_74 = arith.constant 0 : i32
      %dma_start3A_75 = tpu.memref_slice %arg5[%arg0, %mul3A_72, %dma_start3A_74] : memref<2x10240x128xf32, #tpu.memory_space<hbm>> -> memref<1x640x128xf32, #tpu.memory_space<hbm>>
      %dma_start3A_76 = tpu.memref_squeeze %dma_start3A_75 : memref<1x640x128xf32, #tpu.memory_space<hbm>> -> memref<640x128xf32, #tpu.memory_space<hbm>>
      %dma_start3A_77 = arith.constant 0 : i32
      %dma_start3A_78 = tpu.memref_slice %arg12[%mul3A_70, %dma_start3A_77] : memref<10240x128xf32, #tpu.memory_space<vmem_shared>> -> memref<640x128xf32, #tpu.memory_space<vmem_shared>>
      tpu.enqueue_dma source(%dma_start3A_78 : memref<640x128xf32, #tpu.memory_space<vmem_shared>>) target(%dma_start3A_76 : memref<640x128xf32, #tpu.memory_space<hbm>>) target_semaphore(%run_scoped3A_73 : memref<!tpu.dma_semaphore, #tpu.memory_space<semaphore_mem>>)
      %dma_wait3A_79 = arith.constant 0 : i32
      %dma_wait3A_80 = tpu.memref_slice %arg5[%arg0, %mul3A_72, %dma_wait3A_79] : memref<2x10240x128xf32, #tpu.memory_space<hbm>> -> memref<1x640x128xf32, #tpu.memory_space<hbm>>
      %dma_wait3A_81 = tpu.memref_squeeze %dma_wait3A_80 : memref<1x640x128xf32, #tpu.memory_space<hbm>> -> memref<640x128xf32, #tpu.memory_space<hbm>>
      %dma_wait3A_82 = arith.constant 0 : i32
      %dma_wait3A_83 = tpu.memref_slice %arg12[%mul3A_70, %dma_wait3A_82] : memref<10240x128xf32, #tpu.memory_space<vmem_shared>> -> memref<640x128xf32, #tpu.memory_space<vmem_shared>>
      tpu.wait_dma2 semaphore(%run_scoped3A_73 : memref<!tpu.dma_semaphore, #tpu.memory_space<semaphore_mem>>) src(%dma_wait3A_83 : memref<640x128xf32, #tpu.memory_space<vmem_shared>>) dst(%dma_wait3A_81 : memref<640x128xf32, #tpu.memory_space<hbm>>)
      tpu.yield
    }) : () -> ()
    return
  }
}

module attributes {stable_mosaic.version = 14 : i64} {
  func.func @_mlp_body(%arg0: i32, %arg1: memref<2x2048x128xf32, #tpu.memory_space<vmem>>, %arg2: memref<2048x1xf32, #tpu.memory_space<vmem>>, %arg3: memref<128x2048xf32, #tpu.memory_space<vmem>>, %arg4: memref<1x2048xf32, #tpu.memory_space<vmem>>, %arg5: memref<2048x64xf32, #tpu.memory_space<vmem>>, %arg6: memref<2048x64xf32, #tpu.memory_space<vmem>>) attributes {dimension_semantics = [#tpu.dimension_semantics<arbitrary>], iteration_bounds = array<i64: 5>, scalar_prefetch = 0 : i64, scratch_operands = 0 : i64, tpu.core_type = #tpu.core_type<tc>, window_params = [{transform_indices = @transform_0, window_bounds = array<i64: 2, 2048, 128>}, {transform_indices = @transform_1, window_bounds = array<i64: 2048, 1>}, {pipeline_mode = #tpu.pipeline_mode<synchronous>, transform_indices = @transform_2, window_bounds = array<i64: 128, 2048>}, {pipeline_mode = #tpu.pipeline_mode<synchronous>, transform_indices = @transform_3, window_bounds = array<i64: 1, 2048>}, {pipeline_mode = #tpu.pipeline_mode<synchronous>, transform_indices = @transform_4, window_bounds = array<i64: 2048, 64>}, {transform_indices = @transform_5, window_bounds = array<i64: 2048, 64>}]} {
    %get3A = arith.constant 0 : index
    %get3A_0 = arith.constant 0 : index
    %get3A_1 = vector.load %arg2[%get3A, %get3A_0] : memref<2048x1xf32, #tpu.memory_space<vmem>>, vector<2048x1xf32>
    %get3A_2 = arith.constant 0 : index
    %get3A_3 = arith.constant 0 : index
    %get3A_4 = arith.constant 0 : index
    %get3A_5 = vector.load %arg1[%get3A_2, %get3A_3, %get3A_4] : memref<2x2048x128xf32, #tpu.memory_space<vmem>>, vector<1x2048x128xf32>
    %get3A_6 = vector.shape_cast %get3A_5 : vector<1x2048x128xf32> to vector<2048x128xf32>
    %get3A_7 = arith.constant 1 : index
    %get3A_8 = arith.constant 0 : index
    %get3A_9 = arith.constant 0 : index
    %get3A_10 = vector.load %arg1[%get3A_7, %get3A_8, %get3A_9] : memref<2x2048x128xf32, #tpu.memory_space<vmem>>, vector<1x2048x128xf32>
    %get3A_11 = vector.shape_cast %get3A_10 : vector<1x2048x128xf32> to vector<2048x128xf32>
    %add3A = arith.addf %get3A_6, %get3A_11 : vector<2048x128xf32>
    %mul3A = vector.broadcast %get3A_1 : vector<2048x1xf32> to vector<2048x128xf32>
    %mul3A_12 = arith.mulf %add3A, %mul3A : vector<2048x128xf32>
    %get3A_13 = arith.constant 0 : index
    %get3A_14 = arith.constant 0 : index
    %get3A_15 = vector.load %arg3[%get3A_13, %get3A_14] : memref<128x2048xf32, #tpu.memory_space<vmem>>, vector<128x2048xf32>
    %dot_general3A = arith.constant dense<0.000000e+00> : vector<2048x2048xf32>
    %dot_general3A_16 = tpu.matmul %mul3A_12, %get3A_15, %dot_general3A {dimension_numbers = #tpu.dot_dimension_numbers<[1], [0], [0], [1], [0, 0, 1, 1], [], []>, transpose_lhs_hint = false} : vector<2048x128xf32>, vector<128x2048xf32>, vector<2048x2048xf32> -> vector<2048x2048xf32>
    %get3A_17 = arith.constant 0 : index
    %get3A_18 = arith.constant 0 : index
    %get3A_19 = vector.load %arg4[%get3A_17, %get3A_18] : memref<1x2048xf32, #tpu.memory_space<vmem>>, vector<1x2048xf32>
    %add3A_20 = vector.broadcast %get3A_19 : vector<1x2048xf32> to vector<2048x2048xf32>
    %add3A_21 = arith.addf %dot_general3A_16, %add3A_20 : vector<2048x2048xf32>
    %max3A = arith.constant 0.000000e+00 : f32
    %max3A_22 = vector.broadcast %max3A : f32 to vector<2048x2048xf32>
    %max3A_23 = arith.maximumf %add3A_21, %max3A_22 : vector<2048x2048xf32>
    %get3A_24 = arith.constant 0 : index
    %get3A_25 = arith.constant 0 : index
    %get3A_26 = vector.load %arg5[%get3A_24, %get3A_25] : memref<2048x64xf32, #tpu.memory_space<vmem>>, vector<2048x64xf32>
    %dot_general3A_27 = arith.constant dense<0.000000e+00> : vector<2048x64xf32>
    %dot_general3A_28 = tpu.matmul %max3A_23, %get3A_26, %dot_general3A_27 {dimension_numbers = #tpu.dot_dimension_numbers<[1], [0], [0], [1], [0, 0, 1, 1], [], []>, transpose_lhs_hint = false} : vector<2048x2048xf32>, vector<2048x64xf32>, vector<2048x64xf32> -> vector<2048x64xf32>
    %mul3A_29 = vector.broadcast %get3A_1 : vector<2048x1xf32> to vector<2048x64xf32>
    %mul3A_30 = arith.mulf %dot_general3A_28, %mul3A_29 : vector<2048x64xf32>
    %swap3A = arith.constant 0 : index
    %swap3A_31 = arith.constant 0 : index
    %swap3A_32 = vector.load %arg6[%swap3A, %swap3A_31] : memref<2048x64xf32, #tpu.memory_space<vmem>>, vector<2048x64xf32>
    tpu.vector_store %arg6[%swap3A, %swap3A_31], %mul3A_30 {strides = array<i32>} : memref<2048x64xf32, #tpu.memory_space<vmem>>, vector<2048x64xf32>,
    return
  }
  func.func @transform_0(%arg0: i32) -> (i32, i32, i32) {
    %c0_i32 = arith.constant 0 : i32
    %c0_i32_0 = arith.constant 0 : i32
    %c0_i32_1 = arith.constant 0 : i32
    return %c0_i32, %arg0, %c0_i32_0 : i32, i32, i32
  }
  func.func @transform_1(%arg0: i32) -> (i32, i32) {
    %c0_i32 = arith.constant 0 : i32
    %c0_i32_0 = arith.constant 0 : i32
    return %arg0, %c0_i32 : i32, i32
  }
  func.func @transform_2(%arg0: i32) -> (i32, i32) {
    %c0_i32 = arith.constant 0 : i32
    %c0_i32_0 = arith.constant 0 : i32
    %c0_i32_1 = arith.constant 0 : i32
    return %c0_i32, %c0_i32_0 : i32, i32
  }
  func.func @transform_3(%arg0: i32) -> (i32, i32) {
    %c0_i32 = arith.constant 0 : i32
    %c0_i32_0 = arith.constant 0 : i32
    %c0_i32_1 = arith.constant 0 : i32
    return %c0_i32, %c0_i32_0 : i32, i32
  }
  func.func @transform_4(%arg0: i32) -> (i32, i32) {
    %c0_i32 = arith.constant 0 : i32
    %c0_i32_0 = arith.constant 0 : i32
    %c0_i32_1 = arith.constant 0 : i32
    return %c0_i32, %c0_i32_0 : i32, i32
  }
  func.func @transform_5(%arg0: i32) -> (i32, i32) {
    %c0_i32 = arith.constant 0 : i32
    %c0_i32_0 = arith.constant 0 : i32
    return %arg0, %c0_i32 : i32, i32
  }
}

module attributes {stable_mosaic.version = 14 : i64} {
  func.func @_scale_body(%arg0: memref<2x10240x16xf32, #tpu.memory_space<vmem>>, %arg1: memref<10000x128xf32, #tpu.memory_space<vmem>>, %arg2: memref<10240x1xf32, #tpu.memory_space<vmem>>, %arg3: memref<10240x128xf32, #tpu.memory_space<vmem>>) attributes {dimension_semantics = [], scalar_prefetch = 0 : i64, scratch_operands = 0 : i64, tpu.core_type = #tpu.core_type<tc>} {
    %get3A = arith.constant 0 : index
    %get3A_0 = arith.constant 0 : index
    %get3A_1 = arith.constant 0 : index
    %get3A_2 = vector.load %arg0[%get3A, %get3A_0, %get3A_1] : memref<2x10240x16xf32, #tpu.memory_space<vmem>>, vector<1x10240x16xf32>
    %get3A_3 = vector.shape_cast %get3A_2 : vector<1x10240x16xf32> to vector<10240x16xf32>
    %slice3A = vector.extract_strided_slice %get3A_3 {offsets = [0, 0], sizes = [10240, 1], strides = [1, 1]} : vector<10240x16xf32> to vector<10240x1xf32>
    %get3A_4 = arith.constant 1 : index
    %get3A_5 = arith.constant 0 : index
    %get3A_6 = arith.constant 0 : index
    %get3A_7 = vector.load %arg0[%get3A_4, %get3A_5, %get3A_6] : memref<2x10240x16xf32, #tpu.memory_space<vmem>>, vector<1x10240x16xf32>
    %get3A_8 = vector.shape_cast %get3A_7 : vector<1x10240x16xf32> to vector<10240x16xf32>
    %slice3A_9 = vector.extract_strided_slice %get3A_8 {offsets = [0, 0], sizes = [10240, 1], strides = [1, 1]} : vector<10240x16xf32> to vector<10240x1xf32>
    %add3A = arith.addf %slice3A, %slice3A_9 : vector<10240x1xf32>
    %add3A_10 = arith.constant 1.000000e+00 : f32
    %add3A_11 = vector.broadcast %add3A_10 : f32 to vector<10240x1xf32>
    %add3A_12 = arith.addf %add3A, %add3A_11 : vector<10240x1xf32>
    %rsqrt3A = math.rsqrt %add3A_12 : vector<10240x1xf32>
    %swap3A = arith.constant 0 : index
    %swap3A_13 = arith.constant 0 : index
    %swap3A_14 = vector.load %arg2[%swap3A, %swap3A_13] : memref<10240x1xf32, #tpu.memory_space<vmem>>, vector<10240x1xf32>
    tpu.vector_store %arg2[%swap3A, %swap3A_13], %rsqrt3A {strides = array<i32>} : memref<10240x1xf32, #tpu.memory_space<vmem>>, vector<10240x1xf32>,
    %get3A_15 = arith.constant 0 : index
    %get3A_16 = arith.constant 0 : index
    %get3A_17 = vector.load %arg1[%get3A_15, %get3A_16] : memref<10000x128xf32, #tpu.memory_space<vmem>>, vector<10000x128xf32>
    %slice3A_18 = vector.extract_strided_slice %rsqrt3A {offsets = [0, 0], sizes = [10000, 1], strides = [1, 1]} : vector<10240x1xf32> to vector<10000x1xf32>
    %mul3A = vector.broadcast %slice3A_18 : vector<10000x1xf32> to vector<10000x128xf32>
    %mul3A_19 = arith.mulf %get3A_17, %mul3A : vector<10000x128xf32>
    %swap3A_20 = arith.constant 0 : index
    %swap3A_21 = arith.constant 0 : index
    %swap3A_22 = vector.load %arg3[%swap3A_20, %swap3A_21] : memref<10240x128xf32, #tpu.memory_space<vmem>>, vector<10000x128xf32>
    tpu.vector_store %arg3[%swap3A_20, %swap3A_21], %mul3A_19 {strides = array<i32>} : memref<10240x128xf32, #tpu.memory_space<vmem>>, vector<10000x128xf32>,
    %broadcast_in_dim3A = arith.constant 0.000000e+00 : f32
    %broadcast_in_dim3A_23 = vector.broadcast %broadcast_in_dim3A : f32 to vector<240x128xf32>
    %swap3A_24 = arith.constant 10000 : index
    %swap3A_25 = arith.constant 0 : index
    %swap3A_26 = vector.load %arg3[%swap3A_24, %swap3A_25] : memref<10240x128xf32, #tpu.memory_space<vmem>>, vector<240x128xf32>
    tpu.vector_store %arg3[%swap3A_24, %swap3A_25], %broadcast_in_dim3A_23 {strides = array<i32>} : memref<10240x128xf32, #tpu.memory_space<vmem>>, vector<240x128xf32>,
    return
  }
}

module attributes {stable_mosaic.version = 14 : i64} {
  func.func @_out_body(%arg0: memref<2x10240x64xf32, #tpu.memory_space<vmem>>, %arg1: memref<10240x1xf32, #tpu.memory_space<vmem>>, %arg2: memref<1x64xf32, #tpu.memory_space<vmem>>, %arg3: memref<10000x64xf32, #tpu.memory_space<vmem>>) attributes {dimension_semantics = [], scalar_prefetch = 0 : i64, scratch_operands = 0 : i64, tpu.core_type = #tpu.core_type<tc>} {
    %get3A = arith.constant 0 : index
    %get3A_0 = arith.constant 0 : index
    %get3A_1 = arith.constant 0 : index
    %get3A_2 = vector.load %arg0[%get3A, %get3A_0, %get3A_1] : memref<2x10240x64xf32, #tpu.memory_space<vmem>>, vector<1x10000x64xf32>
    %get3A_3 = vector.shape_cast %get3A_2 : vector<1x10000x64xf32> to vector<10000x64xf32>
    %get3A_4 = arith.constant 1 : index
    %get3A_5 = arith.constant 0 : index
    %get3A_6 = arith.constant 0 : index
    %get3A_7 = vector.load %arg0[%get3A_4, %get3A_5, %get3A_6] : memref<2x10240x64xf32, #tpu.memory_space<vmem>>, vector<1x10000x64xf32>
    %get3A_8 = vector.shape_cast %get3A_7 : vector<1x10000x64xf32> to vector<10000x64xf32>
    %add3A = arith.addf %get3A_3, %get3A_8 : vector<10000x64xf32>
    %get3A_9 = arith.constant 0 : index
    %get3A_10 = arith.constant 0 : index
    %get3A_11 = vector.load %arg1[%get3A_9, %get3A_10] : memref<10240x1xf32, #tpu.memory_space<vmem>>, vector<10000x1xf32>
    %mul3A = vector.broadcast %get3A_11 : vector<10000x1xf32> to vector<10000x64xf32>
    %mul3A_12 = arith.mulf %add3A, %mul3A : vector<10000x64xf32>
    %get3A_13 = arith.constant 0 : index
    %get3A_14 = arith.constant 0 : index
    %get3A_15 = vector.load %arg2[%get3A_13, %get3A_14] : memref<1x64xf32, #tpu.memory_space<vmem>>, vector<1x64xf32>
    %add3A_16 = vector.broadcast %get3A_15 : vector<1x64xf32> to vector<10000x64xf32>
    %add3A_17 = arith.addf %mul3A_12, %add3A_16 : vector<10000x64xf32>
    %swap3A = arith.constant 0 : index
    %swap3A_18 = arith.constant 0 : index
    %swap3A_19 = vector.load %arg3[%swap3A, %swap3A_18] : memref<10000x64xf32, #tpu.memory_space<vmem>>, vector<10000x64xf32>
    tpu.vector_store %arg3[%swap3A, %swap3A_18], %add3A_17 {strides = array<i32>} : memref<10000x64xf32, #tpu.memory_space<vmem>>, vector<10000x64xf32>,
    return
  }
}

</mosaic_0001>

<sc_bundles>
// kernel: kernel.11.cloned.1.call-start
scs
__scs_entry_jumppad:
0x0: {  	(pc) =	sbr.rel $0x88, $3  }
0x1: {  	(tag) =	ssettag $0x0;
	lr =	simm.s32 $0x1  }
0x2: {  	[smem:$0x3F9B] =	sst lr;
	_ =	strace $0xD0000000  }
0x3: {  	_ = 	snop  }
0x4: {  	_ = 	snop  }
0x5: {  	_ = 	snop  }
0x6: {  	_ = 	snop  }
0x7: {  	_ = 	snop  }
__scs_overlays_trampoline_lowered:
0x8: {  	[smem:$0x3FAA] =	sst s0  }
0x9: {  	[smem:$0x3FAB] =	sst s1  }
0xa: {  	[smem:$0x3FAC] =	sst s2  }
0xb: {  	[smem:$0x3FAD] =	sst s3  }
0xc: {  	[smem:$0x3FAE] =	sst s4  }
0xd: {  	[smem:$0x3FAF] =	sst s5  }
0xe: {  	[smem:$0x3FB0] =	sst s6  }
0xf: {  	[smem:$0x3FB1] =	sst s7  }
0x10: {  	[smem:$0x3FB2] =	sst s8  }
0x11: {  	[smem:$0x3FB3] =	sst s9;
	s0 =	simm.s32 @!p0 $0x0  }
0x12: {  	s1 =	sld [smem:$0x3F99];
	s0 =	simm.s32 @p0 $0x1  }
0x13: {  	[smem:$0x3FB4] =	sst s0;
	s0 =	simm.s32 @!p1 $0x0  }
0x14: {  	s2 =	sld [smem:$0x3F98];
	s0 =	simm.s32 @p1 $0x1  }
0x15: {  	[smem:$0x3FB5] =	sst s0;
	s0 =	simm.s32 @!p2 $0x0  }
0x16: {  	s3 =	sld [smem:$0x3FDB];
	s0 =	simm.s32 @p2 $0x1  }
0x17: {  	s4 =	simm.s32 $0x1BF5;
	[smem:$0x3FB7] =	sst s0  }
0x18: {  	s0 =	sld [smem:$0x3F9A];
	_ =	swait.ge [sflag:s4], $0x0  }
0x19: {  	s7 =	sld [smem:$0x3F9B]  }
0x1a: {  	s8 =	sadd.s32 $0xFFFFE003, lr  }
0x1b: {  	s9 =	sadd.s32 $0xFFFFFEF7, lr;
	s5 =	simm.s32 $0xFFFFFFFF;
	p2 =	slt.u32 s8, $0xFFFFF086  }
0x1c: {  	p1 =	slt.u32 s9, $0xF7A;
	s5 =	simm.s32 @!p2 $0x0  }
0x1d: {  	s5 =	simm.s32 @p1 $0x1;
	p0 =	seq.s32 s7, s2  }
0x1e: {  	s7 =	smul.u32 @!p0 $0xF7A, s2;
	p2 =	seq.s32 @!p0 s5, $0x0  }
0x1f: {  	s9 =	smul.u32 $0xF7A, s1;
	s8 =	simm.s32 @!p0 $0x1BF5;
	p2 =	por !p2, p0  }
0x20: {  	[sflag:s8] =	ssyncset.s32 @!p0 $0xFFFFF086;
	s6 =	sadd.s32 @!p0 s3, s7;
	s7 =	simm.s32 @!p0 $0x108  }
0x21: {  	s3 =	sadd.s32 s3, s9;
	s6 =	sadd.s32 @!p0 $0x88, s6;
	s7 =	simm.s32 @p2 $0x1082  }
0x22: {  	[simem:s7], [sflag:s8] =	dma.local @!p0 [hbm:s6], $0xF7A  }
0x23: {  	s9 =	sor.u32 $0xD0000000, s2;
	s6 =	simm.s32 $0x108;
	_ =	swait.ge @!p0 [sflag:s8], $0x0  }
0x24: {  	s3 =	sadd.s32 $0x88, s3;
	s6 =	simm.s32 @!p1 $0x1082;
	[sflag:s4] =	ssyncset.s32 $0xFFFFF086  }
0x25: {  	[simem:s6], [sflag:s4] =	dma.local [hbm:s3], $0xF7A  }
0x26: {  	[smem:$0x3F9B] =	sst s1;
	(tag) =	ssettag s2;
	_ =	strace s9  }
0x27: {  	s1 =	sld [smem:$0x3FAB]  }
0x28: {  	s2 =	sld [smem:$0x3FAC]  }
0x29: {  	s4 =	sld [smem:$0x3FAE]  }
0x2a: {  	p0 =	seq.s32 s5, $0x0;
	s5 =	sld [smem:$0x3FAF]  }
0x2b: {  	s6 =	sld [smem:$0x3FB0]  }
0x2c: {  	s7 =	sld [smem:$0x3FB1]  }
0x2d: {  	s3 =	simm.s32 $0x108;
	s8 =	sld [smem:$0x3FB2]  }
0x2e: {  	s3 =	simm.s32 @!p0 $0x1082;
	s9 =	sld [smem:$0x3FB3]  }
0x2f: {  	lr =	sadd.s32 s0, s3;
	s0 =	sld [smem:$0x3FAA]  }
0x30: {  	s3 =	sld [smem:$0x3FAD]  }
0x31: {  	[smem:$0x3FB6] =	sst s10  }
0x32: {  	s10 =	sld [smem:$0x3FB4];
	_ =	sdelay $0x3  }
0x33: {  	p0 =	seq.s32 s10, $0x1;
	s10 =	sld [smem:$0x3FB6];
	_ =	sdelay $0x3  }
0x34: {  	[smem:$0x3FB6] =	sst s10  }
0x35: {  	s10 =	sld [smem:$0x3FB5];
	_ =	sdelay $0x3  }
0x36: {  	p1 =	seq.s32 s10, $0x1;
	s10 =	sld [smem:$0x3FB6];
	_ =	sdelay $0x3  }
0x37: {  	[smem:$0x3FB6] =	sst s10  }
0x38: {  	s10 =	sld [smem:$0x3FB7]  }
0x39: {  	_ = 	snop;
	(pc) =	sbr.ind lr, $3  }
0x3a: {  	_ = 	snop  }
0x3b: {  	_ = 	snop  }
0x3c: {  	p2 =	seq.s32 s10, $0x1;
	s10 =	sld [smem:$0x3FB6]  }
0x3d: {  	_ =	shalt  }
0x3e: {  	_ =	shalt  }
0x3f: {  	_ =	shalt  }
0x40: {  	_ =	shalt  }
0x41: {  	_ =	shalt  }
0x42: {  	_ =	shalt  }
0x43: {  	_ =	shalt  }
0x44: {  	_ =	shalt  }
0x45: {  	_ =	shalt  }
0x46: {  	_ =	shalt  }
0x47: {  	_ =	shalt  }
0x48: {  	_ =	shalt  }
0x49: {  	_ =	shalt  }
0x4a: {  	_ =	shalt  }
0x4b: {  	_ =	shalt  }
0x4c: {  	_ =	shalt  }
0x4d: {  	_ =	shalt  }
0x4e: {  	_ =	shalt  }
0x4f: {  	_ =	shalt  }
0x50: {  	_ =	shalt  }
0x51: {  	_ =	shalt  }
0x52: {  	_ =	shalt  }
0x53: {  	_ =	shalt  }
0x54: {  	_ =	shalt  }
0x55: {  	_ =	shalt  }
0x56: {  	_ =	shalt  }
0x57: {  	_ =	shalt  }
0x58: {  	_ =	shalt  }
0x59: {  	_ =	shalt  }
0x5a: {  	_ =	shalt  }
0x5b: {  	_ =	shalt  }
0x5c: {  	_ =	shalt  }
0x5d: {  	_ =	shalt  }
0x5e: {  	_ =	shalt  }
0x5f: {  	_ =	shalt  }
0x60: {  	_ =	shalt  }
0x61: {  	_ =	shalt  }
0x62: {  	_ =	shalt  }
0x63: {  	_ =	shalt  }
0x64: {  	_ =	shalt  }
0x65: {  	_ =	shalt  }
0x66: {  	_ =	shalt  }
0x67: {  	_ =	shalt  }
0x68: {  	_ =	shalt  }
0x69: {  	_ =	shalt  }
0x6a: {  	_ =	shalt  }
0x6b: {  	_ =	shalt  }
0x6c: {  	_ =	shalt  }
0x6d: {  	_ =	shalt  }
0x6e: {  	_ =	shalt  }
0x6f: {  	_ =	shalt  }
0x70: {  	_ =	shalt  }
0x71: {  	_ =	shalt  }
0x72: {  	_ =	shalt  }
0x73: {  	_ =	shalt  }
0x74: {  	_ =	shalt  }
0x75: {  	_ =	shalt  }
0x76: {  	_ =	shalt  }
0x77: {  	_ =	shalt  }
0x78: {  	_ =	shalt  }
0x79: {  	_ =	shalt  }
0x7a: {  	_ =	shalt  }
0x7b: {  	_ =	shalt  }
0x7c: {  	_ =	shalt  }
0x7d: {  	_ =	shalt  }
0x7e: {  	_ =	shalt  }
0x7f: {  	_ =	shalt  }
0x80: {  	_ =	shalt  }
0x81: {  	_ =	shalt  }
0x82: {  	_ =	shalt  }
0x83: {  	_ =	shalt  }
0x84: {  	_ =	shalt  }
0x85: {  	_ =	shalt  }
0x86: {  	_ =	shalt  }
0x87: {  	_ =	shalt  }
.Lfunc_end0:
.L_simem_size_0:
called_computation.1_lowered:
.L_overlay_start_0:
0x88: {  	s2 =	sld [smem:$0x3FD9]  }
0x89: {  	s3 =	sld [smem:$0x3FFE];
	_ =	sdelay $0x1  }
0x8a: {  	s1 =	srdreg.scid  }
0x8b: {  	s0 =	sand.u32 $0x1, s1  }
0x8c: {  	s17 =	sshll.u32 s0, $0xA;
	s2 =	sadd.s32 s3, s2  }
0x8d: {  	s2 =	sadd.s32 s2, s17  }
0x8e: {  	[smem:$0x3FC2] =	sst s2  }
0x8f: {  	_ = 	snop  }
0x90: {  	s2 =	sld [smem:$0x3FD0];
	(tm) =	ssettm $0x1  }
0x91: {  	s18 =	sld [smem:$0x3FFB];
	_ =	sdelay $0x3  }
0x92: {  	_ =	strace s18  }
0x93: {  	s3 =	sld [smem:$0x3FFC];
	_ =	sdelay $0x3  }
0x94: {  	_ =	strace s3  }
0x95: {  	s3 =	sld [smem:$0x3FFD];
	_ =	sdelay $0x3  }
0x96: {  	_ =	strace s3  }
0x97: {  	_ =	strace $0x8FFFFFFF  }
0x98: {  	s19 =	sld [smem:$0x3FDB];
	_ =	sdelay $0x1  }
0x99: {  	s4 =	simm.s32 $_scs_section_size  }
0x9a: {  	s5 =	simm.s32 $_size__tile_overlayer_lowered;
	s6 =	simm.s32 $_tile_overlayer_lowered  }
0x9b: {  	s22 =	simm.s32 $0x1BFF;
	s21 =	sshll.u32 s6, $0x1;
	s3 =	sadd.s32 s4, s19  }
0x9c: {  	s7 =	simm.s32 $0x0;
	s20 =	sshll.u32 s5, $0x1;
	s5 =	sadd.s32 s21, s3  }
0x9d: {  	[timem:s7], [sflag:s22] =	dma.local [hbm:s5], s20  }
0x9e: {  	_ =	swait.ge [sflag:s22], s20  }
0x9f: {  	s4 =	ssub.s32 $0x0, s20;
	[sflag:s22] =	ssyncset.done $0x0  }
0xa0: {  	[sflag:s22] =	ssyncadd.s32 s4;
	_ =	sdelay $0x1  }
0xa1: {  	s23 =	simm.s32 $0x1B8B  }
0xa2: {  	_ =	swait.ge [sflag:s23], $0x1  }
0xa3: {  	[sflag:s23] =	ssyncset.done $0x0  }
0xa4: {  	s25 =	simm.s32 $0x1B8E;
	s24 =	sld [smem:$0x3FFE];
	[sflag:s23] =	ssyncadd.s32 $0xFFFFFFFF  }
0xa5: {  	s26 =	simm.s32 $execute0_lowered;
	[smem:$0x3FD2] =	sst s25  }
0xa6: {  	s5 =	sshll.u32 s26, $0x1;
	_ =	strace $0x80000049;
	[dreg:$0x1] =	wrdreg $0xFFFFFFFF  }
0xa7: {  	s28 =	simm.s32 $_size_execute0_lowered;
	s3 =	sadd.s32 s3, s5;
	[dreg:$0x0] =	wrdreg $0x0  }
0xa8: {  	s5 =	sshll.u32 s28, $0x1;
	[dreg:$0x2] =	wrdreg s3  }
0xa9: {  	[dreg:$0x3] =	wrdreg s5  }
0xaa: {  	[dreg:$0x4] =	wrdreg $0xC0  }
0xab: {  	_ =	task [dreg:s7], $0x5FFFF  }
0xac: {  	[dreg:$0x1] =	wrdreg $0xFFFFFFFF  }
0xad: {  	[dreg:$0x0] =	wrdreg $0x60  }
0xae: {  	[dreg:$0x2] =	wrdreg s2  }
0xaf: {  	[dreg:$0x3] =	wrdreg s24  }
0xb0: {  	[dreg:$0x4] =	wrdreg $0xAA000  }
0xb1: {  	[dreg:$0x5] =	wrdreg $0x9  }
0xb2: {  	_ =	task.clear_ibuf [dreg:s7], $0x6FFFF;
	_ =	strace $0x90000049  }
0xb3: {  	s29 =	simm.s32 $0x9;
	_ =	strace $0x8000004B  }
0xb4: {  	_ =	swait.ge [sflag:s29], $0x1  }
0xb5: {  	[sflag:s29] =	ssyncadd.s32 $0xFFFFFFFF  }
0xb6: {  	_ =	strace $0x9000004B  }
0xb7: {  	_ =	sfence  }
0xb8: {  	s30 =	sld [smem:$0x0];
	_ =	sdelay $0x2  }
0xb9: {  	s31 =	sshll.u32 s1, $0xD;
	s1 =	sshrl.u32 s1, $0x2  }
0xba: {  	s3 =	sand.u32 $0x4000, s31;
	s1 =	sadd.s32 s1, s30  }
0xbb: {  	s0 =	sor.u32 s3, s0;
	s1 =	sshll.u32 s1, $0x11  }
0xbc: {  	s0 =	sor.u32 s1, s0  }
0xbd: {  	s0 =	sadd.s32 $0x8F2B, s0  }
0xbe: {  	[sflag:s0] =	ssyncadd.remote.s32 $0x1  }
0xbf: {  	_ =	sfence.sel $0xFFFF  }
0xc0: {  	[dreg:$0x0] =	wrdreg $0xFFFFFFFF;
	(pc) =	sbr.abs _section_cstart, $3  }
0xc1: {  	[dreg:$0x1] =	wrdreg $0xFFFFFFFF  }
0xc2: {  	_ =	task.clear_ibuf [dreg:s7], $0x2FFFF;
	_ =	strace $0x9FFFFFFF  }
0xc3: {  	(tm) =	ssettm $0x7FFFFFFF  }
tec
execute0_lowered:
.L_overlay_start_1:
0x0: {  	(tag) =	ssettag $0x1  }
0x1: {  	s0 =	rddreg [dreg:$0x0]  }
0x2: {  	s1 =	rddreg [dreg:$0x1]  }
0x3: {  	s2 =	rddreg [dreg:$0x2]  }
0x4: {  	s4 =	srdreg.scid;
	s13 =	stileid.u32;
	s3 =	simm.s32 $0x0  }
0x5: {  	s14 =	simm.s32 $0x40;
	s15 =	simm.s32 $0x2A00;
	s16 =	simm.s32 $0x4A00  }
0x6: {  	s18 =	simm.s32 $0x6A00;
	s20 =	simm.s32 $0x8A00;
	s21 =	simm.s32 $0x1  }
0x7: {  	s22 =	simm.s32 $0x2;
	s23 =	simm.s32 $0x3;
	s24 =	simm.s32 $0x4  }
0x8: {  	s31 =	simm.s32 $0x1440;
	s17 =	simm.s32 $0x2940;
	s19 =	simm.s32 $0x2980  }
0x9: {  	s25 =	simm.s32 $0x29C0;
	s26 =	simm.s32 $0x0;
	s5 =	sand.u32 $0x1, s4  }
0xa: {  	s6 =	smul.u32 $0x14000, s13;
	[smem:$0x7FF] =	sst s3;
	s9 =	sadd.s32 $0x2A000, s1  }
0xb: {  	s30 =	sshll.u32 s13, $0x6;
	s7 =	smul.u32 $0x140000, s5;
	s4 =	sshll.u32 s5, $0x4  }
0xc: {  	_ =	strace $0x8000004A;
	s10 =	ssub.s32 $0x2, s5;
	p0 =	seq.s32 s5, $0x1  }
0xd: {  	s8 =	sor.u32 s13, s4;
	s4 =	sadd.s32 $0x2000, s1;
	s28 =	sshrl.u32 s10, $0x1  }
0xe: {  	s29 =	sadd.s32 s6, s2;
	s11 =	sshrl.u32 s6, $0x3;
	s13 =	simm.s32 $0x2900  }
0xf: {  	s7 =	sadd.s32 s6, s7;
	s8 =	smul.u32 $0x1500, s8;
	s12 =	smov.u32 s4  }
0x10: {  	s10 =	ssub.s32 s10, s28;
	s7 =	sshrl.u32 s7, $0x3;
	s12 =	smov.u32 @p0 s9  }
0x11: {  	s1 =	sadd.s32 s7, s1;
	s8 =	sshrl.u32 s8, $0x3;
	s9 =	sadd.s32 s12, s11  }
0x12: {  	s11 =	sshrl.u32 s29, $0x3;
	s12 =	simm.s32 $0x5;
	s5 =	sadd.s32 s0, s8  }
0x13: {  	s7 =	sadd.s32 $0x52000, s1;
	s8 =	smax.u32 s10, $0x1;
	s10 =	sor.u32 $0x1C05, s30  }
0x14: {  	s0 =	simm.s32 $0x1480;
	s1 =	simm.s32 $0x14C0;
	s6 =	sadd.s32 $0x5400, s5  }
.LBB2_1:
0x15: {  	[spmem:s11], [sflag:s10] =	dma.local [hbm:s9], $0x2800  }
0x16: {  	_ =	swait.ge [sflag:s12], $0x2800  }
0x17: {  	[sflag:s12] =	ssyncset.done $0x0  }
0x18: {  	[sflag:s12] =	ssyncadd.s32 $0xFFFFD800  }
0x19: {  	[tilespmem:s3], [sflag:$0x5] =	stream.linear.gather [hbm4b:s5+s3], $0x1500, $0x38;
	[tilespmem:$0x1EA00] =	vst v63  }
0x1a: {  	_ =	swait.ge [sflag:s12], $0x1500  }
0x1b: {  	[sflag:s12] =	ssyncset.done $0x0  }
0x1c: {  	s28 =	simm.s32 $0x1500;
	[sflag:s12] =	ssyncadd.s32 $0xFFFFEB00  }
0x1d: {  	[tilespmem:s28], [sflag:$0x5] =	stream.linear.gather [hbm4b:s6+s3], $0x1500, $0x38;
	[tilespmem:$0x1EA00] =	vst v63  }
0x1e: {  	_ =	swait.ge [sflag:s12], $0x1500  }
0x1f: {  	[sflag:s12] =	ssyncset.done $0x0  }
0x20: {  	[sflag:s12] =	ssyncadd.s32 $0xFFFFEB00  }
0x21: {  	[tilespmem:s15], [sflag:$0x1] =	stream.indirect.gather [hbm4b:s4+s14], $0x80, s3, s14, $0xb8;
	[tilespmem:$0x1EA00] =	vst v63  }
0x22: {  	_ = 	snop  }
0x23: {  	[tilespmem:s16], [sflag:$0x1] =	stream.indirect.gather [hbm4b:s4+s14], $0x80, s14, s14, $0xb8;
	[tilespmem:$0x1EA00] =	vst v63  }
0x24: {  	s28 =	simm.s32 $0x80  }
0x25: {  	[tilespmem:s18], [sflag:$0x2] =	stream.indirect.gather [hbm4b:s4+s14], $0x80, s28, s14, $0xb8;
	[tilespmem:$0x1EA00] =	vst v63  }
0x26: {  	s28 =	simm.s32 $0xC0  }
0x27: {  	[tilespmem:s20], [sflag:$0x2] =	stream.indirect.gather [hbm4b:s4+s14], $0x80, s28, s14, $0xb8;
	[tilespmem:$0x1EA00] =	vst v63  }
0x28: {  	[bflag:$0x0] =	sbarrier.arrive $0xFFFF  }
0x29: {  	_ =	swait.ge [sflag:s21], $0x2000  }
0x2a: {  	[sflag:s21] =	ssyncset.done $0x0  }
0x2b: {  	s28 =	simm.s32 $0x1500;
	[sflag:s21] =	ssyncadd.s32 $0xFFFFE000  }
0x2c: {  	[spmem:s2] =	stream.indirect.scatter.add.f32 [tilespmem:s15], [sflag:$0x3], $0x80, s28, s14, $0xb8;
	[tilespmem:$0x1EA00] =	vst v63  }
0x2d: {  	_ =	swait.ge [sflag:s21], $0x2000  }
0x2e: {  	[sflag:s21] =	ssyncset.done $0x0  }
0x2f: {  	s28 =	simm.s32 $0x1540;
	[sflag:s21] =	ssyncadd.s32 $0xFFFFE000  }
0x30: {  	[spmem:s2] =	stream.indirect.scatter.add.f32 [tilespmem:s16], [sflag:$0x3], $0x80, s28, s14, $0xb8;
	[tilespmem:$0x1EA00] =	vst v63  }
0x31: {  	_ =	swait.ge [sflag:s22], $0x2000  }
0x32: {  	[sflag:s22] =	ssyncset.done $0x0  }
0x33: {  	s28 =	simm.s32 $0x1580;
	[sflag:s22] =	ssyncadd.s32 $0xFFFFE000  }
0x34: {  	[spmem:s2] =	stream.indirect.scatter.add.f32 [tilespmem:s18], [sflag:$0x4], $0x80, s28, s14, $0xb8;
	[tilespmem:$0x1EA00] =	vst v63  }
0x35: {  	_ =	swait.ge [sflag:s22], $0x2000  }
0x36: {  	[sflag:s22] =	ssyncset.done $0x0  }
0x37: {  	s28 =	simm.s32 $0x15C0;
	[sflag:s22] =	ssyncadd.s32 $0xFFFFE000  }
0x38: {  	[spmem:s2] =	stream.indirect.scatter.add.f32 [tilespmem:s20], [sflag:$0x4], $0x80, s28, s14, $0xb8;
	[tilespmem:$0x1EA00] =	vst v63  }
0x39: {  	_ =	swait.ge [sflag:s23], $0x2000  }
0x3a: {  	[sflag:s23] =	ssyncset.done $0x0  }
0x3b: {  	[sflag:s23] =	ssyncadd.s32 $0xFFFFE000  }
0x3c: {  	_ =	swait.ge [sflag:s23], $0x2000  }
0x3d: {  	[sflag:s23] =	ssyncset.done $0x0  }
0x3e: {  	s28 =	simm.s32 $0x100;
	[sflag:s23] =	ssyncadd.s32 $0xFFFFE000  }
0x3f: {  	[tilespmem:s15], [sflag:$0x1] =	stream.indirect.gather [hbm4b:s4+s14], $0x80, s28, s14, $0xb8;
	[tilespmem:$0x1EA00] =	vst v63  }
0x40: {  	s28 =	simm.s32 $0x140  }
0x41: {  	[tilespmem:s16], [sflag:$0x1] =	stream.indirect.gather [hbm4b:s4+s14], $0x80, s28, s14, $0xb8;
	[tilespmem:$0x1EA00] =	vst v63  }
0x42: {  	_ =	swait.ge [sflag:s24], $0x2000  }
0x43: {  	[sflag:s24] =	ssyncset.done $0x0  }
0x44: {  	[sflag:s24] =	ssyncadd.s32 $0xFFFFE000  }
0x45: {  	_ =	swait.ge [sflag:s24], $0x2000  }
0x46: {  	[sflag:s24] =	ssyncset.done $0x0  }
0x47: {  	s28 =	simm.s32 $0x180;
	[sflag:s24] =	ssyncadd.s32 $0xFFFFE000  }
0x48: {  	[tilespmem:s18], [sflag:$0x2] =	stream.indirect.gather [hbm4b:s4+s14], $0x80, s28, s14, $0xb8;
	[tilespmem:$0x1EA00] =	vst v63  }
0x49: {  	s29 =	simm.s32 $0x1C0;
	s28 =	simm.s32 $0x400  }
.LBB2_2:
0x4a: {  	[tilespmem:s20], [sflag:$0x2] =	stream.indirect.gather [hbm4b:s4+s14], $0x80, s29, s14, $0xb8;
	[tilespmem:$0x1EA00] =	vst v63  }
0x4b: {  	s29 =	smov.u32 s28  }
0x4c: {  	p0 =	sne.s32 s28, $0x4800;
	s28 =	sadd.s32 $0x400, s28;
	_ =	swait.ge [sflag:s21], $0x2000  }
0x4d: {  	s29 =	sshra.s32 s29, $0x2;
	[sflag:s21] =	ssyncset.done $0x0  }
0x4e: {  	s30 =	sadd.s32 $0x1500, s29;
	[sflag:s21] =	ssyncadd.s32 $0xFFFFE000  }
0x4f: {  	[spmem:s2] =	stream.indirect.scatter.add.f32 [tilespmem:s15], [sflag:$0x3], $0x80, s30, s14, $0xb8;
	[tilespmem:$0x1EA00] =	vst v63  }
0x50: {  	_ =	swait.ge [sflag:s21], $0x2000  }
0x51: {  	[sflag:s21] =	ssyncset.done $0x0  }
0x52: {  	s30 =	sadd.s32 $0x1540, s29;
	[sflag:s21] =	ssyncadd.s32 $0xFFFFE000  }
0x53: {  	[spmem:s2] =	stream.indirect.scatter.add.f32 [tilespmem:s16], [sflag:$0x3], $0x80, s30, s14, $0xb8;
	[tilespmem:$0x1EA00] =	vst v63  }
0x54: {  	_ =	swait.ge [sflag:s22], $0x2000  }
0x55: {  	[sflag:s22] =	ssyncset.done $0x0  }
0x56: {  	s30 =	sadd.s32 $0x1580, s29;
	[sflag:s22] =	ssyncadd.s32 $0xFFFFE000  }
0x57: {  	[spmem:s2] =	stream.indirect.scatter.add.f32 [tilespmem:s18], [sflag:$0x4], $0x80, s30, s14, $0xb8;
	[tilespmem:$0x1EA00] =	vst v63  }
0x58: {  	_ =	swait.ge [sflag:s22], $0x2000  }
0x59: {  	[sflag:s22] =	ssyncset.done $0x0  }
0x5a: {  	s30 =	sadd.s32 $0x15C0, s29;
	[sflag:s22] =	ssyncadd.s32 $0xFFFFE000  }
0x5b: {  	[spmem:s2] =	stream.indirect.scatter.add.f32 [tilespmem:s20], [sflag:$0x4], $0x80, s30, s14, $0xb8;
	[tilespmem:$0x1EA00] =	vst v63  }
0x5c: {  	_ =	swait.ge [sflag:s23], $0x2000  }
0x5d: {  	[sflag:s23] =	ssyncset.done $0x0  }
0x5e: {  	[sflag:s23] =	ssyncadd.s32 $0xFFFFE000  }
0x5f: {  	_ =	swait.ge [sflag:s23], $0x2000  }
0x60: {  	[sflag:s23] =	ssyncset.done $0x0  }
0x61: {  	s30 =	sadd.s32 $0x100, s29;
	[sflag:s23] =	ssyncadd.s32 $0xFFFFE000  }
0x62: {  	[tilespmem:s15], [sflag:$0x1] =	stream.indirect.gather [hbm4b:s4+s14], $0x80, s30, s14, $0xb8;
	[tilespmem:$0x1EA00] =	vst v63  }
0x63: {  	s30 =	sadd.s32 $0x140, s29  }
0x64: {  	[tilespmem:s16], [sflag:$0x1] =	stream.indirect.gather [hbm4b:s4+s14], $0x80, s30, s14, $0xb8;
	[tilespmem:$0x1EA00] =	vst v63  }
0x65: {  	_ =	swait.ge [sflag:s24], $0x2000  }
0x66: {  	[sflag:s24] =	ssyncset.done $0x0  }
0x67: {  	[sflag:s24] =	ssyncadd.s32 $0xFFFFE000  }
.Ltmp0:
0x68: {  	_ =	swait.ge [sflag:s24], $0x2000;
	(pc) =	sbr.rel @p0 .LBB2_2-.Ltmp0, $4  }
0x69: {  	[sflag:s24] =	ssyncset.done $0x0  }
0x6a: {  	s30 =	sadd.s32 $0x180, s29;
	[sflag:s24] =	ssyncadd.s32 $0xFFFFE000  }
0x6b: {  	[tilespmem:s18], [sflag:$0x2] =	stream.indirect.gather [hbm4b:s4+s14], $0x80, s30, s14, $0xb8;
	[tilespmem:$0x1EA00] =	vst v63  }
0x6c: {  	s29 =	sadd.s32 $0x1C0, s29  }
0x6d: {  	[tilespmem:s20], [sflag:$0x2] =	stream.indirect.gather [hbm4b:s4+s14], $0x80, s29, s14, $0xb8;
	[tilespmem:$0x1EA00] =	vst v63  }
0x6e: {  	_ =	swait.ge [sflag:s21], $0x2000  }
0x6f: {  	[sflag:s21] =	ssyncset.done $0x0  }
0x70: {  	s28 =	simm.s32 $0x2800;
	[sflag:s21] =	ssyncadd.s32 $0xFFFFE000  }
0x71: {  	[spmem:s2] =	stream.indirect.scatter.add.f32 [tilespmem:s15], [sflag:$0x3], $0x80, s28, s14, $0xb8;
	[tilespmem:$0x1EA00] =	vst v63  }
0x72: {  	_ =	swait.ge [sflag:s21], $0x2000  }
0x73: {  	[sflag:s21] =	ssyncset.done $0x0  }
0x74: {  	s29 =	simm.s32 $0x2840;
	[sflag:s21] =	ssyncadd.s32 $0xFFFFE000  }
0x75: {  	[spmem:s2] =	stream.indirect.scatter.add.f32 [tilespmem:s16], [sflag:$0x3], $0x80, s29, s14, $0xb8;
	[tilespmem:$0x1EA00] =	vst v63  }
0x76: {  	_ =	swait.ge [sflag:s22], $0x2000  }
0x77: {  	[sflag:s22] =	ssyncset.done $0x0  }
0x78: {  	s30 =	simm.s32 $0x2880;
	[sflag:s22] =	ssyncadd.s32 $0xFFFFE000  }
0x79: {  	[spmem:s2] =	stream.indirect.scatter.add.f32 [tilespmem:s18], [sflag:$0x4], $0x80, s30, s14, $0xb8;
	[tilespmem:$0x1EA00] =	vst v63  }
0x7a: {  	_ =	swait.ge [sflag:s22], $0x2000  }
0x7b: {  	[sflag:s22] =	ssyncset.done $0x0  }
0x7c: {  	s29 =	simm.s32 $0x28C0;
	[sflag:s22] =	ssyncadd.s32 $0xFFFFE000  }
0x7d: {  	[spmem:s2] =	stream.indirect.scatter.add.f32 [tilespmem:s20], [sflag:$0x4], $0x80, s29, s14, $0xb8;
	[tilespmem:$0x1EA00] =	vst v63  }
0x7e: {  	_ =	swait.ge [sflag:s23], $0x2000  }
0x7f: {  	[sflag:s23] =	ssyncset.done $0x0  }
0x80: {  	[sflag:s23] =	ssyncadd.s32 $0xFFFFE000  }
0x81: {  	_ =	swait.ge [sflag:s23], $0x2000  }
0x82: {  	[sflag:s23] =	ssyncset.done $0x0  }
0x83: {  	s30 =	simm.s32 $0x1400;
	[sflag:s23] =	ssyncadd.s32 $0xFFFFE000  }
0x84: {  	[tilespmem:s15], [sflag:$0x1] =	stream.indirect.gather [hbm4b:s4+s14], $0x80, s30, s14, $0xb8;
	[tilespmem:$0x1EA00] =	vst v63  }
0x85: {  	_ = 	snop  }
0x86: {  	[tilespmem:s16], [sflag:$0x1] =	stream.indirect.gather [hbm4b:s4+s14], $0x80, s31, s14, $0xb8;
	[tilespmem:$0x1EA00] =	vst v63  }
0x87: {  	_ =	swait.ge [sflag:s24], $0x2000  }
0x88: {  	[sflag:s24] =	ssyncset.done $0x0  }
0x89: {  	[sflag:s24] =	ssyncadd.s32 $0xFFFFE000  }
0x8a: {  	_ =	swait.ge [sflag:s24], $0x2000  }
0x8b: {  	[sflag:s24] =	ssyncset.done $0x0  }
0x8c: {  	[sflag:s24] =	ssyncadd.s32 $0xFFFFE000  }
0x8d: {  	[tilespmem:s18], [sflag:$0x2] =	stream.indirect.gather [hbm4b:s4+s14], $0x80, s0, s14, $0xb8;
	[tilespmem:$0x1EA00] =	vst v63  }
0x8e: {  	_ = 	snop  }
0x8f: {  	[tilespmem:s20], [sflag:$0x2] =	stream.indirect.gather [hbm4b:s4+s14], $0x80, s1, s14, $0xb8;
	[tilespmem:$0x1EA00] =	vst v63  }
0x90: {  	_ =	swait.ge [sflag:s21], $0x2000  }
0x91: {  	[sflag:s21] =	ssyncset.done $0x0  }
0x92: {  	[sflag:s21] =	ssyncadd.s32 $0xFFFFE000  }
0x93: {  	[spmem:s2] =	stream.indirect.scatter.add.f32 [tilespmem:s15], [sflag:$0x3], $0x80, s13, s14, $0xb8;
	[tilespmem:$0x1EA00] =	vst v63  }
0x94: {  	_ =	swait.ge [sflag:s21], $0x2000  }
0x95: {  	[sflag:s21] =	ssyncset.done $0x0  }
0x96: {  	[sflag:s21] =	ssyncadd.s32 $0xFFFFE000  }
0x97: {  	[spmem:s2] =	stream.indirect.scatter.add.f32 [tilespmem:s16], [sflag:$0x3], $0x80, s17, s14, $0xb8;
	[tilespmem:$0x1EA00] =	vst v63  }
0x98: {  	_ =	swait.ge [sflag:s22], $0x2000  }
0x99: {  	[sflag:s22] =	ssyncset.done $0x0  }
0x9a: {  	[sflag:s22] =	ssyncadd.s32 $0xFFFFE000  }
0x9b: {  	[spmem:s2] =	stream.indirect.scatter.add.f32 [tilespmem:s18], [sflag:$0x4], $0x80, s19, s14, $0xb8;
	[tilespmem:$0x1EA00] =	vst v63  }
0x9c: {  	_ =	swait.ge [sflag:s22], $0x2000  }
0x9d: {  	[sflag:s22] =	ssyncset.done $0x0  }
0x9e: {  	[sflag:s22] =	ssyncadd.s32 $0xFFFFE000  }
0x9f: {  	[spmem:s2] =	stream.indirect.scatter.add.f32 [tilespmem:s20], [sflag:$0x4], $0x80, s25, s14, $0xb8;
	[tilespmem:$0x1EA00] =	vst v63  }
0xa0: {  	_ =	swait.ge [sflag:s23], $0x2000  }
0xa1: {  	[sflag:s23] =	ssyncset.done $0x0  }
0xa2: {  	[sflag:s23] =	ssyncadd.s32 $0xFFFFE000  }
0xa3: {  	_ =	swait.ge [sflag:s23], $0x2000  }
0xa4: {  	[sflag:s23] =	ssyncset.done $0x0  }
0xa5: {  	[sflag:s23] =	ssyncadd.s32 $0xFFFFE000  }
0xa6: {  	[tilespmem:s15], [sflag:$0x1] =	stream.indirect.gather [hbm4b:s4+s14], $0x80, s1, s14, $0xb8;
	[tilespmem:$0x1EA00] =	vst v63  }
0xa7: {  	_ = 	snop  }
0xa8: {  	[tilespmem:s16], [sflag:$0x1] =	stream.indirect.gather [hbm4b:s4+s14], $0x80, s1, s14, $0xb8;
	[tilespmem:$0x1EA00] =	vst v63  }
0xa9: {  	_ =	swait.ge [sflag:s24], $0x2000  }
0xaa: {  	[sflag:s24] =	ssyncset.done $0x0  }
0xab: {  	[sflag:s24] =	ssyncadd.s32 $0xFFFFE000  }
0xac: {  	_ =	swait.ge [sflag:s24], $0x2000  }
0xad: {  	[sflag:s24] =	ssyncset.done $0x0  }
0xae: {  	[sflag:s24] =	ssyncadd.s32 $0xFFFFE000  }
0xaf: {  	[tilespmem:s18], [sflag:$0x2] =	stream.indirect.gather [hbm4b:s4+s14], $0x80, s1, s14, $0xb8;
	[tilespmem:$0x1EA00] =	vst v63  }
0xb0: {  	_ = 	snop  }
0xb1: {  	[tilespmem:s20], [sflag:$0x2] =	stream.indirect.gather [hbm4b:s4+s14], $0x80, s1, s14, $0xb8;
	[tilespmem:$0x1EA00] =	vst v63  }
0xb2: {  	_ =	swait.ge [sflag:s21], $0x2000  }
0xb3: {  	[sflag:s21] =	ssyncset.done $0x0  }
0xb4: {  	[sflag:s21] =	ssyncadd.s32 $0xFFFFE000  }
0xb5: {  	_ =	swait.ge [sflag:s22], $0x2000  }
0xb6: {  	[sflag:s22] =	ssyncset.done $0x0  }
0xb7: {  	[sflag:s22] =	ssyncadd.s32 $0xFFFFE000  }
0xb8: {  	_ =	swait.ge [sflag:s21], $0x2000  }
0xb9: {  	[sflag:s21] =	ssyncset.done $0x0  }
0xba: {  	[sflag:s21] =	ssyncadd.s32 $0xFFFFE000  }
0xbb: {  	_ =	swait.ge [sflag:s22], $0x2000  }
0xbc: {  	s26 =	sadd.s32 $0x1, s26;
	[sflag:s22] =	ssyncset.done $0x0  }
0xbd: {  	p0 =	sne.s32 s26, s8;
	[sflag:s22] =	ssyncadd.s32 $0xFFFFE000  }
.Ltmp1:
0xbe: {  	[bflag:$0x0] =	sbarrier.arrive $0xFFFF;
	(pc) =	sbr.rel @p0 .LBB2_1-.Ltmp1, $4  }
0xbf: {  	[hbm:s7], [sflag:s10] =	dma.local [spmem:s11], $0x2800  }
0xc0: {  	_ =	swait.ge [sflag:s12], $0x2800  }
0xc1: {  	[sflag:s12] =	ssyncset.done $0x0  }
0xc2: {  	[sflag:s12] =	ssyncadd.s32 $0xFFFFD800  }
0xc3: {  	_ =	sfence.sel $0x180000  }
0xc4: {  	[bflag:$0x0] =	sbarrier.arrive $0xFFFF  }
0xc5: {  	_ =	strace $0x9000004A  }
0xc6: {  	s0 =	stileid.u32;
	[bflag:$0x2] =	sbarrier.arrive $0xFFFF  }
0xc7: {  	p0 =	sne.s32 s0, $0x0;
	s0 =	rddreg [dreg:$0x3]  }
0xc8: {  	s0 =	sadd.s32 @!p0 $0x100000, s0  }
0xc9: {  	[sflag:s0] =	ssyncadd.tile.s32 @!p0 $0x1;
	_ =	shalt  }
.Lfunc_end2:
_tile_overlayer_lowered:
.L_overlay_start_2:
0xca: {  	(tag) =	ssettag $0x2  }
0xcb: {  	s0 =	rddreg [dreg:$0x0];
	s2 =	stileid.u32  }
0xcc: {  	s1 =	rddreg [dreg:$0x1];
	p0 =	sne.s32 s2, $0x0  }
0xcd: {  	s3 =	rddreg [dreg:$0x2];
	[bflag:$0x3] =	sbarrier.arrive $0xFFFF;
	s2 =	simm.s32 @!p0 $0x1C05  }
0xce: {  	[timem:s3], [sflag:s2] =	dma.local @!p0 [hbm:s0], s1  }
0xcf: {  	s0 =	simm.s32 @!p0 $0x5  }
0xd0: {  	_ =	swait.ge @!p0 [sflag:s0], s1  }
0xd1: {  	s1 =	ssub.s32 @!p0 $0x0, s1;
	[sflag:s0] =	ssyncset.done @!p0 $0x0  }
0xd2: {  	[sflag:s0] =	ssyncadd.s32 @!p0 s1  }
0xd3: {  	[bflag:$0x3] =	sbarrier.arrive $0xFFFF  }
0xd4: {  	_ =	shalt  }

// kernel: kernel.14.cloned.1.call-start
scs
__scs_entry_jumppad:
0x0: {  	(pc) =	sbr.rel $0x88, $3  }
0x1: {  	(tag) =	ssettag $0x0;
	lr =	simm.s32 $0x1  }
0x2: {  	[smem:$0x3F9B] =	sst lr;
	_ =	strace $0xD0000000  }
0x3: {  	_ = 	snop  }
0x4: {  	_ = 	snop  }
0x5: {  	_ = 	snop  }
0x6: {  	_ = 	snop  }
0x7: {  	_ = 	snop  }
__scs_overlays_trampoline_lowered:
0x8: {  	[smem:$0x3FAA] =	sst s0  }
0x9: {  	[smem:$0x3FAB] =	sst s1  }
0xa: {  	[smem:$0x3FAC] =	sst s2  }
0xb: {  	[smem:$0x3FAD] =	sst s3  }
0xc: {  	[smem:$0x3FAE] =	sst s4  }
0xd: {  	[smem:$0x3FAF] =	sst s5  }
0xe: {  	[smem:$0x3FB0] =	sst s6  }
0xf: {  	[smem:$0x3FB1] =	sst s7  }
0x10: {  	[smem:$0x3FB2] =	sst s8  }
0x11: {  	[smem:$0x3FB3] =	sst s9;
	s0 =	simm.s32 @!p0 $0x0  }
0x12: {  	s1 =	sld [smem:$0x3F99];
	s0 =	simm.s32 @p0 $0x1  }
0x13: {  	[smem:$0x3FB4] =	sst s0;
	s0 =	simm.s32 @!p1 $0x0  }
0x14: {  	s2 =	sld [smem:$0x3F98];
	s0 =	simm.s32 @p1 $0x1  }
0x15: {  	[smem:$0x3FB5] =	sst s0;
	s0 =	simm.s32 @!p2 $0x0  }
0x16: {  	s3 =	sld [smem:$0x3FDB];
	s0 =	simm.s32 @p2 $0x1  }
0x17: {  	s4 =	simm.s32 $0x1BF5;
	[smem:$0x3FB7] =	sst s0  }
0x18: {  	s0 =	sld [smem:$0x3F9A];
	_ =	swait.ge [sflag:s4], $0x0  }
0x19: {  	s7 =	sld [smem:$0x3F9B]  }
0x1a: {  	s8 =	sadd.s32 $0xFFFFE003, lr  }
0x1b: {  	s9 =	sadd.s32 $0xFFFFFEF7, lr;
	s5 =	simm.s32 $0xFFFFFFFF;
	p2 =	slt.u32 s8, $0xFFFFF086  }
0x1c: {  	p1 =	slt.u32 s9, $0xF7A;
	s5 =	simm.s32 @!p2 $0x0  }
0x1d: {  	s5 =	simm.s32 @p1 $0x1;
	p0 =	seq.s32 s7, s2  }
0x1e: {  	s7 =	smul.u32 @!p0 $0xF7A, s2;
	p2 =	seq.s32 @!p0 s5, $0x0  }
0x1f: {  	s9 =	smul.u32 $0xF7A, s1;
	s8 =	simm.s32 @!p0 $0x1BF5;
	p2 =	por !p2, p0  }
0x20: {  	[sflag:s8] =	ssyncset.s32 @!p0 $0xFFFFF086;
	s6 =	sadd.s32 @!p0 s3, s7;
	s7 =	simm.s32 @!p0 $0x108  }
0x21: {  	s3 =	sadd.s32 s3, s9;
	s6 =	sadd.s32 @!p0 $0x88, s6;
	s7 =	simm.s32 @p2 $0x1082  }
0x22: {  	[simem:s7], [sflag:s8] =	dma.local @!p0 [hbm:s6], $0xF7A  }
0x23: {  	s9 =	sor.u32 $0xD0000000, s2;
	s6 =	simm.s32 $0x108;
	_ =	swait.ge @!p0 [sflag:s8], $0x0  }
0x24: {  	s3 =	sadd.s32 $0x88, s3;
	s6 =	simm.s32 @!p1 $0x1082;
	[sflag:s4] =	ssyncset.s32 $0xFFFFF086  }
0x25: {  	[simem:s6], [sflag:s4] =	dma.local [hbm:s3], $0xF7A  }
0x26: {  	[smem:$0x3F9B] =	sst s1;
	(tag) =	ssettag s2;
	_ =	strace s9  }
0x27: {  	s1 =	sld [smem:$0x3FAB]  }
0x28: {  	s2 =	sld [smem:$0x3FAC]  }
0x29: {  	s4 =	sld [smem:$0x3FAE]  }
0x2a: {  	p0 =	seq.s32 s5, $0x0;
	s5 =	sld [smem:$0x3FAF]  }
0x2b: {  	s6 =	sld [smem:$0x3FB0]  }
0x2c: {  	s7 =	sld [smem:$0x3FB1]  }
0x2d: {  	s3 =	simm.s32 $0x108;
	s8 =	sld [smem:$0x3FB2]  }
0x2e: {  	s3 =	simm.s32 @!p0 $0x1082;
	s9 =	sld [smem:$0x3FB3]  }
0x2f: {  	lr =	sadd.s32 s0, s3;
	s0 =	sld [smem:$0x3FAA]  }
0x30: {  	s3 =	sld [smem:$0x3FAD]  }
0x31: {  	[smem:$0x3FB6] =	sst s10  }
0x32: {  	s10 =	sld [smem:$0x3FB4];
	_ =	sdelay $0x3  }
0x33: {  	p0 =	seq.s32 s10, $0x1;
	s10 =	sld [smem:$0x3FB6];
	_ =	sdelay $0x3  }
0x34: {  	[smem:$0x3FB6] =	sst s10  }
0x35: {  	s10 =	sld [smem:$0x3FB5];
	_ =	sdelay $0x3  }
0x36: {  	p1 =	seq.s32 s10, $0x1;
	s10 =	sld [smem:$0x3FB6];
	_ =	sdelay $0x3  }
0x37: {  	[smem:$0x3FB6] =	sst s10  }
0x38: {  	s10 =	sld [smem:$0x3FB7]  }
0x39: {  	_ = 	snop;
	(pc) =	sbr.ind lr, $3  }
0x3a: {  	_ = 	snop  }
0x3b: {  	_ = 	snop  }
0x3c: {  	p2 =	seq.s32 s10, $0x1;
	s10 =	sld [smem:$0x3FB6]  }
0x3d: {  	_ =	shalt  }
0x3e: {  	_ =	shalt  }
0x3f: {  	_ =	shalt  }
0x40: {  	_ =	shalt  }
0x41: {  	_ =	shalt  }
0x42: {  	_ =	shalt  }
0x43: {  	_ =	shalt  }
0x44: {  	_ =	shalt  }
0x45: {  	_ =	shalt  }
0x46: {  	_ =	shalt  }
0x47: {  	_ =	shalt  }
0x48: {  	_ =	shalt  }
0x49: {  	_ =	shalt  }
0x4a: {  	_ =	shalt  }
0x4b: {  	_ =	shalt  }
0x4c: {  	_ =	shalt  }
0x4d: {  	_ =	shalt  }
0x4e: {  	_ =	shalt  }
0x4f: {  	_ =	shalt  }
0x50: {  	_ =	shalt  }
0x51: {  	_ =	shalt  }
0x52: {  	_ =	shalt  }
0x53: {  	_ =	shalt  }
0x54: {  	_ =	shalt  }
0x55: {  	_ =	shalt  }
0x56: {  	_ =	shalt  }
0x57: {  	_ =	shalt  }
0x58: {  	_ =	shalt  }
0x59: {  	_ =	shalt  }
0x5a: {  	_ =	shalt  }
0x5b: {  	_ =	shalt  }
0x5c: {  	_ =	shalt  }
0x5d: {  	_ =	shalt  }
0x5e: {  	_ =	shalt  }
0x5f: {  	_ =	shalt  }
0x60: {  	_ =	shalt  }
0x61: {  	_ =	shalt  }
0x62: {  	_ =	shalt  }
0x63: {  	_ =	shalt  }
0x64: {  	_ =	shalt  }
0x65: {  	_ =	shalt  }
0x66: {  	_ =	shalt  }
0x67: {  	_ =	shalt  }
0x68: {  	_ =	shalt  }
0x69: {  	_ =	shalt  }
0x6a: {  	_ =	shalt  }
0x6b: {  	_ =	shalt  }
0x6c: {  	_ =	shalt  }
0x6d: {  	_ =	shalt  }
0x6e: {  	_ =	shalt  }
0x6f: {  	_ =	shalt  }
0x70: {  	_ =	shalt  }
0x71: {  	_ =	shalt  }
0x72: {  	_ =	shalt  }
0x73: {  	_ =	shalt  }
0x74: {  	_ =	shalt  }
0x75: {  	_ =	shalt  }
0x76: {  	_ =	shalt  }
0x77: {  	_ =	shalt  }
0x78: {  	_ =	shalt  }
0x79: {  	_ =	shalt  }
0x7a: {  	_ =	shalt  }
0x7b: {  	_ =	shalt  }
0x7c: {  	_ =	shalt  }
0x7d: {  	_ =	shalt  }
0x7e: {  	_ =	shalt  }
0x7f: {  	_ =	shalt  }
0x80: {  	_ =	shalt  }
0x81: {  	_ =	shalt  }
0x82: {  	_ =	shalt  }
0x83: {  	_ =	shalt  }
0x84: {  	_ =	shalt  }
0x85: {  	_ =	shalt  }
0x86: {  	_ =	shalt  }
0x87: {  	_ =	shalt  }
.Lfunc_end0:
.L_simem_size_0:
called_computation.2_lowered:
.L_overlay_start_0:
0x88: {  	s2 =	sld [smem:$0x3FD9]  }
0x89: {  	s3 =	sld [smem:$0x3FFE];
	_ =	sdelay $0x1  }
0x8a: {  	s1 =	srdreg.scid  }
0x8b: {  	s0 =	sand.u32 $0x1, s1  }
0x8c: {  	s17 =	sshll.u32 s0, $0xA;
	s2 =	sadd.s32 s3, s2  }
0x8d: {  	s2 =	sadd.s32 s2, s17  }
0x8e: {  	[smem:$0x3FC2] =	sst s2  }
0x8f: {  	_ = 	snop  }
0x90: {  	s2 =	sld [smem:$0x3FD0];
	(tm) =	ssettm $0x1  }
0x91: {  	s18 =	sld [smem:$0x3FFB];
	_ =	sdelay $0x3  }
0x92: {  	_ =	strace s18  }
0x93: {  	s3 =	sld [smem:$0x3FFC];
	_ =	sdelay $0x3  }
0x94: {  	_ =	strace s3  }
0x95: {  	s3 =	sld [smem:$0x3FFD];
	_ =	sdelay $0x3  }
0x96: {  	_ =	strace s3  }
0x97: {  	_ =	strace $0x8FFFFFFF  }
0x98: {  	s19 =	sld [smem:$0x3FDB];
	_ =	sdelay $0x1  }
0x99: {  	s4 =	simm.s32 $_scs_section_size  }
0x9a: {  	s5 =	simm.s32 $_size__tile_overlayer_lowered;
	s6 =	simm.s32 $_tile_overlayer_lowered  }
0x9b: {  	s22 =	simm.s32 $0x1BFF;
	s21 =	sshll.u32 s6, $0x1;
	s3 =	sadd.s32 s4, s19  }
0x9c: {  	s7 =	simm.s32 $0x0;
	s20 =	sshll.u32 s5, $0x1;
	s5 =	sadd.s32 s21, s3  }
0x9d: {  	[timem:s7], [sflag:s22] =	dma.local [hbm:s5], s20  }
0x9e: {  	_ =	swait.ge [sflag:s22], s20  }
0x9f: {  	s4 =	ssub.s32 $0x0, s20;
	[sflag:s22] =	ssyncset.done $0x0  }
0xa0: {  	[sflag:s22] =	ssyncadd.s32 s4;
	_ =	sdelay $0x1  }
0xa1: {  	s23 =	simm.s32 $0x1B8B  }
0xa2: {  	_ =	swait.ge [sflag:s23], $0x1  }
0xa3: {  	[sflag:s23] =	ssyncset.done $0x0  }
0xa4: {  	s25 =	simm.s32 $0x1B8E;
	s24 =	sld [smem:$0x3FFE];
	[sflag:s23] =	ssyncadd.s32 $0xFFFFFFFF  }
0xa5: {  	s26 =	simm.s32 $execute0_lowered;
	[smem:$0x3FD2] =	sst s25  }
0xa6: {  	s5 =	sshll.u32 s26, $0x1;
	_ =	strace $0x8000004C;
	[dreg:$0x1] =	wrdreg $0xFFFFFFFF  }
0xa7: {  	s28 =	simm.s32 $_size_execute0_lowered;
	s3 =	sadd.s32 s3, s5;
	[dreg:$0x0] =	wrdreg $0x0  }
0xa8: {  	s5 =	sshll.u32 s28, $0x1;
	[dreg:$0x2] =	wrdreg s3  }
0xa9: {  	[dreg:$0x3] =	wrdreg s5  }
0xaa: {  	[dreg:$0x4] =	wrdreg $0xC0  }
0xab: {  	_ =	task [dreg:s7], $0x5FFFF  }
0xac: {  	[dreg:$0x1] =	wrdreg $0xFFFFFFFF  }
0xad: {  	[dreg:$0x0] =	wrdreg $0x60  }
0xae: {  	[dreg:$0x2] =	wrdreg s2  }
0xaf: {  	[dreg:$0x3] =	wrdreg s24  }
0xb0: {  	[dreg:$0x4] =	wrdreg $0xEA000  }
0xb1: {  	[dreg:$0x5] =	wrdreg $0x9  }
0xb2: {  	_ =	task.clear_ibuf [dreg:s7], $0x6FFFF;
	_ =	strace $0x9000004C  }
0xb3: {  	s29 =	simm.s32 $0x9;
	_ =	strace $0x8000004E  }
0xb4: {  	_ =	swait.ge [sflag:s29], $0x1  }
0xb5: {  	[sflag:s29] =	ssyncadd.s32 $0xFFFFFFFF  }
0xb6: {  	_ =	strace $0x9000004E  }
0xb7: {  	_ =	sfence  }
0xb8: {  	s30 =	sld [smem:$0x0];
	_ =	sdelay $0x2  }
0xb9: {  	s31 =	sshll.u32 s1, $0xD;
	s1 =	sshrl.u32 s1, $0x2  }
0xba: {  	s3 =	sand.u32 $0x4000, s31;
	s1 =	sadd.s32 s1, s30  }
0xbb: {  	s0 =	sor.u32 s3, s0;
	s1 =	sshll.u32 s1, $0x11  }
0xbc: {  	s0 =	sor.u32 s1, s0  }
0xbd: {  	s0 =	sadd.s32 $0x8F2B, s0  }
0xbe: {  	[sflag:s0] =	ssyncadd.remote.s32 $0x1  }
0xbf: {  	_ =	sfence.sel $0xFFFF  }
0xc0: {  	[dreg:$0x0] =	wrdreg $0xFFFFFFFF;
	(pc) =	sbr.abs _section_cstart, $3  }
0xc1: {  	[dreg:$0x1] =	wrdreg $0xFFFFFFFF  }
0xc2: {  	_ =	task.clear_ibuf [dreg:s7], $0x2FFFF;
	_ =	strace $0x9FFFFFFF  }
0xc3: {  	(tm) =	ssettm $0x7FFFFFFF  }
tec
execute0_lowered:
.L_overlay_start_1:
0x0: {  	(tag) =	ssettag $0x1  }
0x1: {  	s0 =	rddreg [dreg:$0x0]  }
0x2: {  	s1 =	rddreg [dreg:$0x1]  }
0x3: {  	s2 =	rddreg [dreg:$0x2]  }
0x4: {  	s4 =	srdreg.scid;
	s12 =	stileid.u32;
	s3 =	simm.s32 $0x0  }
0x5: {  	s14 =	simm.s32 $0x80;
	s15 =	simm.s32 $0x2A00;
	s16 =	simm.s32 $0x4A00  }
0x6: {  	s18 =	simm.s32 $0x6A00;
	s20 =	simm.s32 $0x8A00;
	s22 =	simm.s32 $0xAA00  }
0x7: {  	s28 =	simm.s32 $0x3;
	s29 =	simm.s32 $0x4;
	s17 =	simm.s32 $0x1480  }
0x8: {  	s30 =	simm.s32 $0x2880;
	s31 =	simm.s32 $0x2900;
	s5 =	sand.u32 $0x1, s4  }
0x9: {  	s6 =	smul.u32 $0xA000, s12;
	[smem:$0x7FF] =	sst s3;
	s4 =	sadd.s32 $0x2000, s1  }
0xa: {  	s10 =	sadd.s32 $0x16000, s1;
	s26 =	sshll.u32 s12, $0x6;
	s7 =	smul.u32 $0xA0000, s5  }
0xb: {  	s8 =	sshll.u32 s5, $0x4;
	_ =	strace $0x8000004D;
	s9 =	ssub.s32 $0x2, s5  }
0xc: {  	p0 =	seq.s32 s5, $0x1;
	s8 =	sor.u32 s12, s8;
	s11 =	sshrl.u32 s9, $0x1  }
0xd: {  	s24 =	sadd.s32 s6, s2;
	s25 =	sshrl.u32 s6, $0x3;
	s12 =	simm.s32 $0x5  }
0xe: {  	s7 =	sadd.s32 s6, s7;
	s8 =	smul.u32 $0x1500, s8;
	s9 =	ssub.s32 s9, s11  }
0xf: {  	s11 =	sshrl.u32 s24, $0x3;
	s24 =	simm.s32 $0xCA00;
	s7 =	sshrl.u32 s7, $0x3  }
0x10: {  	s1 =	sadd.s32 s7, s1;
	s23 =	sshrl.u32 s8, $0x3;
	s8 =	smax.u32 s9, $0x1  }
0x11: {  	s5 =	sadd.s32 s0, s23;
	s7 =	sadd.s32 $0x2A000, s1;
	s1 =	smov.u32 s4  }
0x12: {  	s23 =	simm.s32 $0x2800;
	s0 =	simm.s32 $0x2980;
	s6 =	sadd.s32 $0x5400, s5  }
0x13: {  	s1 =	smov.u32 @p0 s10;
	s10 =	sor.u32 $0x1C05, s26;
	s26 =	simm.s32 $0x2  }
0x14: {  	s9 =	sadd.s32 s1, s25;
	s25 =	simm.s32 $0x1;
	s1 =	simm.s32 $0x0  }
.LBB2_1:
0x15: {  	[spmem:s11], [sflag:s10] =	dma.local [hbm:s9], $0x1400  }
0x16: {  	_ =	swait.ge [sflag:s12], $0x1400  }
0x17: {  	[sflag:s12] =	ssyncset.done $0x0  }
0x18: {  	[sflag:s12] =	ssyncadd.s32 $0xFFFFEC00  }
0x19: {  	[tilespmem:s3], [sflag:$0x5] =	stream.linear.gather [hbm4b:s5+s3], $0x1500, $0x38;
	[tilespmem:$0x18A00] =	vst v63  }
0x1a: {  	_ =	swait.ge [sflag:s12], $0x1500  }
0x1b: {  	[sflag:s12] =	ssyncset.done $0x0  }
0x1c: {  	s13 =	simm.s32 $0x1500;
	[sflag:s12] =	ssyncadd.s32 $0xFFFFEB00  }
0x1d: {  	[tilespmem:s13], [sflag:$0x5] =	stream.linear.gather [hbm4b:s6+s3], $0x1500, $0x38;
	[tilespmem:$0x18A00] =	vst v63  }
0x1e: {  	_ =	swait.ge [sflag:s12], $0x1500  }
0x1f: {  	[sflag:s12] =	ssyncset.done $0x0  }
0x20: {  	[sflag:s12] =	ssyncadd.s32 $0xFFFFEB00  }
0x21: {  	[tilespmem:s15], [sflag:$0x1] =	stream.indirect.gather [hbm4b:s4+s14], $0x40, s3, s14, $0xb8;
	[tilespmem:$0x18A00] =	vst v63  }
0x22: {  	_ = 	snop  }
0x23: {  	[tilespmem:s16], [sflag:$0x1] =	stream.indirect.gather [hbm4b:s4+s14], $0x40, s14, s14, $0xb8;
	[tilespmem:$0x18A00] =	vst v63  }
0x24: {  	s21 =	simm.s32 $0x100  }
0x25: {  	[tilespmem:s18], [sflag:$0x1] =	stream.indirect.gather [hbm4b:s4+s14], $0x40, s21, s14, $0xb8;
	[tilespmem:$0x18A00] =	vst v63  }
0x26: {  	s19 =	simm.s32 $0x180  }
0x27: {  	[tilespmem:s20], [sflag:$0x2] =	stream.indirect.gather [hbm4b:s4+s14], $0x40, s19, s14, $0xb8;
	[tilespmem:$0x18A00] =	vst v63  }
0x28: {  	s21 =	simm.s32 $0x200  }
0x29: {  	[tilespmem:s22], [sflag:$0x2] =	stream.indirect.gather [hbm4b:s4+s14], $0x40, s21, s14, $0xb8;
	[tilespmem:$0x18A00] =	vst v63  }
0x2a: {  	s19 =	simm.s32 $0x280  }
0x2b: {  	[tilespmem:s24], [sflag:$0x2] =	stream.indirect.gather [hbm4b:s4+s14], $0x40, s19, s14, $0xb8;
	[tilespmem:$0x18A00] =	vst v63  }
0x2c: {  	[bflag:$0x0] =	sbarrier.arrive $0xFFFF  }
0x2d: {  	_ =	swait.ge [sflag:s25], $0x2000  }
0x2e: {  	[sflag:s25] =	ssyncset.done $0x0  }
0x2f: {  	s21 =	simm.s32 $0x1500;
	[sflag:s25] =	ssyncadd.s32 $0xFFFFE000  }
0x30: {  	[spmem:s2] =	stream.indirect.scatter.add.f32 [tilespmem:s15], [sflag:$0x3], $0x40, s21, s14, $0xb8;
	[tilespmem:$0x18A00] =	vst v63  }
0x31: {  	_ =	swait.ge [sflag:s25], $0x2000  }
0x32: {  	[sflag:s25] =	ssyncset.done $0x0  }
0x33: {  	s19 =	simm.s32 $0x1580;
	[sflag:s25] =	ssyncadd.s32 $0xFFFFE000  }
0x34: {  	[spmem:s2] =	stream.indirect.scatter.add.f32 [tilespmem:s16], [sflag:$0x3], $0x40, s19, s14, $0xb8;
	[tilespmem:$0x18A00] =	vst v63  }
0x35: {  	_ =	swait.ge [sflag:s25], $0x2000  }
0x36: {  	[sflag:s25] =	ssyncset.done $0x0  }
0x37: {  	s21 =	simm.s32 $0x1600;
	[sflag:s25] =	ssyncadd.s32 $0xFFFFE000  }
0x38: {  	[spmem:s2] =	stream.indirect.scatter.add.f32 [tilespmem:s18], [sflag:$0x3], $0x40, s21, s14, $0xb8;
	[tilespmem:$0x18A00] =	vst v63  }
0x39: {  	_ =	swait.ge [sflag:s26], $0x2000  }
0x3a: {  	[sflag:s26] =	ssyncset.done $0x0  }
0x3b: {  	s19 =	simm.s32 $0x1680;
	[sflag:s26] =	ssyncadd.s32 $0xFFFFE000  }
0x3c: {  	[spmem:s2] =	stream.indirect.scatter.add.f32 [tilespmem:s20], [sflag:$0x4], $0x40, s19, s14, $0xb8;
	[tilespmem:$0x18A00] =	vst v63  }
0x3d: {  	_ =	swait.ge [sflag:s26], $0x2000  }
0x3e: {  	[sflag:s26] =	ssyncset.done $0x0  }
0x3f: {  	s21 =	simm.s32 $0x1700;
	[sflag:s26] =	ssyncadd.s32 $0xFFFFE000  }
0x40: {  	[spmem:s2] =	stream.indirect.scatter.add.f32 [tilespmem:s22], [sflag:$0x4], $0x40, s21, s14, $0xb8;
	[tilespmem:$0x18A00] =	vst v63  }
0x41: {  	_ =	swait.ge [sflag:s26], $0x2000  }
0x42: {  	[sflag:s26] =	ssyncset.done $0x0  }
0x43: {  	s19 =	simm.s32 $0x1780;
	[sflag:s26] =	ssyncadd.s32 $0xFFFFE000  }
0x44: {  	[spmem:s2] =	stream.indirect.scatter.add.f32 [tilespmem:s24], [sflag:$0x4], $0x40, s19, s14, $0xb8;
	[tilespmem:$0x18A00] =	vst v63  }
0x45: {  	_ =	swait.ge [sflag:s28], $0x2000  }
0x46: {  	[sflag:s28] =	ssyncset.done $0x0  }
0x47: {  	[sflag:s28] =	ssyncadd.s32 $0xFFFFE000  }
0x48: {  	_ =	swait.ge [sflag:s28], $0x2000  }
0x49: {  	[sflag:s28] =	ssyncset.done $0x0  }
0x4a: {  	[sflag:s28] =	ssyncadd.s32 $0xFFFFE000  }
0x4b: {  	_ =	swait.ge [sflag:s28], $0x2000  }
0x4c: {  	[sflag:s28] =	ssyncset.done $0x0  }
0x4d: {  	s21 =	simm.s32 $0x300;
	[sflag:s28] =	ssyncadd.s32 $0xFFFFE000  }
0x4e: {  	[tilespmem:s15], [sflag:$0x1] =	stream.indirect.gather [hbm4b:s4+s14], $0x40, s21, s14, $0xb8;
	[tilespmem:$0x18A00] =	vst v63  }
0x4f: {  	s19 =	simm.s32 $0x380  }
0x50: {  	[tilespmem:s16], [sflag:$0x1] =	stream.indirect.gather [hbm4b:s4+s14], $0x40, s19, s14, $0xb8;
	[tilespmem:$0x18A00] =	vst v63  }
0x51: {  	s21 =	simm.s32 $0x400  }
0x52: {  	[tilespmem:s18], [sflag:$0x1] =	stream.indirect.gather [hbm4b:s4+s14], $0x40, s21, s14, $0xb8;
	[tilespmem:$0x18A00] =	vst v63  }
0x53: {  	_ =	swait.ge [sflag:s29], $0x2000  }
0x54: {  	[sflag:s29] =	ssyncset.done $0x0  }
0x55: {  	[sflag:s29] =	ssyncadd.s32 $0xFFFFE000  }
0x56: {  	_ =	swait.ge [sflag:s29], $0x2000  }
0x57: {  	[sflag:s29] =	ssyncset.done $0x0  }
0x58: {  	[sflag:s29] =	ssyncadd.s32 $0xFFFFE000  }
0x59: {  	_ =	swait.ge [sflag:s29], $0x2000  }
0x5a: {  	[sflag:s29] =	ssyncset.done $0x0  }
0x5b: {  	s19 =	simm.s32 $0x480;
	[sflag:s29] =	ssyncadd.s32 $0xFFFFE000  }
0x5c: {  	[tilespmem:s20], [sflag:$0x2] =	stream.indirect.gather [hbm4b:s4+s14], $0x40, s19, s14, $0xb8;
	[tilespmem:$0x18A00] =	vst v63  }
0x5d: {  	s13 =	simm.s32 $0xC00;
	s21 =	simm.s32 $0x500;
	s19 =	simm.s32 $0x580  }
0x5e: {  	[tilespmem:s22], [sflag:$0x2] =	stream.indirect.gather [hbm4b:s4+s14], $0x40, s21, s14, $0xb8;
	[tilespmem:$0x18A00] =	vst v63  }
.LBB2_2:
0x5f: {  	[tilespmem:s24], [sflag:$0x2] =	stream.indirect.gather [hbm4b:s4+s14], $0x40, s19, s14, $0xb8;
	[tilespmem:$0x18A00] =	vst v63  }
0x60: {  	s19 =	smov.u32 s13;
	s13 =	sadd.s32 $0xC00, s13;
	_ =	swait.ge [sflag:s25], $0x2000  }
0x61: {  	s19 =	sshra.s32 s19, $0x2;
	p0 =	sne.s32 s13, $0x3C00;
	[sflag:s25] =	ssyncset.done $0x0  }
0x62: {  	s21 =	sadd.s32 $0x1500, s19;
	[sflag:s25] =	ssyncadd.s32 $0xFFFFE000  }
0x63: {  	[spmem:s2] =	stream.indirect.scatter.add.f32 [tilespmem:s15], [sflag:$0x3], $0x40, s21, s14, $0xb8;
	[tilespmem:$0x18A00] =	vst v63  }
0x64: {  	_ =	swait.ge [sflag:s25], $0x2000  }
0x65: {  	[sflag:s25] =	ssyncset.done $0x0  }
0x66: {  	s21 =	sadd.s32 $0x1580, s19;
	[sflag:s25] =	ssyncadd.s32 $0xFFFFE000  }
0x67: {  	[spmem:s2] =	stream.indirect.scatter.add.f32 [tilespmem:s16], [sflag:$0x3], $0x40, s21, s14, $0xb8;
	[tilespmem:$0x18A00] =	vst v63  }
0x68: {  	_ =	swait.ge [sflag:s25], $0x2000  }
0x69: {  	[sflag:s25] =	ssyncset.done $0x0  }
0x6a: {  	s21 =	sadd.s32 $0x1600, s19;
	[sflag:s25] =	ssyncadd.s32 $0xFFFFE000  }
0x6b: {  	[spmem:s2] =	stream.indirect.scatter.add.f32 [tilespmem:s18], [sflag:$0x3], $0x40, s21, s14, $0xb8;
	[tilespmem:$0x18A00] =	vst v63  }
0x6c: {  	_ =	swait.ge [sflag:s26], $0x2000  }
0x6d: {  	[sflag:s26] =	ssyncset.done $0x0  }
0x6e: {  	s21 =	sadd.s32 $0x1680, s19;
	[sflag:s26] =	ssyncadd.s32 $0xFFFFE000  }
0x6f: {  	[spmem:s2] =	stream.indirect.scatter.add.f32 [tilespmem:s20], [sflag:$0x4], $0x40, s21, s14, $0xb8;
	[tilespmem:$0x18A00] =	vst v63  }
0x70: {  	_ =	swait.ge [sflag:s26], $0x2000  }
0x71: {  	[sflag:s26] =	ssyncset.done $0x0  }
0x72: {  	s21 =	sadd.s32 $0x1700, s19;
	[sflag:s26] =	ssyncadd.s32 $0xFFFFE000  }
0x73: {  	[spmem:s2] =	stream.indirect.scatter.add.f32 [tilespmem:s22], [sflag:$0x4], $0x40, s21, s14, $0xb8;
	[tilespmem:$0x18A00] =	vst v63  }
0x74: {  	_ =	swait.ge [sflag:s26], $0x2000  }
0x75: {  	[sflag:s26] =	ssyncset.done $0x0  }
0x76: {  	s21 =	sadd.s32 $0x1780, s19;
	[sflag:s26] =	ssyncadd.s32 $0xFFFFE000  }
0x77: {  	[spmem:s2] =	stream.indirect.scatter.add.f32 [tilespmem:s24], [sflag:$0x4], $0x40, s21, s14, $0xb8;
	[tilespmem:$0x18A00] =	vst v63  }
0x78: {  	_ =	swait.ge [sflag:s28], $0x2000  }
0x79: {  	[sflag:s28] =	ssyncset.done $0x0  }
0x7a: {  	[sflag:s28] =	ssyncadd.s32 $0xFFFFE000  }
0x7b: {  	_ =	swait.ge [sflag:s28], $0x2000  }
0x7c: {  	[sflag:s28] =	ssyncset.done $0x0  }
0x7d: {  	[sflag:s28] =	ssyncadd.s32 $0xFFFFE000  }
0x7e: {  	_ =	swait.ge [sflag:s28], $0x2000  }
0x7f: {  	[sflag:s28] =	ssyncset.done $0x0  }
0x80: {  	s21 =	sadd.s32 $0x300, s19;
	[sflag:s28] =	ssyncadd.s32 $0xFFFFE000  }
0x81: {  	[tilespmem:s15], [sflag:$0x1] =	stream.indirect.gather [hbm4b:s4+s14], $0x40, s21, s14, $0xb8;
	[tilespmem:$0x18A00] =	vst v63  }
0x82: {  	s21 =	sadd.s32 $0x380, s19  }
0x83: {  	[tilespmem:s16], [sflag:$0x1] =	stream.indirect.gather [hbm4b:s4+s14], $0x40, s21, s14, $0xb8;
	[tilespmem:$0x18A00] =	vst v63  }
0x84: {  	s21 =	sadd.s32 $0x400, s19  }
0x85: {  	[tilespmem:s18], [sflag:$0x1] =	stream.indirect.gather [hbm4b:s4+s14], $0x40, s21, s14, $0xb8;
	[tilespmem:$0x18A00] =	vst v63  }
0x86: {  	_ =	swait.ge [sflag:s29], $0x2000  }
0x87: {  	[sflag:s29] =	ssyncset.done $0x0  }
0x88: {  	[sflag:s29] =	ssyncadd.s32 $0xFFFFE000  }
0x89: {  	_ =	swait.ge [sflag:s29], $0x2000  }
0x8a: {  	[sflag:s29] =	ssyncset.done $0x0  }
0x8b: {  	[sflag:s29] =	ssyncadd.s32 $0xFFFFE000  }
0x8c: {  	_ =	swait.ge [sflag:s29], $0x2000  }
0x8d: {  	[sflag:s29] =	ssyncset.done $0x0  }
.Ltmp0:
0x8e: {  	s21 =	sadd.s32 $0x480, s19;
	[sflag:s29] =	ssyncadd.s32 $0xFFFFE000;
	(pc) =	sbr.rel @p0 .LBB2_2-.Ltmp0, $4  }
0x8f: {  	[tilespmem:s20], [sflag:$0x2] =	stream.indirect.gather [hbm4b:s4+s14], $0x40, s21, s14, $0xb8;
	[tilespmem:$0x18A00] =	vst v63  }
0x90: {  	s21 =	sadd.s32 $0x500, s19  }
0x91: {  	[tilespmem:s22], [sflag:$0x2] =	stream.indirect.gather [hbm4b:s4+s14], $0x40, s21, s14, $0xb8;
	[tilespmem:$0x18A00] =	vst v63  }
0x92: {  	s19 =	sadd.s32 $0x580, s19  }
0x93: {  	[tilespmem:s24], [sflag:$0x2] =	stream.indirect.gather [hbm4b:s4+s14], $0x40, s19, s14, $0xb8;
	[tilespmem:$0x18A00] =	vst v63  }
0x94: {  	_ =	swait.ge [sflag:s25], $0x2000  }
0x95: {  	s13 =	sshra.s32 s13, $0x2;
	[sflag:s25] =	ssyncset.done $0x0  }
0x96: {  	s21 =	sadd.s32 $0x1500, s13;
	[sflag:s25] =	ssyncadd.s32 $0xFFFFE000  }
0x97: {  	[spmem:s2] =	stream.indirect.scatter.add.f32 [tilespmem:s15], [sflag:$0x3], $0x40, s21, s14, $0xb8;
	[tilespmem:$0x18A00] =	vst v63  }
0x98: {  	_ =	swait.ge [sflag:s25], $0x2000  }
0x99: {  	[sflag:s25] =	ssyncset.done $0x0  }
0x9a: {  	s21 =	sadd.s32 $0x1580, s13;
	[sflag:s25] =	ssyncadd.s32 $0xFFFFE000  }
0x9b: {  	[spmem:s2] =	stream.indirect.scatter.add.f32 [tilespmem:s16], [sflag:$0x3], $0x40, s21, s14, $0xb8;
	[tilespmem:$0x18A00] =	vst v63  }
0x9c: {  	_ =	swait.ge [sflag:s25], $0x2000  }
0x9d: {  	[sflag:s25] =	ssyncset.done $0x0  }
0x9e: {  	s21 =	sadd.s32 $0x1600, s13;
	[sflag:s25] =	ssyncadd.s32 $0xFFFFE000  }
0x9f: {  	[spmem:s2] =	stream.indirect.scatter.add.f32 [tilespmem:s18], [sflag:$0x3], $0x40, s21, s14, $0xb8;
	[tilespmem:$0x18A00] =	vst v63  }
0xa0: {  	_ =	swait.ge [sflag:s26], $0x2000  }
0xa1: {  	[sflag:s26] =	ssyncset.done $0x0  }
0xa2: {  	s21 =	sadd.s32 $0x1680, s13;
	[sflag:s26] =	ssyncadd.s32 $0xFFFFE000  }
0xa3: {  	[spmem:s2] =	stream.indirect.scatter.add.f32 [tilespmem:s20], [sflag:$0x4], $0x40, s21, s14, $0xb8;
	[tilespmem:$0x18A00] =	vst v63  }
0xa4: {  	_ =	swait.ge [sflag:s26], $0x2000  }
0xa5: {  	[sflag:s26] =	ssyncset.done $0x0  }
0xa6: {  	s21 =	sadd.s32 $0x1700, s13;
	[sflag:s26] =	ssyncadd.s32 $0xFFFFE000  }
0xa7: {  	[spmem:s2] =	stream.indirect.scatter.add.f32 [tilespmem:s22], [sflag:$0x4], $0x40, s21, s14, $0xb8;
	[tilespmem:$0x18A00] =	vst v63  }
0xa8: {  	_ =	swait.ge [sflag:s26], $0x2000  }
0xa9: {  	[sflag:s26] =	ssyncset.done $0x0  }
0xaa: {  	s13 =	sadd.s32 $0x1780, s13;
	[sflag:s26] =	ssyncadd.s32 $0xFFFFE000  }
0xab: {  	[spmem:s2] =	stream.indirect.scatter.add.f32 [tilespmem:s24], [sflag:$0x4], $0x40, s13, s14, $0xb8;
	[tilespmem:$0x18A00] =	vst v63  }
0xac: {  	_ =	swait.ge [sflag:s28], $0x2000  }
0xad: {  	[sflag:s28] =	ssyncset.done $0x0  }
0xae: {  	[sflag:s28] =	ssyncadd.s32 $0xFFFFE000  }
0xaf: {  	_ =	swait.ge [sflag:s28], $0x2000  }
0xb0: {  	[sflag:s28] =	ssyncset.done $0x0  }
0xb1: {  	[sflag:s28] =	ssyncadd.s32 $0xFFFFE000  }
0xb2: {  	_ =	swait.ge [sflag:s28], $0x2000  }
0xb3: {  	[sflag:s28] =	ssyncset.done $0x0  }
0xb4: {  	s21 =	simm.s32 $0x1200;
	[sflag:s28] =	ssyncadd.s32 $0xFFFFE000  }
0xb5: {  	[tilespmem:s15], [sflag:$0x1] =	stream.indirect.gather [hbm4b:s4+s14], $0x40, s21, s14, $0xb8;
	[tilespmem:$0x18A00] =	vst v63  }
0xb6: {  	s19 =	simm.s32 $0x1280  }
0xb7: {  	[tilespmem:s16], [sflag:$0x1] =	stream.indirect.gather [hbm4b:s4+s14], $0x40, s19, s14, $0xb8;
	[tilespmem:$0x18A00] =	vst v63  }
0xb8: {  	s21 =	simm.s32 $0x1300  }
0xb9: {  	[tilespmem:s18], [sflag:$0x1] =	stream.indirect.gather [hbm4b:s4+s14], $0x40, s21, s14, $0xb8;
	[tilespmem:$0x18A00] =	vst v63  }
0xba: {  	_ =	swait.ge [sflag:s29], $0x2000  }
0xbb: {  	[sflag:s29] =	ssyncset.done $0x0  }
0xbc: {  	[sflag:s29] =	ssyncadd.s32 $0xFFFFE000  }
0xbd: {  	_ =	swait.ge [sflag:s29], $0x2000  }
0xbe: {  	[sflag:s29] =	ssyncset.done $0x0  }
0xbf: {  	[sflag:s29] =	ssyncadd.s32 $0xFFFFE000  }
0xc0: {  	_ =	swait.ge [sflag:s29], $0x2000  }
0xc1: {  	[sflag:s29] =	ssyncset.done $0x0  }
0xc2: {  	s19 =	simm.s32 $0x1380;
	[sflag:s29] =	ssyncadd.s32 $0xFFFFE000  }
0xc3: {  	[tilespmem:s20], [sflag:$0x2] =	stream.indirect.gather [hbm4b:s4+s14], $0x40, s19, s14, $0xb8;
	[tilespmem:$0x18A00] =	vst v63  }
0xc4: {  	s21 =	simm.s32 $0x1400  }
0xc5: {  	[tilespmem:s22], [sflag:$0x2] =	stream.indirect.gather [hbm4b:s4+s14], $0x40, s21, s14, $0xb8;
	[tilespmem:$0x18A00] =	vst v63  }
0xc6: {  	_ = 	snop  }
0xc7: {  	[tilespmem:s24], [sflag:$0x2] =	stream.indirect.gather [hbm4b:s4+s14], $0x40, s17, s14, $0xb8;
	[tilespmem:$0x18A00] =	vst v63  }
0xc8: {  	_ =	swait.ge [sflag:s25], $0x2000  }
0xc9: {  	[sflag:s25] =	ssyncset.done $0x0  }
0xca: {  	s19 =	simm.s32 $0x2700;
	[sflag:s25] =	ssyncadd.s32 $0xFFFFE000  }
0xcb: {  	[spmem:s2] =	stream.indirect.scatter.add.f32 [tilespmem:s15], [sflag:$0x3], $0x40, s19, s14, $0xb8;
	[tilespmem:$0x18A00] =	vst v63  }
0xcc: {  	_ =	swait.ge [sflag:s25], $0x2000  }
0xcd: {  	[sflag:s25] =	ssyncset.done $0x0  }
0xce: {  	s21 =	simm.s32 $0x2780;
	[sflag:s25] =	ssyncadd.s32 $0xFFFFE000  }
0xcf: {  	[spmem:s2] =	stream.indirect.scatter.add.f32 [tilespmem:s16], [sflag:$0x3], $0x40, s21, s14, $0xb8;
	[tilespmem:$0x18A00] =	vst v63  }
0xd0: {  	_ =	swait.ge [sflag:s25], $0x2000  }
0xd1: {  	[sflag:s25] =	ssyncset.done $0x0  }
0xd2: {  	[sflag:s25] =	ssyncadd.s32 $0xFFFFE000  }
0xd3: {  	[spmem:s2] =	stream.indirect.scatter.add.f32 [tilespmem:s18], [sflag:$0x3], $0x40, s23, s14, $0xb8;
	[tilespmem:$0x18A00] =	vst v63  }
0xd4: {  	_ =	swait.ge [sflag:s26], $0x2000  }
0xd5: {  	[sflag:s26] =	ssyncset.done $0x0  }
0xd6: {  	[sflag:s26] =	ssyncadd.s32 $0xFFFFE000  }
0xd7: {  	[spmem:s2] =	stream.indirect.scatter.add.f32 [tilespmem:s20], [sflag:$0x4], $0x40, s30, s14, $0xb8;
	[tilespmem:$0x18A00] =	vst v63  }
0xd8: {  	_ =	swait.ge [sflag:s26], $0x2000  }
0xd9: {  	[sflag:s26] =	ssyncset.done $0x0  }
0xda: {  	[sflag:s26] =	ssyncadd.s32 $0xFFFFE000  }
0xdb: {  	[spmem:s2] =	stream.indirect.scatter.add.f32 [tilespmem:s22], [sflag:$0x4], $0x40, s31, s14, $0xb8;
	[tilespmem:$0x18A00] =	vst v63  }
0xdc: {  	_ =	swait.ge [sflag:s26], $0x2000  }
0xdd: {  	[sflag:s26] =	ssyncset.done $0x0  }
0xde: {  	[sflag:s26] =	ssyncadd.s32 $0xFFFFE000  }
0xdf: {  	[spmem:s2] =	stream.indirect.scatter.add.f32 [tilespmem:s24], [sflag:$0x4], $0x40, s0, s14, $0xb8;
	[tilespmem:$0x18A00] =	vst v63  }
0xe0: {  	_ =	swait.ge [sflag:s28], $0x2000  }
0xe1: {  	[sflag:s28] =	ssyncset.done $0x0  }
0xe2: {  	[sflag:s28] =	ssyncadd.s32 $0xFFFFE000  }
0xe3: {  	_ =	swait.ge [sflag:s28], $0x2000  }
0xe4: {  	[sflag:s28] =	ssyncset.done $0x0  }
0xe5: {  	[sflag:s28] =	ssyncadd.s32 $0xFFFFE000  }
0xe6: {  	_ =	swait.ge [sflag:s28], $0x2000  }
0xe7: {  	[sflag:s28] =	ssyncset.done $0x0  }
0xe8: {  	[sflag:s28] =	ssyncadd.s32 $0xFFFFE000  }
0xe9: {  	[tilespmem:s15], [sflag:$0x1] =	stream.indirect.gather [hbm4b:s4+s14], $0x40, s17, s14, $0xb8;
	[tilespmem:$0x18A00] =	vst v63  }
0xea: {  	_ = 	snop  }
0xeb: {  	[tilespmem:s16], [sflag:$0x1] =	stream.indirect.gather [hbm4b:s4+s14], $0x40, s17, s14, $0xb8;
	[tilespmem:$0x18A00] =	vst v63  }
0xec: {  	_ = 	snop  }
0xed: {  	[tilespmem:s18], [sflag:$0x1] =	stream.indirect.gather [hbm4b:s4+s14], $0x40, s17, s14, $0xb8;
	[tilespmem:$0x18A00] =	vst v63  }
0xee: {  	_ =	swait.ge [sflag:s29], $0x2000  }
0xef: {  	[sflag:s29] =	ssyncset.done $0x0  }
0xf0: {  	[sflag:s29] =	ssyncadd.s32 $0xFFFFE000  }
0xf1: {  	_ =	swait.ge [sflag:s29], $0x2000  }
0xf2: {  	[sflag:s29] =	ssyncset.done $0x0  }
0xf3: {  	[sflag:s29] =	ssyncadd.s32 $0xFFFFE000  }
0xf4: {  	_ =	swait.ge [sflag:s29], $0x2000  }
0xf5: {  	[sflag:s29] =	ssyncset.done $0x0  }
0xf6: {  	[sflag:s29] =	ssyncadd.s32 $0xFFFFE000  }
0xf7: {  	[tilespmem:s20], [sflag:$0x2] =	stream.indirect.gather [hbm4b:s4+s14], $0x40, s17, s14, $0xb8;
	[tilespmem:$0x18A00] =	vst v63  }
0xf8: {  	_ = 	snop  }
0xf9: {  	[tilespmem:s22], [sflag:$0x2] =	stream.indirect.gather [hbm4b:s4+s14], $0x40, s17, s14, $0xb8;
	[tilespmem:$0x18A00] =	vst v63  }
0xfa: {  	_ = 	snop  }
0xfb: {  	[tilespmem:s24], [sflag:$0x2] =	stream.indirect.gather [hbm4b:s4+s14], $0x40, s17, s14, $0xb8;
	[tilespmem:$0x18A00] =	vst v63  }
0xfc: {  	_ =	swait.ge [sflag:s25], $0x2000  }
0xfd: {  	[sflag:s25] =	ssyncset.done $0x0  }
0xfe: {  	[sflag:s25] =	ssyncadd.s32 $0xFFFFE000  }
0xff: {  	_ =	swait.ge [sflag:s26], $0x2000  }
0x100: {  	[sflag:s26] =	ssyncset.done $0x0  }
0x101: {  	[sflag:s26] =	ssyncadd.s32 $0xFFFFE000  }
0x102: {  	_ =	swait.ge [sflag:s25], $0x2000  }
0x103: {  	[sflag:s25] =	ssyncset.done $0x0  }
0x104: {  	[sflag:s25] =	ssyncadd.s32 $0xFFFFE000  }
0x105: {  	_ =	swait.ge [sflag:s26], $0x2000  }
0x106: {  	[sflag:s26] =	ssyncset.done $0x0  }
0x107: {  	[sflag:s26] =	ssyncadd.s32 $0xFFFFE000  }
0x108: {  	_ =	swait.ge [sflag:s25], $0x2000  }
0x109: {  	[sflag:s25] =	ssyncset.done $0x0  }
0x10a: {  	[sflag:s25] =	ssyncadd.s32 $0xFFFFE000  }
0x10b: {  	_ =	swait.ge [sflag:s26], $0x2000  }
0x10c: {  	s1 =	sadd.s32 $0x1, s1;
	[sflag:s26] =	ssyncset.done $0x0  }
0x10d: {  	p0 =	sne.s32 s1, s8;
	[sflag:s26] =	ssyncadd.s32 $0xFFFFE000  }
.Ltmp1:
0x10e: {  	[bflag:$0x0] =	sbarrier.arrive $0xFFFF;
	(pc) =	sbr.rel @p0 .LBB2_1-.Ltmp1, $4  }
0x10f: {  	[hbm:s7], [sflag:s10] =	dma.local [spmem:s11], $0x1400  }
0x110: {  	_ =	swait.ge [sflag:s12], $0x1400  }
0x111: {  	[sflag:s12] =	ssyncset.done $0x0  }
0x112: {  	[sflag:s12] =	ssyncadd.s32 $0xFFFFEC00  }
0x113: {  	_ =	sfence.sel $0x180000  }
0x114: {  	[bflag:$0x0] =	sbarrier.arrive $0xFFFF  }
0x115: {  	_ =	strace $0x9000004D  }
0x116: {  	s0 =	stileid.u32;
	[bflag:$0x2] =	sbarrier.arrive $0xFFFF  }
0x117: {  	p0 =	sne.s32 s0, $0x0;
	s0 =	rddreg [dreg:$0x3]  }
0x118: {  	s0 =	sadd.s32 @!p0 $0x100000, s0  }
0x119: {  	[sflag:s0] =	ssyncadd.tile.s32 @!p0 $0x1;
	_ =	shalt  }
.Lfunc_end2:
_tile_overlayer_lowered:
.L_overlay_start_2:
0x11a: {  	(tag) =	ssettag $0x2  }
0x11b: {  	s0 =	rddreg [dreg:$0x0];
	s2 =	stileid.u32  }
0x11c: {  	s1 =	rddreg [dreg:$0x1];
	p0 =	sne.s32 s2, $0x0  }
0x11d: {  	s3 =	rddreg [dreg:$0x2];
	[bflag:$0x3] =	sbarrier.arrive $0xFFFF;
	s2 =	simm.s32 @!p0 $0x1C05  }
0x11e: {  	[timem:s3], [sflag:s2] =	dma.local @!p0 [hbm:s0], s1  }
0x11f: {  	s0 =	simm.s32 @!p0 $0x5  }
0x120: {  	_ =	swait.ge @!p0 [sflag:s0], s1  }
0x121: {  	s1 =	ssub.s32 @!p0 $0x0, s1;
	[sflag:s0] =	ssyncset.done @!p0 $0x0  }
0x122: {  	[sflag:s0] =	ssyncadd.s32 @!p0 s1  }
0x123: {  	[bflag:$0x3] =	sbarrier.arrive $0xFFFF  }
0x124: {  	_ =	shalt  }

// kernel: kernel.8.cloned.1.call-start
scs
__scs_entry_jumppad:
0x0: {  	(pc) =	sbr.rel $0x88, $3  }
0x1: {  	(tag) =	ssettag $0x0;
	lr =	simm.s32 $0x1  }
0x2: {  	[smem:$0x3F9B] =	sst lr;
	_ =	strace $0xD0000000  }
0x3: {  	_ = 	snop  }
0x4: {  	_ = 	snop  }
0x5: {  	_ = 	snop  }
0x6: {  	_ = 	snop  }
0x7: {  	_ = 	snop  }
__scs_overlays_trampoline_lowered:
0x8: {  	[smem:$0x3FAA] =	sst s0  }
0x9: {  	[smem:$0x3FAB] =	sst s1  }
0xa: {  	[smem:$0x3FAC] =	sst s2  }
0xb: {  	[smem:$0x3FAD] =	sst s3  }
0xc: {  	[smem:$0x3FAE] =	sst s4  }
0xd: {  	[smem:$0x3FAF] =	sst s5  }
0xe: {  	[smem:$0x3FB0] =	sst s6  }
0xf: {  	[smem:$0x3FB1] =	sst s7  }
0x10: {  	[smem:$0x3FB2] =	sst s8  }
0x11: {  	[smem:$0x3FB3] =	sst s9;
	s0 =	simm.s32 @!p0 $0x0  }
0x12: {  	s1 =	sld [smem:$0x3F99];
	s0 =	simm.s32 @p0 $0x1  }
0x13: {  	[smem:$0x3FB4] =	sst s0;
	s0 =	simm.s32 @!p1 $0x0  }
0x14: {  	s2 =	sld [smem:$0x3F98];
	s0 =	simm.s32 @p1 $0x1  }
0x15: {  	[smem:$0x3FB5] =	sst s0;
	s0 =	simm.s32 @!p2 $0x0  }
0x16: {  	s3 =	sld [smem:$0x3FDB];
	s0 =	simm.s32 @p2 $0x1  }
0x17: {  	s4 =	simm.s32 $0x1BF5;
	[smem:$0x3FB7] =	sst s0  }
0x18: {  	s0 =	sld [smem:$0x3F9A];
	_ =	swait.ge [sflag:s4], $0x0  }
0x19: {  	s7 =	sld [smem:$0x3F9B]  }
0x1a: {  	s8 =	sadd.s32 $0xFFFFE003, lr  }
0x1b: {  	s9 =	sadd.s32 $0xFFFFFEF7, lr;
	s5 =	simm.s32 $0xFFFFFFFF;
	p2 =	slt.u32 s8, $0xFFFFF086  }
0x1c: {  	p1 =	slt.u32 s9, $0xF7A;
	s5 =	simm.s32 @!p2 $0x0  }
0x1d: {  	s5 =	simm.s32 @p1 $0x1;
	p0 =	seq.s32 s7, s2  }
0x1e: {  	s7 =	smul.u32 @!p0 $0xF7A, s2;
	p2 =	seq.s32 @!p0 s5, $0x0  }
0x1f: {  	s9 =	smul.u32 $0xF7A, s1;
	s8 =	simm.s32 @!p0 $0x1BF5;
	p2 =	por !p2, p0  }
0x20: {  	[sflag:s8] =	ssyncset.s32 @!p0 $0xFFFFF086;
	s6 =	sadd.s32 @!p0 s3, s7;
	s7 =	simm.s32 @!p0 $0x108  }
0x21: {  	s3 =	sadd.s32 s3, s9;
	s6 =	sadd.s32 @!p0 $0x88, s6;
	s7 =	simm.s32 @p2 $0x1082  }
0x22: {  	[simem:s7], [sflag:s8] =	dma.local @!p0 [hbm:s6], $0xF7A  }
0x23: {  	s9 =	sor.u32 $0xD0000000, s2;
	s6 =	simm.s32 $0x108;
	_ =	swait.ge @!p0 [sflag:s8], $0x0  }
0x24: {  	s3 =	sadd.s32 $0x88, s3;
	s6 =	simm.s32 @!p1 $0x1082;
	[sflag:s4] =	ssyncset.s32 $0xFFFFF086  }
0x25: {  	[simem:s6], [sflag:s4] =	dma.local [hbm:s3], $0xF7A  }
0x26: {  	[smem:$0x3F9B] =	sst s1;
	(tag) =	ssettag s2;
	_ =	strace s9  }
0x27: {  	s1 =	sld [smem:$0x3FAB]  }
0x28: {  	s2 =	sld [smem:$0x3FAC]  }
0x29: {  	s4 =	sld [smem:$0x3FAE]  }
0x2a: {  	p0 =	seq.s32 s5, $0x0;
	s5 =	sld [smem:$0x3FAF]  }
0x2b: {  	s6 =	sld [smem:$0x3FB0]  }
0x2c: {  	s7 =	sld [smem:$0x3FB1]  }
0x2d: {  	s3 =	simm.s32 $0x108;
	s8 =	sld [smem:$0x3FB2]  }
0x2e: {  	s3 =	simm.s32 @!p0 $0x1082;
	s9 =	sld [smem:$0x3FB3]  }
0x2f: {  	lr =	sadd.s32 s0, s3;
	s0 =	sld [smem:$0x3FAA]  }
0x30: {  	s3 =	sld [smem:$0x3FAD]  }
0x31: {  	[smem:$0x3FB6] =	sst s10  }
0x32: {  	s10 =	sld [smem:$0x3FB4];
	_ =	sdelay $0x3  }
0x33: {  	p0 =	seq.s32 s10, $0x1;
	s10 =	sld [smem:$0x3FB6];
	_ =	sdelay $0x3  }
0x34: {  	[smem:$0x3FB6] =	sst s10  }
0x35: {  	s10 =	sld [smem:$0x3FB5];
	_ =	sdelay $0x3  }
0x36: {  	p1 =	seq.s32 s10, $0x1;
	s10 =	sld [smem:$0x3FB6];
	_ =	sdelay $0x3  }
0x37: {  	[smem:$0x3FB6] =	sst s10  }
0x38: {  	s10 =	sld [smem:$0x3FB7]  }
0x39: {  	_ = 	snop;
	(pc) =	sbr.ind lr, $3  }
0x3a: {  	_ = 	snop  }
0x3b: {  	_ = 	snop  }
0x3c: {  	p2 =	seq.s32 s10, $0x1;
	s10 =	sld [smem:$0x3FB6]  }
0x3d: {  	_ =	shalt  }
0x3e: {  	_ =	shalt  }
0x3f: {  	_ =	shalt  }
0x40: {  	_ =	shalt  }
0x41: {  	_ =	shalt  }
0x42: {  	_ =	shalt  }
0x43: {  	_ =	shalt  }
0x44: {  	_ =	shalt  }
0x45: {  	_ =	shalt  }
0x46: {  	_ =	shalt  }
0x47: {  	_ =	shalt  }
0x48: {  	_ =	shalt  }
0x49: {  	_ =	shalt  }
0x4a: {  	_ =	shalt  }
0x4b: {  	_ =	shalt  }
0x4c: {  	_ =	shalt  }
0x4d: {  	_ =	shalt  }
0x4e: {  	_ =	shalt  }
0x4f: {  	_ =	shalt  }
0x50: {  	_ =	shalt  }
0x51: {  	_ =	shalt  }
0x52: {  	_ =	shalt  }
0x53: {  	_ =	shalt  }
0x54: {  	_ =	shalt  }
0x55: {  	_ =	shalt  }
0x56: {  	_ =	shalt  }
0x57: {  	_ =	shalt  }
0x58: {  	_ =	shalt  }
0x59: {  	_ =	shalt  }
0x5a: {  	_ =	shalt  }
0x5b: {  	_ =	shalt  }
0x5c: {  	_ =	shalt  }
0x5d: {  	_ =	shalt  }
0x5e: {  	_ =	shalt  }
0x5f: {  	_ =	shalt  }
0x60: {  	_ =	shalt  }
0x61: {  	_ =	shalt  }
0x62: {  	_ =	shalt  }
0x63: {  	_ =	shalt  }
0x64: {  	_ =	shalt  }
0x65: {  	_ =	shalt  }
0x66: {  	_ =	shalt  }
0x67: {  	_ =	shalt  }
0x68: {  	_ =	shalt  }
0x69: {  	_ =	shalt  }
0x6a: {  	_ =	shalt  }
0x6b: {  	_ =	shalt  }
0x6c: {  	_ =	shalt  }
0x6d: {  	_ =	shalt  }
0x6e: {  	_ =	shalt  }
0x6f: {  	_ =	shalt  }
0x70: {  	_ =	shalt  }
0x71: {  	_ =	shalt  }
0x72: {  	_ =	shalt  }
0x73: {  	_ =	shalt  }
0x74: {  	_ =	shalt  }
0x75: {  	_ =	shalt  }
0x76: {  	_ =	shalt  }
0x77: {  	_ =	shalt  }
0x78: {  	_ =	shalt  }
0x79: {  	_ =	shalt  }
0x7a: {  	_ =	shalt  }
0x7b: {  	_ =	shalt  }
0x7c: {  	_ =	shalt  }
0x7d: {  	_ =	shalt  }
0x7e: {  	_ =	shalt  }
0x7f: {  	_ =	shalt  }
0x80: {  	_ =	shalt  }
0x81: {  	_ =	shalt  }
0x82: {  	_ =	shalt  }
0x83: {  	_ =	shalt  }
0x84: {  	_ =	shalt  }
0x85: {  	_ =	shalt  }
0x86: {  	_ =	shalt  }
0x87: {  	_ =	shalt  }
.Lfunc_end0:
.L_simem_size_0:
called_computation_lowered:
.L_overlay_start_0:
0x88: {  	s2 =	sld [smem:$0x3FD9]  }
0x89: {  	s3 =	sld [smem:$0x3FFE];
	_ =	sdelay $0x1  }
0x8a: {  	s1 =	srdreg.scid  }
0x8b: {  	s0 =	sand.u32 $0x1, s1  }
0x8c: {  	s17 =	sshll.u32 s0, $0xA;
	s2 =	sadd.s32 s3, s2  }
0x8d: {  	s2 =	sadd.s32 s2, s17  }
0x8e: {  	[smem:$0x3FC2] =	sst s2  }
0x8f: {  	_ = 	snop  }
0x90: {  	s2 =	sld [smem:$0x3FD0];
	(tm) =	ssettm $0x1  }
0x91: {  	s18 =	sld [smem:$0x3FFB];
	_ =	sdelay $0x3  }
0x92: {  	_ =	strace s18  }
0x93: {  	s3 =	sld [smem:$0x3FFC];
	_ =	sdelay $0x3  }
0x94: {  	_ =	strace s3  }
0x95: {  	s3 =	sld [smem:$0x3FFD];
	_ =	sdelay $0x3  }
0x96: {  	_ =	strace s3  }
0x97: {  	_ =	strace $0x8FFFFFFF  }
0x98: {  	s19 =	sld [smem:$0x3FDB];
	_ =	sdelay $0x1  }
0x99: {  	s4 =	simm.s32 $_scs_section_size  }
0x9a: {  	s5 =	simm.s32 $_size__tile_overlayer_lowered;
	s6 =	simm.s32 $_tile_overlayer_lowered  }
0x9b: {  	s22 =	simm.s32 $0x1BFF;
	s21 =	sshll.u32 s6, $0x1;
	s3 =	sadd.s32 s4, s19  }
0x9c: {  	s7 =	simm.s32 $0x0;
	s20 =	sshll.u32 s5, $0x1;
	s5 =	sadd.s32 s21, s3  }
0x9d: {  	[timem:s7], [sflag:s22] =	dma.local [hbm:s5], s20  }
0x9e: {  	_ =	swait.ge [sflag:s22], s20  }
0x9f: {  	s4 =	ssub.s32 $0x0, s20;
	[sflag:s22] =	ssyncset.done $0x0  }
0xa0: {  	[sflag:s22] =	ssyncadd.s32 s4;
	_ =	sdelay $0x1  }
0xa1: {  	s23 =	simm.s32 $0x1B8B  }
0xa2: {  	_ =	swait.ge [sflag:s23], $0x1  }
0xa3: {  	[sflag:s23] =	ssyncset.done $0x0  }
0xa4: {  	s25 =	simm.s32 $0x1B8E;
	s24 =	sld [smem:$0x3FFE];
	[sflag:s23] =	ssyncadd.s32 $0xFFFFFFFF  }
0xa5: {  	s26 =	simm.s32 $execute0_lowered;
	[smem:$0x3FD2] =	sst s25  }
0xa6: {  	s5 =	sshll.u32 s26, $0x1;
	_ =	strace $0x80000046;
	[dreg:$0x1] =	wrdreg $0xFFFFFFFF  }
0xa7: {  	s28 =	simm.s32 $_size_execute0_lowered;
	s3 =	sadd.s32 s3, s5;
	[dreg:$0x0] =	wrdreg $0x0  }
0xa8: {  	s5 =	sshll.u32 s28, $0x1;
	[dreg:$0x2] =	wrdreg s3  }
0xa9: {  	[dreg:$0x3] =	wrdreg s5  }
0xaa: {  	[dreg:$0x4] =	wrdreg $0xC0  }
0xab: {  	_ =	task [dreg:s7], $0x5FFFF  }
0xac: {  	[dreg:$0x1] =	wrdreg $0xFFFFFFFF  }
0xad: {  	[dreg:$0x0] =	wrdreg $0x60  }
0xae: {  	[dreg:$0x2] =	wrdreg s2  }
0xaf: {  	[dreg:$0x3] =	wrdreg s24  }
0xb0: {  	[dreg:$0x4] =	wrdreg $0x1D000  }
0xb1: {  	[dreg:$0x5] =	wrdreg $0x9  }
0xb2: {  	_ =	task.clear_ibuf [dreg:s7], $0x6FFFF;
	_ =	strace $0x90000046  }
0xb3: {  	s29 =	simm.s32 $0x9;
	_ =	strace $0x80000048  }
0xb4: {  	_ =	swait.ge [sflag:s29], $0x1  }
0xb5: {  	[sflag:s29] =	ssyncadd.s32 $0xFFFFFFFF  }
0xb6: {  	_ =	strace $0x90000048  }
0xb7: {  	_ =	sfence  }
0xb8: {  	s30 =	sld [smem:$0x0];
	_ =	sdelay $0x2  }
0xb9: {  	s31 =	sshll.u32 s1, $0xD;
	s1 =	sshrl.u32 s1, $0x2  }
0xba: {  	s3 =	sand.u32 $0x4000, s31;
	s1 =	sadd.s32 s1, s30  }
0xbb: {  	s0 =	sor.u32 s3, s0;
	s1 =	sshll.u32 s1, $0x11  }
0xbc: {  	s0 =	sor.u32 s1, s0  }
0xbd: {  	s0 =	sadd.s32 $0x8F2B, s0  }
0xbe: {  	[sflag:s0] =	ssyncadd.remote.s32 $0x1  }
0xbf: {  	_ =	sfence.sel $0xFFFF  }
0xc0: {  	[dreg:$0x0] =	wrdreg $0xFFFFFFFF;
	(pc) =	sbr.abs _section_cstart, $3  }
0xc1: {  	[dreg:$0x1] =	wrdreg $0xFFFFFFFF  }
0xc2: {  	_ =	task.clear_ibuf [dreg:s7], $0x2FFFF;
	_ =	strace $0x9FFFFFFF  }
0xc3: {  	(tm) =	ssettm $0x7FFFFFFF  }
tec
execute0_lowered:
.L_overlay_start_1:
0x0: {  	(tag) =	ssettag $0x1  }
0x1: {  	s0 =	rddreg [dreg:$0x0]  }
0x2: {  	s1 =	rddreg [dreg:$0x1]  }
0x3: {  	s2 =	rddreg [dreg:$0x2]  }
0x4: {  	s9 =	rddreg [dreg:$0x3];
	s31 =	simm.s32 $0x0  }
0x5: {  	[smem:$0x7FF] =	sst s31;
	s7 =	sadd.s32 $0x7000, s1  }
0x6: {  	s10 =	simm.s32 $0x300;
	_ =	strace $0x80000047;
	[dreg:$0x4] =	wrdreg s7  }
0x7: {  	s11 =	simm.s32 $0x380;
	[dreg:$0xc] =	wrdreg s10  }
0x8: {  	s3 =	srdreg.scid;
	s12 =	simm.s32 $0x400;
	[dreg:$0xd] =	wrdreg s11  }
0x9: {  	s8 =	stileid.u32;
	s13 =	simm.s32 $0x480;
	[dreg:$0xe] =	wrdreg s12  }
0xa: {  	s15 =	simm.s32 $0x500;
	s16 =	simm.s32 $0x580;
	[dreg:$0xf] =	wrdreg s13  }
0xb: {  	s17 =	simm.s32 $0x600;
	s18 =	simm.s32 $0x680;
	[dreg:$0x10] =	wrdreg s15  }
0xc: {  	s20 =	simm.s32 $0x700;
	s21 =	simm.s32 $0x780;
	[dreg:$0x11] =	wrdreg s16  }
0xd: {  	s22 =	simm.s32 $0x800;
	s23 =	simm.s32 $0x880;
	[dreg:$0x12] =	wrdreg s17  }
0xe: {  	s24 =	simm.s32 $0x900;
	s30 =	simm.s32 $0xB00;
	[dreg:$0x13] =	wrdreg s18  }
0xf: {  	s29 =	simm.s32 $0xB80;
	s28 =	simm.s32 $0xC00;
	[dreg:$0x14] =	wrdreg s20  }
0x10: {  	p0 =	por $0x0, $0x0;
	s3 =	sand.u32 $0x1, s3;
	[dreg:$0x15] =	wrdreg s21  }
0x11: {  	s4 =	smul.u32 $0x2800, s8;
	s19 =	sshll.u32 s8, $0x6;
	[dreg:$0x16] =	wrdreg s22  }
0x12: {  	s5 =	sshll.u32 s3, $0x4;
	s6 =	smul.u32 $0x28000, s3;
	[dreg:$0x17] =	wrdreg s23  }
0x13: {  	s14 =	ssub.s32 $0x2, s3;
	[dreg:$0x18] =	wrdreg s24;
	s15 =	simm.s32 $0xA80  }
0x14: {  	s24 =	simm.s32 $0xD80;
	s23 =	simm.s32 $0xE00;
	s22 =	simm.s32 $0xE80  }
0x15: {  	s21 =	simm.s32 $0xF00;
	s20 =	simm.s32 $0xF80;
	s18 =	simm.s32 $0x1080  }
0x16: {  	s17 =	simm.s32 $0x1100;
	s16 =	simm.s32 $0x1200;
	s13 =	simm.s32 $0x1300  }
0x17: {  	s12 =	simm.s32 $0x1380;
	s11 =	simm.s32 $0x1400;
	s10 =	simm.s32 $0x1480  }
0x18: {  	s5 =	sor.u32 s8, s5;
	s25 =	sshrl.u32 s4, $0x3;
	s3 =	sshrl.u32 s14, $0x1  }
0x19: {  	s8 =	simm.s32 $0x80;
	s5 =	smul.u32 $0x1500, s5;
	s7 =	sadd.s32 s25, s1  }
0x1a: {  	s6 =	sadd.s32 s4, s6;
	s4 =	sadd.s32 s4, s2;
	s25 =	simm.s32 $0x980  }
0x1b: {  	s6 =	sshrl.u32 s6, $0x3;
	s7 =	sadd.s32 $0x2000, s7;
	s4 =	sshrl.u32 s4, $0x3  }
0x1c: {  	[dreg:$0x19] =	wrdreg s25;
	s25 =	simm.s32 $0xD00;
	s5 =	sshrl.u32 s5, $0x3  }
0x1d: {  	s1 =	sadd.s32 s6, s1;
	[dreg:$0x5] =	wrdreg s7;
	s6 =	simm.s32 $0x200  }
0x1e: {  	s7 =	simm.s32 $0x280;
	s26 =	sadd.s32 $0x7200, s1;
	s1 =	simm.s32 $0x100  }
0x1f: {  	s0 =	sadd.s32 s0, s5;
	[dreg:$0x8] =	wrdreg s1;
	s1 =	ssub.s32 s14, s3  }
0x20: {  	s5 =	simm.s32 $0x180;
	[dreg:$0xa] =	wrdreg s6;
	s1 =	smax.u32 s1, $0x1  }
0x21: {  	[dreg:$0xb] =	wrdreg s7;
	s7 =	simm.s32 $0x1500;
	p1 =	sne.s32 s1, $0x1  }
.Ltmp0:
0x22: {  	s6 =	simm.s32 $0x1;
	[dreg:$0x7] =	wrdreg s26;
	(pc) =	sbr.rel @!p1 .LBB2_1-.Ltmp0, $4  }
0x23: {  	s0 =	sadd.s32 $0x5400, s0;
	[dreg:$0x9] =	wrdreg s5;
	s3 =	sor.u32 $0x1C02, s19  }
0x24: {  	s5 =	simm.s32 $0x2;
	s26 =	simm.s32 $0xA00;
	[dreg:$0x6] =	wrdreg s0  }
0x25: {  	s19 =	simm.s32 $0x1000;
	s14 =	simm.s32 $0x1280;
	[dreg:$0x1a] =	wrdreg s26  }
0x26: {  	s26 =	simm.s32 $0xC80;
	s0 =	sadd.s32 $0xFFFFFFFF, s1;
	s1 =	rddreg [dreg:$0x5]  }
0x27: {  	[spmem:s4], [sflag:s3] =	dma.local [hbm:s1], $0x500  }
0x28: {  	_ =	swait.ge [sflag:s5], $0x500  }
0x29: {  	[sflag:s5] =	ssyncset.done $0x0  }
0x2a: {  	s9 =	rddreg [dreg:$0x6];
	[sflag:s5] =	ssyncadd.s32 $0xFFFFFB00  }
0x2b: {  	[tilespmem:s31], [sflag:$0x2] =	stream.linear.gather [hbm4b:s9+s31], $0x1500, $0x38;
	[tilespmem:$0x4500] =	vst v63  }
0x2c: {  	_ =	swait.ge [sflag:s5], $0x1500  }
0x2d: {  	[sflag:s5] =	ssyncset.done $0x0  }
0x2e: {  	s9 =	rddreg [dreg:$0x4];
	[sflag:s5] =	ssyncadd.s32 $0xFFFFEB00  }
0x2f: {  	[tilespmem:s7], [sflag:$0x2] =	stream.linear.gather [hbm4b:s9+s31], $0x800, $0x38;
	[tilespmem:$0x4500] =	vst v63  }
0x30: {  	_ =	swait.ge [sflag:s5], $0x800  }
0x31: {  	[sflag:s5] =	ssyncset.done $0x0  }
0x32: {  	[sflag:s5] =	ssyncadd.s32 $0xFFFFF800  }
0x33: {  	[bflag:$0x0] =	sbarrier.arrive $0xFFFF  }
0x34: {  	[spmem:s2] =	stream.indirect.scatter.add.f32 [tilespmem:s7], [sflag:$0x1], $0x10, s31, s8, $0xb8;
	[tilespmem:$0x4500] =	vst v63  }
0x35: {  	_ = 	snop  }
0x36: {  	[spmem:s2] =	stream.indirect.scatter.add.f32 [tilespmem:s7], [sflag:$0x1], $0x10, s8, s8, $0xb8;
	[tilespmem:$0x4500] =	vst v63  }
0x37: {  	s1 =	rddreg [dreg:$0x8]  }
0x38: {  	[spmem:s2] =	stream.indirect.scatter.add.f32 [tilespmem:s7], [sflag:$0x1], $0x10, s1, s8, $0xb8;
	[tilespmem:$0x4500] =	vst v63  }
0x39: {  	s9 =	smov.u32 s0;
	s0 =	rddreg [dreg:$0x9]  }
0x3a: {  	[spmem:s2] =	stream.indirect.scatter.add.f32 [tilespmem:s7], [sflag:$0x1], $0x10, s0, s8, $0xb8;
	[tilespmem:$0x4500] =	vst v63  }
0x3b: {  	s1 =	rddreg [dreg:$0xa]  }
0x3c: {  	[spmem:s2] =	stream.indirect.scatter.add.f32 [tilespmem:s7], [sflag:$0x1], $0x10, s1, s8, $0xb8;
	[tilespmem:$0x4500] =	vst v63  }
0x3d: {  	s0 =	rddreg [dreg:$0xb]  }
0x3e: {  	[spmem:s2] =	stream.indirect.scatter.add.f32 [tilespmem:s7], [sflag:$0x1], $0x10, s0, s8, $0xb8;
	[tilespmem:$0x4500] =	vst v63  }
0x3f: {  	_ =	swait.ge [sflag:s6], $0x800  }
0x40: {  	[sflag:s6] =	ssyncset.done $0x0  }
0x41: {  	s1 =	rddreg [dreg:$0xc];
	[sflag:s6] =	ssyncadd.s32 $0xFFFFF800  }
0x42: {  	[spmem:s2] =	stream.indirect.scatter.add.f32 [tilespmem:s7], [sflag:$0x1], $0x10, s1, s8, $0xb8;
	[tilespmem:$0x4500] =	vst v63  }
0x43: {  	_ =	swait.ge [sflag:s6], $0x800  }
0x44: {  	[sflag:s6] =	ssyncset.done $0x0  }
0x45: {  	s1 =	rddreg [dreg:$0xd];
	[sflag:s6] =	ssyncadd.s32 $0xFFFFF800  }
0x46: {  	[spmem:s2] =	stream.indirect.scatter.add.f32 [tilespmem:s7], [sflag:$0x1], $0x10, s1, s8, $0xb8;
	[tilespmem:$0x4500] =	vst v63  }
0x47: {  	_ =	swait.ge [sflag:s6], $0x800  }
0x48: {  	[sflag:s6] =	ssyncset.done $0x0  }
0x49: {  	s1 =	rddreg [dreg:$0xe];
	[sflag:s6] =	ssyncadd.s32 $0xFFFFF800  }
0x4a: {  	[spmem:s2] =	stream.indirect.scatter.add.f32 [tilespmem:s7], [sflag:$0x1], $0x10, s1, s8, $0xb8;
	[tilespmem:$0x4500] =	vst v63  }
0x4b: {  	_ =	swait.ge [sflag:s6], $0x800  }
0x4c: {  	[sflag:s6] =	ssyncset.done $0x0  }
0x4d: {  	s1 =	rddreg [dreg:$0xf];
	[sflag:s6] =	ssyncadd.s32 $0xFFFFF800  }
0x4e: {  	[spmem:s2] =	stream.indirect.scatter.add.f32 [tilespmem:s7], [sflag:$0x1], $0x10, s1, s8, $0xb8;
	[tilespmem:$0x4500] =	vst v63  }
0x4f: {  	_ =	swait.ge [sflag:s6], $0x800  }
0x50: {  	[sflag:s6] =	ssyncset.done $0x0  }
0x51: {  	s1 =	rddreg [dreg:$0x10];
	[sflag:s6] =	ssyncadd.s32 $0xFFFFF800  }
0x52: {  	[spmem:s2] =	stream.indirect.scatter.add.f32 [tilespmem:s7], [sflag:$0x1], $0x10, s1, s8, $0xb8;
	[tilespmem:$0x4500] =	vst v63  }
0x53: {  	_ =	swait.ge [sflag:s6], $0x800  }
0x54: {  	[sflag:s6] =	ssyncset.done $0x0  }
0x55: {  	s1 =	rddreg [dreg:$0x11];
	[sflag:s6] =	ssyncadd.s32 $0xFFFFF800  }
0x56: {  	[spmem:s2] =	stream.indirect.scatter.add.f32 [tilespmem:s7], [sflag:$0x1], $0x10, s1, s8, $0xb8;
	[tilespmem:$0x4500] =	vst v63  }
0x57: {  	_ =	swait.ge [sflag:s6], $0x800  }
0x58: {  	[sflag:s6] =	ssyncset.done $0x0  }
0x59: {  	s1 =	rddreg [dreg:$0x12];
	[sflag:s6] =	ssyncadd.s32 $0xFFFFF800  }
0x5a: {  	[spmem:s2] =	stream.indirect.scatter.add.f32 [tilespmem:s7], [sflag:$0x1], $0x10, s1, s8, $0xb8;
	[tilespmem:$0x4500] =	vst v63  }
0x5b: {  	_ =	swait.ge [sflag:s6], $0x800  }
0x5c: {  	[sflag:s6] =	ssyncset.done $0x0  }
0x5d: {  	s1 =	rddreg [dreg:$0x13];
	[sflag:s6] =	ssyncadd.s32 $0xFFFFF800  }
0x5e: {  	[spmem:s2] =	stream.indirect.scatter.add.f32 [tilespmem:s7], [sflag:$0x1], $0x10, s1, s8, $0xb8;
	[tilespmem:$0x4500] =	vst v63  }
0x5f: {  	_ =	swait.ge [sflag:s6], $0x800  }
0x60: {  	[sflag:s6] =	ssyncset.done $0x0  }
0x61: {  	s1 =	rddreg [dreg:$0x14];
	[sflag:s6] =	ssyncadd.s32 $0xFFFFF800  }
0x62: {  	[spmem:s2] =	stream.indirect.scatter.add.f32 [tilespmem:s7], [sflag:$0x1], $0x10, s1, s8, $0xb8;
	[tilespmem:$0x4500] =	vst v63  }
0x63: {  	_ =	swait.ge [sflag:s6], $0x800  }
0x64: {  	[sflag:s6] =	ssyncset.done $0x0  }
0x65: {  	s1 =	rddreg [dreg:$0x15];
	[sflag:s6] =	ssyncadd.s32 $0xFFFFF800  }
0x66: {  	[spmem:s2] =	stream.indirect.scatter.add.f32 [tilespmem:s7], [sflag:$0x1], $0x10, s1, s8, $0xb8;
	[tilespmem:$0x4500] =	vst v63  }
0x67: {  	_ =	swait.ge [sflag:s6], $0x800  }
0x68: {  	[sflag:s6] =	ssyncset.done $0x0  }
0x69: {  	s1 =	rddreg [dreg:$0x16];
	[sflag:s6] =	ssyncadd.s32 $0xFFFFF800  }
0x6a: {  	[spmem:s2] =	stream.indirect.scatter.add.f32 [tilespmem:s7], [sflag:$0x1], $0x10, s1, s8, $0xb8;
	[tilespmem:$0x4500] =	vst v63  }
0x6b: {  	_ =	swait.ge [sflag:s6], $0x800  }
0x6c: {  	[sflag:s6] =	ssyncset.done $0x0  }
0x6d: {  	s1 =	rddreg [dreg:$0x17];
	[sflag:s6] =	ssyncadd.s32 $0xFFFFF800  }
0x6e: {  	[spmem:s2] =	stream.indirect.scatter.add.f32 [tilespmem:s7], [sflag:$0x1], $0x10, s1, s8, $0xb8;
	[tilespmem:$0x4500] =	vst v63  }
0x6f: {  	_ =	swait.ge [sflag:s6], $0x800  }
0x70: {  	[sflag:s6] =	ssyncset.done $0x0  }
0x71: {  	s1 =	rddreg [dreg:$0x18];
	[sflag:s6] =	ssyncadd.s32 $0xFFFFF800  }
0x72: {  	[spmem:s2] =	stream.indirect.scatter.add.f32 [tilespmem:s7], [sflag:$0x1], $0x10, s1, s8, $0xb8;
	[tilespmem:$0x4500] =	vst v63  }
0x73: {  	_ =	swait.ge [sflag:s6], $0x800  }
0x74: {  	[sflag:s6] =	ssyncset.done $0x0  }
0x75: {  	s1 =	rddreg [dreg:$0x19];
	[sflag:s6] =	ssyncadd.s32 $0xFFFFF800  }
0x76: {  	[spmem:s2] =	stream.indirect.scatter.add.f32 [tilespmem:s7], [sflag:$0x1], $0x10, s1, s8, $0xb8;
	[tilespmem:$0x4500] =	vst v63  }
0x77: {  	_ =	swait.ge [sflag:s6], $0x800  }
0x78: {  	[sflag:s6] =	ssyncset.done $0x0  }
0x79: {  	s1 =	rddreg [dreg:$0x1a];
	[sflag:s6] =	ssyncadd.s32 $0xFFFFF800  }
0x7a: {  	[spmem:s2] =	stream.indirect.scatter.add.f32 [tilespmem:s7], [sflag:$0x1], $0x10, s1, s8, $0xb8;
	[tilespmem:$0x4500] =	vst v63  }
0x7b: {  	_ =	swait.ge [sflag:s6], $0x800  }
0x7c: {  	[sflag:s6] =	ssyncset.done $0x0  }
0x7d: {  	[sflag:s6] =	ssyncadd.s32 $0xFFFFF800  }
0x7e: {  	[spmem:s2] =	stream.indirect.scatter.add.f32 [tilespmem:s7], [sflag:$0x1], $0x10, s15, s8, $0xb8;
	[tilespmem:$0x4500] =	vst v63  }
0x7f: {  	_ =	swait.ge [sflag:s6], $0x800  }
0x80: {  	[sflag:s6] =	ssyncset.done $0x0  }
0x81: {  	[sflag:s6] =	ssyncadd.s32 $0xFFFFF800  }
0x82: {  	[spmem:s2] =	stream.indirect.scatter.add.f32 [tilespmem:s7], [sflag:$0x1], $0x10, s30, s8, $0xb8;
	[tilespmem:$0x4500] =	vst v63  }
0x83: {  	_ =	swait.ge [sflag:s6], $0x800  }
0x84: {  	[sflag:s6] =	ssyncset.done $0x0  }
0x85: {  	[sflag:s6] =	ssyncadd.s32 $0xFFFFF800  }
0x86: {  	[spmem:s2] =	stream.indirect.scatter.add.f32 [tilespmem:s7], [sflag:$0x1], $0x10, s29, s8, $0xb8;
	[tilespmem:$0x4500] =	vst v63  }
0x87: {  	_ =	swait.ge [sflag:s6], $0x800  }
0x88: {  	[sflag:s6] =	ssyncset.done $0x0  }
0x89: {  	[sflag:s6] =	ssyncadd.s32 $0xFFFFF800  }
0x8a: {  	[spmem:s2] =	stream.indirect.scatter.add.f32 [tilespmem:s7], [sflag:$0x1], $0x10, s28, s8, $0xb8;
	[tilespmem:$0x4500] =	vst v63  }
0x8b: {  	_ =	swait.ge [sflag:s6], $0x800  }
0x8c: {  	[sflag:s6] =	ssyncset.done $0x0  }
0x8d: {  	[sflag:s6] =	ssyncadd.s32 $0xFFFFF800  }
0x8e: {  	[spmem:s2] =	stream.indirect.scatter.add.f32 [tilespmem:s7], [sflag:$0x1], $0x10, s26, s8, $0xb8;
	[tilespmem:$0x4500] =	vst v63  }
0x8f: {  	_ =	swait.ge [sflag:s6], $0x800  }
0x90: {  	[sflag:s6] =	ssyncset.done $0x0  }
0x91: {  	[sflag:s6] =	ssyncadd.s32 $0xFFFFF800  }
0x92: {  	[spmem:s2] =	stream.indirect.scatter.add.f32 [tilespmem:s7], [sflag:$0x1], $0x10, s25, s8, $0xb8;
	[tilespmem:$0x4500] =	vst v63  }
0x93: {  	_ =	swait.ge [sflag:s6], $0x800  }
0x94: {  	[sflag:s6] =	ssyncset.done $0x0  }
0x95: {  	[sflag:s6] =	ssyncadd.s32 $0xFFFFF800  }
0x96: {  	[spmem:s2] =	stream.indirect.scatter.add.f32 [tilespmem:s7], [sflag:$0x1], $0x10, s24, s8, $0xb8;
	[tilespmem:$0x4500] =	vst v63  }
0x97: {  	_ =	swait.ge [sflag:s6], $0x800  }
0x98: {  	[sflag:s6] =	ssyncset.done $0x0  }
0x99: {  	[sflag:s6] =	ssyncadd.s32 $0xFFFFF800  }
0x9a: {  	[spmem:s2] =	stream.indirect.scatter.add.f32 [tilespmem:s7], [sflag:$0x1], $0x10, s23, s8, $0xb8;
	[tilespmem:$0x4500] =	vst v63  }
0x9b: {  	_ =	swait.ge [sflag:s6], $0x800  }
0x9c: {  	[sflag:s6] =	ssyncset.done $0x0  }
0x9d: {  	[sflag:s6] =	ssyncadd.s32 $0xFFFFF800  }
0x9e: {  	[spmem:s2] =	stream.indirect.scatter.add.f32 [tilespmem:s7], [sflag:$0x1], $0x10, s22, s8, $0xb8;
	[tilespmem:$0x4500] =	vst v63  }
0x9f: {  	_ =	swait.ge [sflag:s6], $0x800  }
0xa0: {  	[sflag:s6] =	ssyncset.done $0x0  }
0xa1: {  	[sflag:s6] =	ssyncadd.s32 $0xFFFFF800  }
0xa2: {  	[spmem:s2] =	stream.indirect.scatter.add.f32 [tilespmem:s7], [sflag:$0x1], $0x10, s21, s8, $0xb8;
	[tilespmem:$0x4500] =	vst v63  }
0xa3: {  	_ =	swait.ge [sflag:s6], $0x800  }
0xa4: {  	[sflag:s6] =	ssyncset.done $0x0  }
0xa5: {  	[sflag:s6] =	ssyncadd.s32 $0xFFFFF800  }
0xa6: {  	[spmem:s2] =	stream.indirect.scatter.add.f32 [tilespmem:s7], [sflag:$0x1], $0x10, s20, s8, $0xb8;
	[tilespmem:$0x4500] =	vst v63  }
0xa7: {  	_ =	swait.ge [sflag:s6], $0x800  }
0xa8: {  	[sflag:s6] =	ssyncset.done $0x0  }
0xa9: {  	[sflag:s6] =	ssyncadd.s32 $0xFFFFF800  }
0xaa: {  	[spmem:s2] =	stream.indirect.scatter.add.f32 [tilespmem:s7], [sflag:$0x1], $0x10, s19, s8, $0xb8;
	[tilespmem:$0x4500] =	vst v63  }
0xab: {  	_ =	swait.ge [sflag:s6], $0x800  }
0xac: {  	[sflag:s6] =	ssyncset.done $0x0  }
0xad: {  	[sflag:s6] =	ssyncadd.s32 $0xFFFFF800  }
0xae: {  	[spmem:s2] =	stream.indirect.scatter.add.f32 [tilespmem:s7], [sflag:$0x1], $0x10, s18, s8, $0xb8;
	[tilespmem:$0x4500] =	vst v63  }
0xaf: {  	_ =	swait.ge [sflag:s6], $0x800  }
0xb0: {  	[sflag:s6] =	ssyncset.done $0x0  }
0xb1: {  	[sflag:s6] =	ssyncadd.s32 $0xFFFFF800  }
0xb2: {  	[spmem:s2] =	stream.indirect.scatter.add.f32 [tilespmem:s7], [sflag:$0x1], $0x10, s17, s8, $0xb8;
	[tilespmem:$0x4500] =	vst v63  }
0xb3: {  	_ =	swait.ge [sflag:s6], $0x800  }
0xb4: {  	[sflag:s6] =	ssyncset.done $0x0  }
0xb5: {  	s1 =	simm.s32 $0x1180;
	[sflag:s6] =	ssyncadd.s32 $0xFFFFF800  }
0xb6: {  	[spmem:s2] =	stream.indirect.scatter.add.f32 [tilespmem:s7], [sflag:$0x1], $0x10, s1, s8, $0xb8;
	[tilespmem:$0x4500] =	vst v63  }
0xb7: {  	_ =	swait.ge [sflag:s6], $0x800  }
0xb8: {  	[sflag:s6] =	ssyncset.done $0x0  }
0xb9: {  	[sflag:s6] =	ssyncadd.s32 $0xFFFFF800  }
0xba: {  	[spmem:s2] =	stream.indirect.scatter.add.f32 [tilespmem:s7], [sflag:$0x1], $0x10, s16, s8, $0xb8;
	[tilespmem:$0x4500] =	vst v63  }
0xbb: {  	_ =	swait.ge [sflag:s6], $0x800  }
0xbc: {  	[sflag:s6] =	ssyncset.done $0x0  }
0xbd: {  	[sflag:s6] =	ssyncadd.s32 $0xFFFFF800  }
0xbe: {  	[spmem:s2] =	stream.indirect.scatter.add.f32 [tilespmem:s7], [sflag:$0x1], $0x10, s14, s8, $0xb8;
	[tilespmem:$0x4500] =	vst v63  }
0xbf: {  	_ =	swait.ge [sflag:s6], $0x800  }
0xc0: {  	[sflag:s6] =	ssyncset.done $0x0  }
0xc1: {  	[sflag:s6] =	ssyncadd.s32 $0xFFFFF800  }
0xc2: {  	[spmem:s2] =	stream.indirect.scatter.add.f32 [tilespmem:s7], [sflag:$0x1], $0x10, s13, s8, $0xb8;
	[tilespmem:$0x4500] =	vst v63  }
0xc3: {  	_ =	swait.ge [sflag:s6], $0x800  }
0xc4: {  	[sflag:s6] =	ssyncset.done $0x0  }
0xc5: {  	[sflag:s6] =	ssyncadd.s32 $0xFFFFF800  }
0xc6: {  	[spmem:s2] =	stream.indirect.scatter.add.f32 [tilespmem:s7], [sflag:$0x1], $0x10, s12, s8, $0xb8;
	[tilespmem:$0x4500] =	vst v63  }
0xc7: {  	_ =	swait.ge [sflag:s6], $0x800  }
0xc8: {  	[sflag:s6] =	ssyncset.done $0x0  }
0xc9: {  	[sflag:s6] =	ssyncadd.s32 $0xFFFFF800  }
0xca: {  	[spmem:s2] =	stream.indirect.scatter.add.f32 [tilespmem:s7], [sflag:$0x1], $0x10, s11, s8, $0xb8;
	[tilespmem:$0x4500] =	vst v63  }
0xcb: {  	_ =	swait.ge [sflag:s6], $0x800  }
0xcc: {  	[sflag:s6] =	ssyncset.done $0x0  }
0xcd: {  	[sflag:s6] =	ssyncadd.s32 $0xFFFFF800  }
0xce: {  	[spmem:s2] =	stream.indirect.scatter.add.f32 [tilespmem:s7], [sflag:$0x1], $0x10, s10, s8, $0xb8;
	[tilespmem:$0x4500] =	vst v63  }
0xcf: {  	_ =	swait.ge [sflag:s6], $0x800  }
0xd0: {  	[sflag:s6] =	ssyncset.done $0x0  }
0xd1: {  	[sflag:s6] =	ssyncadd.s32 $0xFFFFF800  }
0xd2: {  	_ =	swait.ge [sflag:s6], $0x800  }
0xd3: {  	[sflag:s6] =	ssyncset.done $0x0  }
0xd4: {  	[sflag:s6] =	ssyncadd.s32 $0xFFFFF800  }
0xd5: {  	_ =	swait.ge [sflag:s6], $0x800  }
0xd6: {  	[sflag:s6] =	ssyncset.done $0x0  }
0xd7: {  	[sflag:s6] =	ssyncadd.s32 $0xFFFFF800  }
0xd8: {  	_ =	swait.ge [sflag:s6], $0x800  }
0xd9: {  	[sflag:s6] =	ssyncset.done $0x0  }
0xda: {  	[sflag:s6] =	ssyncadd.s32 $0xFFFFF800  }
0xdb: {  	_ =	swait.ge [sflag:s6], $0x800  }
0xdc: {  	[sflag:s6] =	ssyncset.done $0x0  }
0xdd: {  	[sflag:s6] =	ssyncadd.s32 $0xFFFFF800  }
0xde: {  	_ =	swait.ge [sflag:s6], $0x800  }
0xdf: {  	[sflag:s6] =	ssyncset.done $0x0  }
0xe0: {  	p1 =	sne.s32 s9, $0x1;
	[sflag:s6] =	ssyncadd.s32 $0xFFFFF800  }
.Ltmp1:
0xe1: {  	[bflag:$0x0] =	sbarrier.arrive $0xFFFF;
	(pc) =	sbr.rel @!p1 .LBB2_3-.Ltmp1, $4  }
0xe2: {  	s1 =	rddreg [dreg:$0x7]  }
0xe3: {  	[hbm:s1], [sflag:s3] =	dma.local [spmem:s4], $0x500  }
0xe4: {  	p0 =	por $0x1, $0x1;
	_ =	swait.ge [sflag:s5], $0x500  }
0xe5: {  	s0 =	sadd.s32 $0xFFFFFFFF, s9;
	s1 =	rddreg [dreg:$0x5];
	[sflag:s5] =	ssyncset.done $0x0  }
.LBB2_4:
0xe6: {  	[sflag:s5] =	ssyncadd.s32 $0xFFFFFB00  }
0xe7: {  	[spmem:s4], [sflag:s3] =	dma.local [hbm:s1], $0x500  }
0xe8: {  	_ =	swait.ge [sflag:s5], $0x500  }
0xe9: {  	[sflag:s5] =	ssyncset.done $0x0  }
0xea: {  	s9 =	rddreg [dreg:$0x6];
	[sflag:s5] =	ssyncadd.s32 $0xFFFFFB00  }
0xeb: {  	[tilespmem:s31], [sflag:$0x2] =	stream.linear.gather [hbm4b:s9+s31], $0x1500, $0x38;
	[tilespmem:$0x4500] =	vst v63  }
0xec: {  	_ =	swait.ge [sflag:s5], $0x1500  }
0xed: {  	[sflag:s5] =	ssyncset.done $0x0  }
0xee: {  	s9 =	rddreg [dreg:$0x4];
	[sflag:s5] =	ssyncadd.s32 $0xFFFFEB00  }
0xef: {  	[tilespmem:s7], [sflag:$0x2] =	stream.linear.gather [hbm4b:s9+s31], $0x800, $0x38;
	[tilespmem:$0x4500] =	vst v63  }
0xf0: {  	_ =	swait.ge [sflag:s5], $0x800  }
0xf1: {  	[sflag:s5] =	ssyncset.done $0x0  }
0xf2: {  	[sflag:s5] =	ssyncadd.s32 $0xFFFFF800  }
0xf3: {  	[bflag:$0x0] =	sbarrier.arrive $0xFFFF  }
0xf4: {  	[spmem:s2] =	stream.indirect.scatter.add.f32 [tilespmem:s7], [sflag:$0x1], $0x10, s31, s8, $0xb8;
	[tilespmem:$0x4500] =	vst v63  }
0xf5: {  	_ = 	snop  }
0xf6: {  	[spmem:s2] =	stream.indirect.scatter.add.f32 [tilespmem:s7], [sflag:$0x1], $0x10, s8, s8, $0xb8;
	[tilespmem:$0x4500] =	vst v63  }
0xf7: {  	s1 =	rddreg [dreg:$0x8]  }
0xf8: {  	[spmem:s2] =	stream.indirect.scatter.add.f32 [tilespmem:s7], [sflag:$0x1], $0x10, s1, s8, $0xb8;
	[tilespmem:$0x4500] =	vst v63  }
0xf9: {  	s9 =	rddreg [dreg:$0x9]  }
0xfa: {  	[spmem:s2] =	stream.indirect.scatter.add.f32 [tilespmem:s7], [sflag:$0x1], $0x10, s9, s8, $0xb8;
	[tilespmem:$0x4500] =	vst v63  }
0xfb: {  	s1 =	rddreg [dreg:$0xa]  }
0xfc: {  	[spmem:s2] =	stream.indirect.scatter.add.f32 [tilespmem:s7], [sflag:$0x1], $0x10, s1, s8, $0xb8;
	[tilespmem:$0x4500] =	vst v63  }
0xfd: {  	s9 =	rddreg [dreg:$0xb]  }
0xfe: {  	[spmem:s2] =	stream.indirect.scatter.add.f32 [tilespmem:s7], [sflag:$0x1], $0x10, s9, s8, $0xb8;
	[tilespmem:$0x4500] =	vst v63  }
0xff: {  	_ =	swait.ge [sflag:s6], $0x800  }
0x100: {  	[sflag:s6] =	ssyncset.done $0x0  }
0x101: {  	s9 =	rddreg [dreg:$0xc];
	[sflag:s6] =	ssyncadd.s32 $0xFFFFF800  }
0x102: {  	[spmem:s2] =	stream.indirect.scatter.add.f32 [tilespmem:s7], [sflag:$0x1], $0x10, s9, s8, $0xb8;
	[tilespmem:$0x4500] =	vst v63  }
0x103: {  	_ =	swait.ge [sflag:s6], $0x800  }
0x104: {  	[sflag:s6] =	ssyncset.done $0x0  }
0x105: {  	s9 =	rddreg [dreg:$0xd];
	[sflag:s6] =	ssyncadd.s32 $0xFFFFF800  }
0x106: {  	[spmem:s2] =	stream.indirect.scatter.add.f32 [tilespmem:s7], [sflag:$0x1], $0x10, s9, s8, $0xb8;
	[tilespmem:$0x4500] =	vst v63  }
0x107: {  	_ =	swait.ge [sflag:s6], $0x800  }
0x108: {  	[sflag:s6] =	ssyncset.done $0x0  }
0x109: {  	s9 =	rddreg [dreg:$0xe];
	[sflag:s6] =	ssyncadd.s32 $0xFFFFF800  }
0x10a: {  	[spmem:s2] =	stream.indirect.scatter.add.f32 [tilespmem:s7], [sflag:$0x1], $0x10, s9, s8, $0xb8;
	[tilespmem:$0x4500] =	vst v63  }
0x10b: {  	_ =	swait.ge [sflag:s6], $0x800  }
0x10c: {  	[sflag:s6] =	ssyncset.done $0x0  }
0x10d: {  	s9 =	rddreg [dreg:$0xf];
	[sflag:s6] =	ssyncadd.s32 $0xFFFFF800  }
0x10e: {  	[spmem:s2] =	stream.indirect.scatter.add.f32 [tilespmem:s7], [sflag:$0x1], $0x10, s9, s8, $0xb8;
	[tilespmem:$0x4500] =	vst v63  }
0x10f: {  	_ =	swait.ge [sflag:s6], $0x800  }
0x110: {  	[sflag:s6] =	ssyncset.done $0x0  }
0x111: {  	s9 =	rddreg [dreg:$0x10];
	[sflag:s6] =	ssyncadd.s32 $0xFFFFF800  }
0x112: {  	[spmem:s2] =	stream.indirect.scatter.add.f32 [tilespmem:s7], [sflag:$0x1], $0x10, s9, s8, $0xb8;
	[tilespmem:$0x4500] =	vst v63  }
0x113: {  	_ =	swait.ge [sflag:s6], $0x800  }
0x114: {  	[sflag:s6] =	ssyncset.done $0x0  }
0x115: {  	s9 =	rddreg [dreg:$0x11];
	[sflag:s6] =	ssyncadd.s32 $0xFFFFF800  }
0x116: {  	[spmem:s2] =	stream.indirect.scatter.add.f32 [tilespmem:s7], [sflag:$0x1], $0x10, s9, s8, $0xb8;
	[tilespmem:$0x4500] =	vst v63  }
0x117: {  	_ =	swait.ge [sflag:s6], $0x800  }
0x118: {  	[sflag:s6] =	ssyncset.done $0x0  }
0x119: {  	s9 =	rddreg [dreg:$0x12];
	[sflag:s6] =	ssyncadd.s32 $0xFFFFF800  }
0x11a: {  	[spmem:s2] =	stream.indirect.scatter.add.f32 [tilespmem:s7], [sflag:$0x1], $0x10, s9, s8, $0xb8;
	[tilespmem:$0x4500] =	vst v63  }
0x11b: {  	_ =	swait.ge [sflag:s6], $0x800  }
0x11c: {  	[sflag:s6] =	ssyncset.done $0x0  }
0x11d: {  	s9 =	rddreg [dreg:$0x13];
	[sflag:s6] =	ssyncadd.s32 $0xFFFFF800  }
0x11e: {  	[spmem:s2] =	stream.indirect.scatter.add.f32 [tilespmem:s7], [sflag:$0x1], $0x10, s9, s8, $0xb8;
	[tilespmem:$0x4500] =	vst v63  }
0x11f: {  	_ =	swait.ge [sflag:s6], $0x800  }
0x120: {  	[sflag:s6] =	ssyncset.done $0x0  }
0x121: {  	s9 =	rddreg [dreg:$0x14];
	[sflag:s6] =	ssyncadd.s32 $0xFFFFF800  }
0x122: {  	[spmem:s2] =	stream.indirect.scatter.add.f32 [tilespmem:s7], [sflag:$0x1], $0x10, s9, s8, $0xb8;
	[tilespmem:$0x4500] =	vst v63  }
0x123: {  	_ =	swait.ge [sflag:s6], $0x800  }
0x124: {  	[sflag:s6] =	ssyncset.done $0x0  }
0x125: {  	s9 =	rddreg [dreg:$0x15];
	[sflag:s6] =	ssyncadd.s32 $0xFFFFF800  }
0x126: {  	[spmem:s2] =	stream.indirect.scatter.add.f32 [tilespmem:s7], [sflag:$0x1], $0x10, s9, s8, $0xb8;
	[tilespmem:$0x4500] =	vst v63  }
0x127: {  	_ =	swait.ge [sflag:s6], $0x800  }
0x128: {  	[sflag:s6] =	ssyncset.done $0x0  }
0x129: {  	s9 =	rddreg [dreg:$0x16];
	[sflag:s6] =	ssyncadd.s32 $0xFFFFF800  }
0x12a: {  	[spmem:s2] =	stream.indirect.scatter.add.f32 [tilespmem:s7], [sflag:$0x1], $0x10, s9, s8, $0xb8;
	[tilespmem:$0x4500] =	vst v63  }
0x12b: {  	_ =	swait.ge [sflag:s6], $0x800  }
0x12c: {  	[sflag:s6] =	ssyncset.done $0x0  }
0x12d: {  	s9 =	rddreg [dreg:$0x17];
	[sflag:s6] =	ssyncadd.s32 $0xFFFFF800  }
0x12e: {  	[spmem:s2] =	stream.indirect.scatter.add.f32 [tilespmem:s7], [sflag:$0x1], $0x10, s9, s8, $0xb8;
	[tilespmem:$0x4500] =	vst v63  }
0x12f: {  	_ =	swait.ge [sflag:s6], $0x800  }
0x130: {  	[sflag:s6] =	ssyncset.done $0x0  }
0x131: {  	s9 =	rddreg [dreg:$0x18];
	[sflag:s6] =	ssyncadd.s32 $0xFFFFF800  }
0x132: {  	[spmem:s2] =	stream.indirect.scatter.add.f32 [tilespmem:s7], [sflag:$0x1], $0x10, s9, s8, $0xb8;
	[tilespmem:$0x4500] =	vst v63  }
0x133: {  	_ =	swait.ge [sflag:s6], $0x800  }
0x134: {  	[sflag:s6] =	ssyncset.done $0x0  }
0x135: {  	s9 =	rddreg [dreg:$0x19];
	[sflag:s6] =	ssyncadd.s32 $0xFFFFF800  }
0x136: {  	[spmem:s2] =	stream.indirect.scatter.add.f32 [tilespmem:s7], [sflag:$0x1], $0x10, s9, s8, $0xb8;
	[tilespmem:$0x4500] =	vst v63  }
0x137: {  	_ =	swait.ge [sflag:s6], $0x800  }
0x138: {  	[sflag:s6] =	ssyncset.done $0x0  }
0x139: {  	s9 =	rddreg [dreg:$0x1a];
	[sflag:s6] =	ssyncadd.s32 $0xFFFFF800  }
0x13a: {  	[spmem:s2] =	stream.indirect.scatter.add.f32 [tilespmem:s7], [sflag:$0x1], $0x10, s9, s8, $0xb8;
	[tilespmem:$0x4500] =	vst v63  }
0x13b: {  	_ =	swait.ge [sflag:s6], $0x800  }
0x13c: {  	[sflag:s6] =	ssyncset.done $0x0  }
0x13d: {  	[sflag:s6] =	ssyncadd.s32 $0xFFFFF800  }
0x13e: {  	[spmem:s2] =	stream.indirect.scatter.add.f32 [tilespmem:s7], [sflag:$0x1], $0x10, s15, s8, $0xb8;
	[tilespmem:$0x4500] =	vst v63  }
0x13f: {  	_ =	swait.ge [sflag:s6], $0x800  }
0x140: {  	[sflag:s6] =	ssyncset.done $0x0  }
0x141: {  	[sflag:s6] =	ssyncadd.s32 $0xFFFFF800  }
0x142: {  	[spmem:s2] =	stream.indirect.scatter.add.f32 [tilespmem:s7], [sflag:$0x1], $0x10, s30, s8, $0xb8;
	[tilespmem:$0x4500] =	vst v63  }
0x143: {  	_ =	swait.ge [sflag:s6], $0x800  }
0x144: {  	[sflag:s6] =	ssyncset.done $0x0  }
0x145: {  	[sflag:s6] =	ssyncadd.s32 $0xFFFFF800  }
0x146: {  	[spmem:s2] =	stream.indirect.scatter.add.f32 [tilespmem:s7], [sflag:$0x1], $0x10, s29, s8, $0xb8;
	[tilespmem:$0x4500] =	vst v63  }
0x147: {  	_ =	swait.ge [sflag:s6], $0x800  }
0x148: {  	[sflag:s6] =	ssyncset.done $0x0  }
0x149: {  	[sflag:s6] =	ssyncadd.s32 $0xFFFFF800  }
0x14a: {  	[spmem:s2] =	stream.indirect.scatter.add.f32 [tilespmem:s7], [sflag:$0x1], $0x10, s28, s8, $0xb8;
	[tilespmem:$0x4500] =	vst v63  }
0x14b: {  	_ =	swait.ge [sflag:s6], $0x800  }
0x14c: {  	[sflag:s6] =	ssyncset.done $0x0  }
0x14d: {  	[sflag:s6] =	ssyncadd.s32 $0xFFFFF800  }
0x14e: {  	[spmem:s2] =	stream.indirect.scatter.add.f32 [tilespmem:s7], [sflag:$0x1], $0x10, s26, s8, $0xb8;
	[tilespmem:$0x4500] =	vst v63  }
0x14f: {  	_ =	swait.ge [sflag:s6], $0x800  }
0x150: {  	[sflag:s6] =	ssyncset.done $0x0  }
0x151: {  	[sflag:s6] =	ssyncadd.s32 $0xFFFFF800  }
0x152: {  	[spmem:s2] =	stream.indirect.scatter.add.f32 [tilespmem:s7], [sflag:$0x1], $0x10, s25, s8, $0xb8;
	[tilespmem:$0x4500] =	vst v63  }
0x153: {  	_ =	swait.ge [sflag:s6], $0x800  }
0x154: {  	[sflag:s6] =	ssyncset.done $0x0  }
0x155: {  	[sflag:s6] =	ssyncadd.s32 $0xFFFFF800  }
0x156: {  	[spmem:s2] =	stream.indirect.scatter.add.f32 [tilespmem:s7], [sflag:$0x1], $0x10, s24, s8, $0xb8;
	[tilespmem:$0x4500] =	vst v63  }
0x157: {  	_ =	swait.ge [sflag:s6], $0x800  }
0x158: {  	[sflag:s6] =	ssyncset.done $0x0  }
0x159: {  	[sflag:s6] =	ssyncadd.s32 $0xFFFFF800  }
0x15a: {  	[spmem:s2] =	stream.indirect.scatter.add.f32 [tilespmem:s7], [sflag:$0x1], $0x10, s23, s8, $0xb8;
	[tilespmem:$0x4500] =	vst v63  }
0x15b: {  	_ =	swait.ge [sflag:s6], $0x800  }
0x15c: {  	[sflag:s6] =	ssyncset.done $0x0  }
0x15d: {  	[sflag:s6] =	ssyncadd.s32 $0xFFFFF800  }
0x15e: {  	[spmem:s2] =	stream.indirect.scatter.add.f32 [tilespmem:s7], [sflag:$0x1], $0x10, s22, s8, $0xb8;
	[tilespmem:$0x4500] =	vst v63  }
0x15f: {  	_ =	swait.ge [sflag:s6], $0x800  }
0x160: {  	[sflag:s6] =	ssyncset.done $0x0  }
0x161: {  	[sflag:s6] =	ssyncadd.s32 $0xFFFFF800  }
0x162: {  	[spmem:s2] =	stream.indirect.scatter.add.f32 [tilespmem:s7], [sflag:$0x1], $0x10, s21, s8, $0xb8;
	[tilespmem:$0x4500] =	vst v63  }
0x163: {  	_ =	swait.ge [sflag:s6], $0x800  }
0x164: {  	[sflag:s6] =	ssyncset.done $0x0  }
0x165: {  	[sflag:s6] =	ssyncadd.s32 $0xFFFFF800  }
0x166: {  	[spmem:s2] =	stream.indirect.scatter.add.f32 [tilespmem:s7], [sflag:$0x1], $0x10, s20, s8, $0xb8;
	[tilespmem:$0x4500] =	vst v63  }
0x167: {  	_ =	swait.ge [sflag:s6], $0x800  }
0x168: {  	[sflag:s6] =	ssyncset.done $0x0  }
0x169: {  	[sflag:s6] =	ssyncadd.s32 $0xFFFFF800  }
0x16a: {  	[spmem:s2] =	stream.indirect.scatter.add.f32 [tilespmem:s7], [sflag:$0x1], $0x10, s19, s8, $0xb8;
	[tilespmem:$0x4500] =	vst v63  }
0x16b: {  	_ =	swait.ge [sflag:s6], $0x800  }
0x16c: {  	[sflag:s6] =	ssyncset.done $0x0  }
0x16d: {  	[sflag:s6] =	ssyncadd.s32 $0xFFFFF800  }
0x16e: {  	[spmem:s2] =	stream.indirect.scatter.add.f32 [tilespmem:s7], [sflag:$0x1], $0x10, s18, s8, $0xb8;
	[tilespmem:$0x4500] =	vst v63  }
0x16f: {  	_ =	swait.ge [sflag:s6], $0x800  }
0x170: {  	[sflag:s6] =	ssyncset.done $0x0  }
0x171: {  	[sflag:s6] =	ssyncadd.s32 $0xFFFFF800  }
0x172: {  	[spmem:s2] =	stream.indirect.scatter.add.f32 [tilespmem:s7], [sflag:$0x1], $0x10, s17, s8, $0xb8;
	[tilespmem:$0x4500] =	vst v63  }
0x173: {  	_ =	swait.ge [sflag:s6], $0x800  }
0x174: {  	[sflag:s6] =	ssyncset.done $0x0  }
0x175: {  	s9 =	simm.s32 $0x1180;
	[sflag:s6] =	ssyncadd.s32 $0xFFFFF800  }
0x176: {  	[spmem:s2] =	stream.indirect.scatter.add.f32 [tilespmem:s7], [sflag:$0x1], $0x10, s9, s8, $0xb8;
	[tilespmem:$0x4500] =	vst v63  }
0x177: {  	_ =	swait.ge [sflag:s6], $0x800  }
0x178: {  	[sflag:s6] =	ssyncset.done $0x0  }
0x179: {  	[sflag:s6] =	ssyncadd.s32 $0xFFFFF800  }
0x17a: {  	[spmem:s2] =	stream.indirect.scatter.add.f32 [tilespmem:s7], [sflag:$0x1], $0x10, s16, s8, $0xb8;
	[tilespmem:$0x4500] =	vst v63  }
0x17b: {  	_ =	swait.ge [sflag:s6], $0x800  }
0x17c: {  	[sflag:s6] =	ssyncset.done $0x0  }
0x17d: {  	[sflag:s6] =	ssyncadd.s32 $0xFFFFF800  }
0x17e: {  	[spmem:s2] =	stream.indirect.scatter.add.f32 [tilespmem:s7], [sflag:$0x1], $0x10, s14, s8, $0xb8;
	[tilespmem:$0x4500] =	vst v63  }
0x17f: {  	_ =	swait.ge [sflag:s6], $0x800  }
0x180: {  	[sflag:s6] =	ssyncset.done $0x0  }
0x181: {  	[sflag:s6] =	ssyncadd.s32 $0xFFFFF800  }
0x182: {  	[spmem:s2] =	stream.indirect.scatter.add.f32 [tilespmem:s7], [sflag:$0x1], $0x10, s13, s8, $0xb8;
	[tilespmem:$0x4500] =	vst v63  }
0x183: {  	_ =	swait.ge [sflag:s6], $0x800  }
0x184: {  	[sflag:s6] =	ssyncset.done $0x0  }
0x185: {  	[sflag:s6] =	ssyncadd.s32 $0xFFFFF800  }
0x186: {  	[spmem:s2] =	stream.indirect.scatter.add.f32 [tilespmem:s7], [sflag:$0x1], $0x10, s12, s8, $0xb8;
	[tilespmem:$0x4500] =	vst v63  }
0x187: {  	_ =	swait.ge [sflag:s6], $0x800  }
0x188: {  	[sflag:s6] =	ssyncset.done $0x0  }
0x189: {  	[sflag:s6] =	ssyncadd.s32 $0xFFFFF800  }
0x18a: {  	[spmem:s2] =	stream.indirect.scatter.add.f32 [tilespmem:s7], [sflag:$0x1], $0x10, s11, s8, $0xb8;
	[tilespmem:$0x4500] =	vst v63  }
0x18b: {  	_ =	swait.ge [sflag:s6], $0x800  }
0x18c: {  	[sflag:s6] =	ssyncset.done $0x0  }
0x18d: {  	[sflag:s6] =	ssyncadd.s32 $0xFFFFF800  }
0x18e: {  	[spmem:s2] =	stream.indirect.scatter.add.f32 [tilespmem:s7], [sflag:$0x1], $0x10, s10, s8, $0xb8;
	[tilespmem:$0x4500] =	vst v63  }
0x18f: {  	_ =	swait.ge [sflag:s6], $0x800  }
0x190: {  	[sflag:s6] =	ssyncset.done $0x0  }
0x191: {  	[sflag:s6] =	ssyncadd.s32 $0xFFFFF800  }
0x192: {  	_ =	swait.ge [sflag:s6], $0x800  }
0x193: {  	[sflag:s6] =	ssyncset.done $0x0  }
0x194: {  	[sflag:s6] =	ssyncadd.s32 $0xFFFFF800  }
0x195: {  	_ =	swait.ge [sflag:s6], $0x800  }
0x196: {  	[sflag:s6] =	ssyncset.done $0x0  }
0x197: {  	[sflag:s6] =	ssyncadd.s32 $0xFFFFF800  }
0x198: {  	_ =	swait.ge [sflag:s6], $0x800  }
0x199: {  	[sflag:s6] =	ssyncset.done $0x0  }
0x19a: {  	[sflag:s6] =	ssyncadd.s32 $0xFFFFF800  }
0x19b: {  	_ =	swait.ge [sflag:s6], $0x800  }
0x19c: {  	[sflag:s6] =	ssyncset.done $0x0  }
0x19d: {  	[sflag:s6] =	ssyncadd.s32 $0xFFFFF800  }
0x19e: {  	_ =	swait.ge [sflag:s6], $0x800  }
0x19f: {  	[sflag:s6] =	ssyncset.done $0x0  }
0x1a0: {  	p1 =	sne.s32 s0, $0x1;
	[sflag:s6] =	ssyncadd.s32 $0xFFFFF800  }
.Ltmp2:
0x1a1: {  	[bflag:$0x0] =	sbarrier.arrive $0xFFFF;
	(pc) =	sbr.rel @p1 .LBB2_4-.Ltmp2, $4  }
0x1a2: {  	s9 =	rddreg [dreg:$0x7]  }
0x1a3: {  	[hbm:s9], [sflag:s3] =	dma.local [spmem:s4], $0x500  }
0x1a4: {  	_ =	swait.ge [sflag:s5], $0x500  }
0x1a5: {  	s0 =	sadd.s32 $0xFFFFFFFF, s0;
	s1 =	rddreg [dreg:$0x5];
	[sflag:s5] =	ssyncset.done $0x0  }
0x1a6: {  	s10 =	simm.s32 $0xA80;
	s30 =	simm.s32 $0xB00;
	s29 =	simm.s32 $0xB80  }
0x1a7: {  	s28 =	simm.s32 $0xC00;
	s26 =	simm.s32 $0xC80;
	s25 =	simm.s32 $0xD00  }
0x1a8: {  	s24 =	simm.s32 $0xD80;
	s23 =	simm.s32 $0xE00;
	s22 =	simm.s32 $0xE80  }
0x1a9: {  	s21 =	simm.s32 $0xF00;
	s20 =	simm.s32 $0xF80;
	s19 =	simm.s32 $0x1000  }
0x1aa: {  	s18 =	simm.s32 $0x1080;
	s17 =	simm.s32 $0x1100;
	s16 =	simm.s32 $0x1200  }
0x1ab: {  	s15 =	simm.s32 $0x1180;
	s14 =	simm.s32 $0x1280;
	s13 =	simm.s32 $0x1300  }
0x1ac: {  	s12 =	simm.s32 $0x1380;
	s11 =	simm.s32 $0x1400;
	s9 =	rddreg [dreg:$0x3]  }
.LBB2_6:
0x1ad: {  	[sflag:s5] =	ssyncadd.s32 @p0 $0xFFFFFB00  }
0x1ae: {  	[spmem:s4], [sflag:s3] =	dma.local [hbm:s1], $0x500  }
0x1af: {  	_ =	swait.ge [sflag:s5], $0x500  }
0x1b0: {  	[sflag:s5] =	ssyncset.done $0x0  }
0x1b1: {  	s0 =	rddreg [dreg:$0x6];
	[sflag:s5] =	ssyncadd.s32 $0xFFFFFB00  }
0x1b2: {  	[tilespmem:s31], [sflag:$0x2] =	stream.linear.gather [hbm4b:s0+s31], $0x1500, $0x38;
	[tilespmem:$0x4500] =	vst v63  }
0x1b3: {  	_ =	swait.ge [sflag:s5], $0x1500  }
0x1b4: {  	[sflag:s5] =	ssyncset.done $0x0  }
0x1b5: {  	s1 =	rddreg [dreg:$0x4];
	[sflag:s5] =	ssyncadd.s32 $0xFFFFEB00  }
0x1b6: {  	[tilespmem:s7], [sflag:$0x2] =	stream.linear.gather [hbm4b:s1+s31], $0x800, $0x38;
	[tilespmem:$0x4500] =	vst v63  }
0x1b7: {  	_ =	swait.ge [sflag:s5], $0x800  }
0x1b8: {  	[sflag:s5] =	ssyncset.done $0x0  }
0x1b9: {  	[sflag:s5] =	ssyncadd.s32 $0xFFFFF800  }
0x1ba: {  	[bflag:$0x0] =	sbarrier.arrive $0xFFFF  }
0x1bb: {  	[spmem:s2] =	stream.indirect.scatter.add.f32 [tilespmem:s7], [sflag:$0x1], $0x10, s31, s8, $0xb8;
	[tilespmem:$0x4500] =	vst v63  }
0x1bc: {  	_ = 	snop  }
0x1bd: {  	[spmem:s2] =	stream.indirect.scatter.add.f32 [tilespmem:s7], [sflag:$0x1], $0x10, s8, s8, $0xb8;
	[tilespmem:$0x4500] =	vst v63  }
0x1be: {  	s1 =	rddreg [dreg:$0x8]  }
0x1bf: {  	[spmem:s2] =	stream.indirect.scatter.add.f32 [tilespmem:s7], [sflag:$0x1], $0x10, s1, s8, $0xb8;
	[tilespmem:$0x4500] =	vst v63  }
0x1c0: {  	s31 =	rddreg [dreg:$0x9]  }
0x1c1: {  	[spmem:s2] =	stream.indirect.scatter.add.f32 [tilespmem:s7], [sflag:$0x1], $0x10, s31, s8, $0xb8;
	[tilespmem:$0x4500] =	vst v63  }
0x1c2: {  	s0 =	rddreg [dreg:$0xa]  }
0x1c3: {  	[spmem:s2] =	stream.indirect.scatter.add.f32 [tilespmem:s7], [sflag:$0x1], $0x10, s0, s8, $0xb8;
	[tilespmem:$0x4500] =	vst v63  }
0x1c4: {  	s31 =	rddreg [dreg:$0xb]  }
0x1c5: {  	[spmem:s2] =	stream.indirect.scatter.add.f32 [tilespmem:s7], [sflag:$0x1], $0x10, s31, s8, $0xb8;
	[tilespmem:$0x4500] =	vst v63  }
0x1c6: {  	_ =	swait.ge [sflag:s6], $0x800  }
0x1c7: {  	[sflag:s6] =	ssyncset.done $0x0  }
0x1c8: {  	s1 =	rddreg [dreg:$0xc];
	[sflag:s6] =	ssyncadd.s32 $0xFFFFF800  }
0x1c9: {  	[spmem:s2] =	stream.indirect.scatter.add.f32 [tilespmem:s7], [sflag:$0x1], $0x10, s1, s8, $0xb8;
	[tilespmem:$0x4500] =	vst v63  }
0x1ca: {  	_ =	swait.ge [sflag:s6], $0x800  }
0x1cb: {  	[sflag:s6] =	ssyncset.done $0x0  }
0x1cc: {  	s31 =	rddreg [dreg:$0xd];
	[sflag:s6] =	ssyncadd.s32 $0xFFFFF800  }
0x1cd: {  	[spmem:s2] =	stream.indirect.scatter.add.f32 [tilespmem:s7], [sflag:$0x1], $0x10, s31, s8, $0xb8;
	[tilespmem:$0x4500] =	vst v63  }
0x1ce: {  	_ =	swait.ge [sflag:s6], $0x800  }
0x1cf: {  	[sflag:s6] =	ssyncset.done $0x0  }
0x1d0: {  	s1 =	rddreg [dreg:$0xe];
	[sflag:s6] =	ssyncadd.s32 $0xFFFFF800  }
0x1d1: {  	[spmem:s2] =	stream.indirect.scatter.add.f32 [tilespmem:s7], [sflag:$0x1], $0x10, s1, s8, $0xb8;
	[tilespmem:$0x4500] =	vst v63  }
0x1d2: {  	_ =	swait.ge [sflag:s6], $0x800  }
0x1d3: {  	[sflag:s6] =	ssyncset.done $0x0  }
0x1d4: {  	s31 =	rddreg [dreg:$0xf];
	[sflag:s6] =	ssyncadd.s32 $0xFFFFF800  }
0x1d5: {  	[spmem:s2] =	stream.indirect.scatter.add.f32 [tilespmem:s7], [sflag:$0x1], $0x10, s31, s8, $0xb8;
	[tilespmem:$0x4500] =	vst v63  }
0x1d6: {  	_ =	swait.ge [sflag:s6], $0x800  }
0x1d7: {  	[sflag:s6] =	ssyncset.done $0x0  }
0x1d8: {  	s1 =	rddreg [dreg:$0x10];
	[sflag:s6] =	ssyncadd.s32 $0xFFFFF800  }
0x1d9: {  	[spmem:s2] =	stream.indirect.scatter.add.f32 [tilespmem:s7], [sflag:$0x1], $0x10, s1, s8, $0xb8;
	[tilespmem:$0x4500] =	vst v63  }
0x1da: {  	_ =	swait.ge [sflag:s6], $0x800  }
0x1db: {  	[sflag:s6] =	ssyncset.done $0x0  }
0x1dc: {  	s31 =	rddreg [dreg:$0x11];
	[sflag:s6] =	ssyncadd.s32 $0xFFFFF800  }
0x1dd: {  	[spmem:s2] =	stream.indirect.scatter.add.f32 [tilespmem:s7], [sflag:$0x1], $0x10, s31, s8, $0xb8;
	[tilespmem:$0x4500] =	vst v63  }
0x1de: {  	_ =	swait.ge [sflag:s6], $0x800  }
0x1df: {  	[sflag:s6] =	ssyncset.done $0x0  }
0x1e0: {  	s1 =	rddreg [dreg:$0x12];
	[sflag:s6] =	ssyncadd.s32 $0xFFFFF800  }
0x1e1: {  	[spmem:s2] =	stream.indirect.scatter.add.f32 [tilespmem:s7], [sflag:$0x1], $0x10, s1, s8, $0xb8;
	[tilespmem:$0x4500] =	vst v63  }
0x1e2: {  	_ =	swait.ge [sflag:s6], $0x800  }
0x1e3: {  	[sflag:s6] =	ssyncset.done $0x0  }
0x1e4: {  	s31 =	rddreg [dreg:$0x13];
	[sflag:s6] =	ssyncadd.s32 $0xFFFFF800  }
0x1e5: {  	[spmem:s2] =	stream.indirect.scatter.add.f32 [tilespmem:s7], [sflag:$0x1], $0x10, s31, s8, $0xb8;
	[tilespmem:$0x4500] =	vst v63  }
0x1e6: {  	_ =	swait.ge [sflag:s6], $0x800  }
0x1e7: {  	[sflag:s6] =	ssyncset.done $0x0  }
0x1e8: {  	s1 =	rddreg [dreg:$0x14];
	[sflag:s6] =	ssyncadd.s32 $0xFFFFF800  }
0x1e9: {  	[spmem:s2] =	stream.indirect.scatter.add.f32 [tilespmem:s7], [sflag:$0x1], $0x10, s1, s8, $0xb8;
	[tilespmem:$0x4500] =	vst v63  }
0x1ea: {  	_ =	swait.ge [sflag:s6], $0x800  }
0x1eb: {  	[sflag:s6] =	ssyncset.done $0x0  }
0x1ec: {  	s31 =	rddreg [dreg:$0x15];
	[sflag:s6] =	ssyncadd.s32 $0xFFFFF800  }
0x1ed: {  	[spmem:s2] =	stream.indirect.scatter.add.f32 [tilespmem:s7], [sflag:$0x1], $0x10, s31, s8, $0xb8;
	[tilespmem:$0x4500] =	vst v63  }
0x1ee: {  	_ =	swait.ge [sflag:s6], $0x800  }
0x1ef: {  	[sflag:s6] =	ssyncset.done $0x0  }
0x1f0: {  	s1 =	rddreg [dreg:$0x16];
	[sflag:s6] =	ssyncadd.s32 $0xFFFFF800  }
0x1f1: {  	[spmem:s2] =	stream.indirect.scatter.add.f32 [tilespmem:s7], [sflag:$0x1], $0x10, s1, s8, $0xb8;
	[tilespmem:$0x4500] =	vst v63  }
0x1f2: {  	_ =	swait.ge [sflag:s6], $0x800  }
0x1f3: {  	[sflag:s6] =	ssyncset.done $0x0  }
0x1f4: {  	s31 =	rddreg [dreg:$0x17];
	[sflag:s6] =	ssyncadd.s32 $0xFFFFF800  }
0x1f5: {  	[spmem:s2] =	stream.indirect.scatter.add.f32 [tilespmem:s7], [sflag:$0x1], $0x10, s31, s8, $0xb8;
	[tilespmem:$0x4500] =	vst v63  }
0x1f6: {  	_ =	swait.ge [sflag:s6], $0x800  }
0x1f7: {  	[sflag:s6] =	ssyncset.done $0x0  }
0x1f8: {  	s1 =	rddreg [dreg:$0x18];
	[sflag:s6] =	ssyncadd.s32 $0xFFFFF800  }
0x1f9: {  	[spmem:s2] =	stream.indirect.scatter.add.f32 [tilespmem:s7], [sflag:$0x1], $0x10, s1, s8, $0xb8;
	[tilespmem:$0x4500] =	vst v63  }
0x1fa: {  	_ =	swait.ge [sflag:s6], $0x800  }
0x1fb: {  	[sflag:s6] =	ssyncset.done $0x0  }
0x1fc: {  	s31 =	rddreg [dreg:$0x19];
	[sflag:s6] =	ssyncadd.s32 $0xFFFFF800  }
0x1fd: {  	[spmem:s2] =	stream.indirect.scatter.add.f32 [tilespmem:s7], [sflag:$0x1], $0x10, s31, s8, $0xb8;
	[tilespmem:$0x4500] =	vst v63  }
0x1fe: {  	_ =	swait.ge [sflag:s6], $0x800  }
0x1ff: {  	[sflag:s6] =	ssyncset.done $0x0  }
0x200: {  	s1 =	rddreg [dreg:$0x1a];
	[sflag:s6] =	ssyncadd.s32 $0xFFFFF800  }
0x201: {  	[spmem:s2] =	stream.indirect.scatter.add.f32 [tilespmem:s7], [sflag:$0x1], $0x10, s1, s8, $0xb8;
	[tilespmem:$0x4500] =	vst v63  }
0x202: {  	_ =	swait.ge [sflag:s6], $0x800  }
0x203: {  	[sflag:s6] =	ssyncset.done $0x0  }
0x204: {  	[sflag:s6] =	ssyncadd.s32 $0xFFFFF800  }
0x205: {  	[spmem:s2] =	stream.indirect.scatter.add.f32 [tilespmem:s7], [sflag:$0x1], $0x10, s10, s8, $0xb8;
	[tilespmem:$0x4500] =	vst v63  }
0x206: {  	_ =	swait.ge [sflag:s6], $0x800  }
0x207: {  	[sflag:s6] =	ssyncset.done $0x0  }
0x208: {  	[sflag:s6] =	ssyncadd.s32 $0xFFFFF800  }
0x209: {  	[spmem:s2] =	stream.indirect.scatter.add.f32 [tilespmem:s7], [sflag:$0x1], $0x10, s30, s8, $0xb8;
	[tilespmem:$0x4500] =	vst v63  }
0x20a: {  	_ =	swait.ge [sflag:s6], $0x800  }
0x20b: {  	[sflag:s6] =	ssyncset.done $0x0  }
0x20c: {  	[sflag:s6] =	ssyncadd.s32 $0xFFFFF800  }
0x20d: {  	[spmem:s2] =	stream.indirect.scatter.add.f32 [tilespmem:s7], [sflag:$0x1], $0x10, s29, s8, $0xb8;
	[tilespmem:$0x4500] =	vst v63  }
0x20e: {  	_ =	swait.ge [sflag:s6], $0x800  }
0x20f: {  	[sflag:s6] =	ssyncset.done $0x0  }
0x210: {  	[sflag:s6] =	ssyncadd.s32 $0xFFFFF800  }
0x211: {  	[spmem:s2] =	stream.indirect.scatter.add.f32 [tilespmem:s7], [sflag:$0x1], $0x10, s28, s8, $0xb8;
	[tilespmem:$0x4500] =	vst v63  }
0x212: {  	_ =	swait.ge [sflag:s6], $0x800  }
0x213: {  	[sflag:s6] =	ssyncset.done $0x0  }
0x214: {  	[sflag:s6] =	ssyncadd.s32 $0xFFFFF800  }
0x215: {  	[spmem:s2] =	stream.indirect.scatter.add.f32 [tilespmem:s7], [sflag:$0x1], $0x10, s26, s8, $0xb8;
	[tilespmem:$0x4500] =	vst v63  }
0x216: {  	_ =	swait.ge [sflag:s6], $0x800  }
0x217: {  	[sflag:s6] =	ssyncset.done $0x0  }
0x218: {  	[sflag:s6] =	ssyncadd.s32 $0xFFFFF800  }
0x219: {  	[spmem:s2] =	stream.indirect.scatter.add.f32 [tilespmem:s7], [sflag:$0x1], $0x10, s25, s8, $0xb8;
	[tilespmem:$0x4500] =	vst v63  }
0x21a: {  	_ =	swait.ge [sflag:s6], $0x800  }
0x21b: {  	[sflag:s6] =	ssyncset.done $0x0  }
0x21c: {  	[sflag:s6] =	ssyncadd.s32 $0xFFFFF800  }
0x21d: {  	[spmem:s2] =	stream.indirect.scatter.add.f32 [tilespmem:s7], [sflag:$0x1], $0x10, s24, s8, $0xb8;
	[tilespmem:$0x4500] =	vst v63  }
0x21e: {  	_ =	swait.ge [sflag:s6], $0x800  }
0x21f: {  	[sflag:s6] =	ssyncset.done $0x0  }
0x220: {  	[sflag:s6] =	ssyncadd.s32 $0xFFFFF800  }
0x221: {  	[spmem:s2] =	stream.indirect.scatter.add.f32 [tilespmem:s7], [sflag:$0x1], $0x10, s23, s8, $0xb8;
	[tilespmem:$0x4500] =	vst v63  }
0x222: {  	_ =	swait.ge [sflag:s6], $0x800  }
0x223: {  	[sflag:s6] =	ssyncset.done $0x0  }
0x224: {  	[sflag:s6] =	ssyncadd.s32 $0xFFFFF800  }
0x225: {  	[spmem:s2] =	stream.indirect.scatter.add.f32 [tilespmem:s7], [sflag:$0x1], $0x10, s22, s8, $0xb8;
	[tilespmem:$0x4500] =	vst v63  }
0x226: {  	_ =	swait.ge [sflag:s6], $0x800  }
0x227: {  	[sflag:s6] =	ssyncset.done $0x0  }
0x228: {  	[sflag:s6] =	ssyncadd.s32 $0xFFFFF800  }
0x229: {  	[spmem:s2] =	stream.indirect.scatter.add.f32 [tilespmem:s7], [sflag:$0x1], $0x10, s21, s8, $0xb8;
	[tilespmem:$0x4500] =	vst v63  }
0x22a: {  	_ =	swait.ge [sflag:s6], $0x800  }
0x22b: {  	[sflag:s6] =	ssyncset.done $0x0  }
0x22c: {  	[sflag:s6] =	ssyncadd.s32 $0xFFFFF800  }
0x22d: {  	[spmem:s2] =	stream.indirect.scatter.add.f32 [tilespmem:s7], [sflag:$0x1], $0x10, s20, s8, $0xb8;
	[tilespmem:$0x4500] =	vst v63  }
0x22e: {  	_ =	swait.ge [sflag:s6], $0x800  }
0x22f: {  	[sflag:s6] =	ssyncset.done $0x0  }
0x230: {  	[sflag:s6] =	ssyncadd.s32 $0xFFFFF800  }
0x231: {  	[spmem:s2] =	stream.indirect.scatter.add.f32 [tilespmem:s7], [sflag:$0x1], $0x10, s19, s8, $0xb8;
	[tilespmem:$0x4500] =	vst v63  }
0x232: {  	_ =	swait.ge [sflag:s6], $0x800  }
0x233: {  	[sflag:s6] =	ssyncset.done $0x0  }
0x234: {  	[sflag:s6] =	ssyncadd.s32 $0xFFFFF800  }
0x235: {  	[spmem:s2] =	stream.indirect.scatter.add.f32 [tilespmem:s7], [sflag:$0x1], $0x10, s18, s8, $0xb8;
	[tilespmem:$0x4500] =	vst v63  }
0x236: {  	_ =	swait.ge [sflag:s6], $0x800  }
0x237: {  	[sflag:s6] =	ssyncset.done $0x0  }
0x238: {  	[sflag:s6] =	ssyncadd.s32 $0xFFFFF800  }
0x239: {  	[spmem:s2] =	stream.indirect.scatter.add.f32 [tilespmem:s7], [sflag:$0x1], $0x10, s17, s8, $0xb8;
	[tilespmem:$0x4500] =	vst v63  }
0x23a: {  	_ =	swait.ge [sflag:s6], $0x800  }
0x23b: {  	[sflag:s6] =	ssyncset.done $0x0  }
0x23c: {  	[sflag:s6] =	ssyncadd.s32 $0xFFFFF800  }
0x23d: {  	[spmem:s2] =	stream.indirect.scatter.add.f32 [tilespmem:s7], [sflag:$0x1], $0x10, s15, s8, $0xb8;
	[tilespmem:$0x4500] =	vst v63  }
0x23e: {  	_ =	swait.ge [sflag:s6], $0x800  }
0x23f: {  	[sflag:s6] =	ssyncset.done $0x0  }
0x240: {  	[sflag:s6] =	ssyncadd.s32 $0xFFFFF800  }
0x241: {  	[spmem:s2] =	stream.indirect.scatter.add.f32 [tilespmem:s7], [sflag:$0x1], $0x10, s16, s8, $0xb8;
	[tilespmem:$0x4500] =	vst v63  }
0x242: {  	_ =	swait.ge [sflag:s6], $0x800  }
0x243: {  	[sflag:s6] =	ssyncset.done $0x0  }
0x244: {  	[sflag:s6] =	ssyncadd.s32 $0xFFFFF800  }
0x245: {  	[spmem:s2] =	stream.indirect.scatter.add.f32 [tilespmem:s7], [sflag:$0x1], $0x10, s14, s8, $0xb8;
	[tilespmem:$0x4500] =	vst v63  }
0x246: {  	_ =	swait.ge [sflag:s6], $0x800  }
0x247: {  	[sflag:s6] =	ssyncset.done $0x0  }
0x248: {  	[sflag:s6] =	ssyncadd.s32 $0xFFFFF800  }
0x249: {  	[spmem:s2] =	stream.indirect.scatter.add.f32 [tilespmem:s7], [sflag:$0x1], $0x10, s13, s8, $0xb8;
	[tilespmem:$0x4500] =	vst v63  }
0x24a: {  	_ =	swait.ge [sflag:s6], $0x800  }
0x24b: {  	[sflag:s6] =	ssyncset.done $0x0  }
0x24c: {  	[sflag:s6] =	ssyncadd.s32 $0xFFFFF800  }
0x24d: {  	[spmem:s2] =	stream.indirect.scatter.add.f32 [tilespmem:s7], [sflag:$0x1], $0x10, s12, s8, $0xb8;
	[tilespmem:$0x4500] =	vst v63  }
0x24e: {  	_ =	swait.ge [sflag:s6], $0x800  }
0x24f: {  	[sflag:s6] =	ssyncset.done $0x0  }
0x250: {  	[sflag:s6] =	ssyncadd.s32 $0xFFFFF800  }
0x251: {  	[spmem:s2] =	stream.indirect.scatter.add.f32 [tilespmem:s7], [sflag:$0x1], $0x10, s11, s8, $0xb8;
	[tilespmem:$0x4500] =	vst v63  }
0x252: {  	_ =	swait.ge [sflag:s6], $0x800  }
0x253: {  	[sflag:s6] =	ssyncset.done $0x0  }
0x254: {  	s29 =	simm.s32 $0x1480;
	[sflag:s6] =	ssyncadd.s32 $0xFFFFF800  }
0x255: {  	[spmem:s2] =	stream.indirect.scatter.add.f32 [tilespmem:s7], [sflag:$0x1], $0x10, s29, s8, $0xb8;
	[tilespmem:$0x4500] =	vst v63  }
0x256: {  	_ =	swait.ge [sflag:s6], $0x800  }
0x257: {  	[sflag:s6] =	ssyncset.done $0x0  }
0x258: {  	[sflag:s6] =	ssyncadd.s32 $0xFFFFF800  }
0x259: {  	_ =	swait.ge [sflag:s6], $0x800  }
0x25a: {  	[sflag:s6] =	ssyncset.done $0x0  }
0x25b: {  	[sflag:s6] =	ssyncadd.s32 $0xFFFFF800  }
0x25c: {  	_ =	swait.ge [sflag:s6], $0x800  }
0x25d: {  	[sflag:s6] =	ssyncset.done $0x0  }
0x25e: {  	[sflag:s6] =	ssyncadd.s32 $0xFFFFF800  }
0x25f: {  	_ =	swait.ge [sflag:s6], $0x800  }
0x260: {  	[sflag:s6] =	ssyncset.done $0x0  }
0x261: {  	[sflag:s6] =	ssyncadd.s32 $0xFFFFF800  }
0x262: {  	_ =	swait.ge [sflag:s6], $0x800  }
0x263: {  	[sflag:s6] =	ssyncset.done $0x0  }
0x264: {  	[sflag:s6] =	ssyncadd.s32 $0xFFFFF800  }
0x265: {  	_ =	swait.ge [sflag:s6], $0x800  }
0x266: {  	[sflag:s6] =	ssyncset.done $0x0  }
0x267: {  	[sflag:s6] =	ssyncadd.s32 $0xFFFFF800  }
0x268: {  	[bflag:$0x0] =	sbarrier.arrive $0xFFFF  }
0x269: {  	s30 =	rddreg [dreg:$0x7]  }
0x26a: {  	[hbm:s30], [sflag:s3] =	dma.local [spmem:s4], $0x500  }
0x26b: {  	_ =	swait.ge [sflag:s5], $0x500  }
0x26c: {  	[sflag:s5] =	ssyncset.done $0x0  }
0x26d: {  	[sflag:s5] =	ssyncadd.s32 $0xFFFFFB00  }
0x26e: {  	_ =	sfence.sel $0x180000  }
0x26f: {  	s31 =	stileid.u32;
	[bflag:$0x0] =	sbarrier.arrive $0xFFFF  }
0x270: {  	p0 =	sne.s32 s31, $0x0;
	_ =	strace $0x90000047  }
0x271: {  	s0 =	sadd.s32 @!p0 $0x100000, s9;
	[bflag:$0x2] =	sbarrier.arrive $0xFFFF  }
0x272: {  	[sflag:s0] =	ssyncadd.tile.s32 @!p0 $0x1;
	_ =	shalt  }
.LBB2_1:
0x273: {  	s10 =	simm.s32 $0xA80;
	s30 =	simm.s32 $0xB00;
	s29 =	simm.s32 $0xB80  }
0x274: {  	s28 =	simm.s32 $0xC00;
	s26 =	simm.s32 $0xC80;
	s25 =	simm.s32 $0xD00  }
.Ltmp3:
0x275: {  	s24 =	simm.s32 $0xD80;
	s23 =	simm.s32 $0xE00;
	(pc) =	sbr.rel .LBB2_6-.Ltmp3, $4  }
0x276: {  	s22 =	simm.s32 $0xE80;
	s21 =	simm.s32 $0xF00;
	s20 =	simm.s32 $0xF80  }
0x277: {  	s19 =	simm.s32 $0x1000;
	s18 =	simm.s32 $0x1080;
	s17 =	simm.s32 $0x1100  }
0x278: {  	s16 =	simm.s32 $0x1200;
	s15 =	simm.s32 $0x1180;
	s14 =	simm.s32 $0x1280  }
0x279: {  	s13 =	simm.s32 $0x1300;
	s12 =	simm.s32 $0x1380;
	s11 =	simm.s32 $0x1400  }
.LBB2_3:
0x27a: {  	s10 =	simm.s32 $0xA80  }
0x27b: {  	s30 =	simm.s32 $0xB00;
	s29 =	simm.s32 $0xB80;
	s28 =	simm.s32 $0xC00  }
0x27c: {  	s26 =	simm.s32 $0xC80;
	s25 =	simm.s32 $0xD00;
	s24 =	simm.s32 $0xD80  }
.Ltmp4:
0x27d: {  	s23 =	simm.s32 $0xE00;
	s22 =	simm.s32 $0xE80;
	(pc) =	sbr.rel .LBB2_6-.Ltmp4, $4  }
0x27e: {  	s21 =	simm.s32 $0xF00;
	s20 =	simm.s32 $0xF80;
	s19 =	simm.s32 $0x1000  }
0x27f: {  	s18 =	simm.s32 $0x1080;
	s17 =	simm.s32 $0x1100;
	s16 =	simm.s32 $0x1200  }
0x280: {  	s15 =	simm.s32 $0x1180;
	s14 =	simm.s32 $0x1280;
	s13 =	simm.s32 $0x1300  }
0x281: {  	s12 =	simm.s32 $0x1380;
	s11 =	simm.s32 $0x1400;
	s9 =	rddreg [dreg:$0x3]  }
.Lfunc_end2:
_tile_overlayer_lowered:
.L_overlay_start_2:
0x282: {  	(tag) =	ssettag $0x2  }
0x283: {  	s0 =	rddreg [dreg:$0x0];
	s2 =	stileid.u32  }
0x284: {  	s1 =	rddreg [dreg:$0x1];
	p0 =	sne.s32 s2, $0x0  }
0x285: {  	s3 =	rddreg [dreg:$0x2];
	[bflag:$0x3] =	sbarrier.arrive $0xFFFF;
	s2 =	simm.s32 @!p0 $0x1C02  }
0x286: {  	[timem:s3], [sflag:s2] =	dma.local @!p0 [hbm:s0], s1  }
0x287: {  	s0 =	simm.s32 @!p0 $0x2  }
0x288: {  	_ =	swait.ge @!p0 [sflag:s0], s1  }
0x289: {  	s1 =	ssub.s32 @!p0 $0x0, s1;
	[sflag:s0] =	ssyncset.done @!p0 $0x0  }
0x28a: {  	[sflag:s0] =	ssyncadd.s32 @!p0 s1  }
0x28b: {  	[bflag:$0x3] =	sbarrier.arrive $0xFFFF  }
0x28c: {  	_ =	shalt  }

</sc_bundles>
